<compile_context>
chip_gen: v7x
topology: tpu7x:2x2x1
jax: 0.10.2.dev20260603
libtpu: 0.0.44.dev20260713+nightly
codegen_flags: <defaults>
</compile_context>

<pallas_src>
import functools

import jax
import jax.numpy as jnp
from jax import lax
from jax.experimental import pallas as pl
from jax.experimental.pallas import tpu as pltpu
from jax.experimental.pallas import tpu_sc as plsc

_RATE = 0.75
_MIN32 = -(2**31)


def _sc_body(
    k, h, w, rows,
    imp_hbm, mask_hbm, cnt_hbm,
    buf0, buf1, ob0, ob1, hist, cbuf,
    si0, si1, so0, so1,
):
    b = lax.axis_index("s") * 2 + lax.axis_index("c")
    lane = lax.iota(jnp.int32, 16)
    ones = jnp.ones((16,), jnp.int32)
    nch = h // rows
    npair = nch // 2
    nvec = rows * w // 16
    vrow = w // 16

    def in_copy(c, buf, sem):
        return pltpu.async_copy(
            imp_hbm.at[b, pl.ds(c * rows, rows), :], buf, sem
        )

    def in_wait(c, buf, sem):
        pltpu.make_async_copy(
            imp_hbm.at[b, pl.ds(c * rows, rows), :], buf, sem
        ).wait()

    def keys_at(buf, j):
        x = buf[j // vrow, pl.ds((j % vrow) * 16, 16)]
        i32 = lax.bitcast_convert_type(x, jnp.int32)
        return i32 ^ ((i32 >> 31) & jnp.int32(0x7FFFFFFF))

    def ukeys_at(buf, j):
        x = buf[j // vrow, pl.ds((j % vrow) * 16, 16)]
        i32 = lax.bitcast_convert_type(x, jnp.int32)
        return i32 ^ ((i32 >> 31) | jnp.int32(_MIN32))

    prefix = jnp.int32(0)
    k_rem = jnp.int32(k)
    for p, (shift_b, nbits, prior_shift) in enumerate(
        [(21, 11, None), (10, 11, 21), (0, 10, 10)]
    ):
        nbins = 1 << nbits

        def zero_body(i, _):
            hist[i >> 3, pl.ds((i & 7) * 16, 16)] = jnp.zeros((16,), jnp.int32)
            return 0

        lax.fori_loop(0, nbins, zero_body, 0, unroll=8)

        def hist_chunk(buf):
            @plsc.parallel_loop(0, nvec, unroll=8)
            def _(j, buf=buf, shift_b=shift_b, nbins=nbins, prior_shift=prior_shift):
                ukey = ukeys_at(buf, j)
                if shift_b:
                    bucket = lax.shift_right_logical(ukey, shift_b) & (nbins - 1)
                else:
                    bucket = ukey & (nbins - 1)
                hrow = lax.shift_right_logical(bucket, 3)
                hcol = ((bucket & 7) << 4) | lane
                if prior_shift is None:
                    plsc.addupdate_scatter(hist, [hrow, hcol], ones)
                else:
                    hi = lax.shift_right_logical(ukey, prior_shift)
                    plsc.addupdate_scatter(
                        hist, [hrow, hcol], ones, mask=hi == prefix
                    )

        if p == 0:
            in_copy(0, buf0, si0)

        def pair_body(g, _):
            c0 = g * 2
            in_copy(c0 + 1, buf1, si1)
            in_wait(c0, buf0, si0)
            hist_chunk(buf0)

            @pl.when(g + 1 < npair)
            def _():
                in_copy(c0 + 2, buf0, si0)

            in_wait(c0 + 1, buf1, si1)
            hist_chunk(buf1)
            return 0

        lax.fori_loop(0, npair, pair_body, 0)
        in_copy(0, buf0, si0)

        def scan_body(i, carry, nbins=nbins):
            cum, bstar, cabove = carry
            bi = nbins - 1 - i
            s = jnp.sum(hist[bi >> 3, pl.ds((bi & 7) * 16, 16)])
            newcum = cum + s
            hit = (cum < k_rem) & (newcum >= k_rem)
            return (
                newcum,
                jnp.where(hit, bi, bstar),
                jnp.where(hit, cum, cabove),
            )

        _, bstar, cabove = plsc.parallel_loop(
            0, nbins, unroll=4,
            carry=(jnp.int32(0), jnp.int32(0), jnp.int32(0)),
        )(scan_body)
        prefix = (prefix << nbits) | bstar
        k_rem = k_rem - cabove

    t_key = prefix ^ jnp.int32(_MIN32)
    need = k_rem

    def mask_chunk(buf, ob, carry):
        def mask_body(j, carry, buf=buf, ob=ob):
            rank_c, cnt_c = carry
            key = keys_at(buf, j)
            gt = key > t_key
            tie = key == t_key
            cs = plsc.cumsum(jnp.where(tie, jnp.int32(1), jnp.int32(0)))
            keep = gt | (tie & ((cs + rank_c) <= need))
            ob[j // vrow, pl.ds((j % vrow) * 16, 16)] = jnp.where(
                keep, jnp.float32(1.0), jnp.float32(0.0)
            )
            return (
                rank_c + plsc.all_reduce_population_count(tie),
                cnt_c + plsc.all_reduce_population_count(keep),
            )

        return plsc.parallel_loop(0, nvec, unroll=8, carry=carry)(mask_body)

    def out_copy(c, ob, sem):
        return pltpu.async_copy(
            ob, mask_hbm.at[b, pl.ds(c * rows, rows), :], sem
        )

    def out_wait(c, ob, sem):
        pltpu.make_async_copy(
            ob, mask_hbm.at[b, pl.ds(c * rows, rows), :], sem
        ).wait()

    def mask_pair_body(g, carry):
        c0 = g * 2
        in_copy(c0 + 1, buf1, si1)
        in_wait(c0, buf0, si0)

        @pl.when(g >= 1)
        def _():
            out_wait(c0 - 2, ob0, so0)

        carry = mask_chunk(buf0, ob0, carry)
        out_copy(c0, ob0, so0)

        @pl.when(g + 1 < npair)
        def _():
            in_copy(c0 + 2, buf0, si0)

        in_wait(c0 + 1, buf1, si1)

        @pl.when(g >= 1)
        def _():
            out_wait(c0 - 1, ob1, so1)

        carry = mask_chunk(buf1, ob1, carry)
        out_copy(c0 + 1, ob1, so1)
        return carry

    rank_c, cnt_c = lax.fori_loop(
        0, npair, mask_pair_body,
        (jnp.zeros((16,), jnp.int32), jnp.zeros((16,), jnp.int32)),
    )
    out_wait(nch - 2, ob0, so0)
    out_wait(nch - 1, ob1, so1)

    cbuf[pl.ds(0, 16)] = cnt_c.astype(jnp.float32)
    pltpu.sync_copy(cbuf, cnt_hbm.at[b])


@jax.jit
def kernel(imp):
    B, H, W = imp.shape
    n = H * W
    k = max(1, int(_RATE * n))
    rows = 16384 // W
    mesh = plsc.VectorSubcoreMesh(core_axis_name="c", subcore_axis_name="s")
    sc_call = pl.kernel(
        functools.partial(_sc_body, k, H, W, rows),
        out_type=[
            jax.ShapeDtypeStruct((B, H, W), jnp.float32),
            jax.ShapeDtypeStruct((B, 16), jnp.float32),
        ],
        mesh=mesh,
        compiler_params=pltpu.CompilerParams(
            needs_layout_passes=False, use_tc_tiling_on_sc=True
        ),
        scratch_types=[
            pltpu.VMEM((rows, W), jnp.float32),
            pltpu.VMEM((rows, W), jnp.float32),
            pltpu.VMEM((rows, W), jnp.float32),
            pltpu.VMEM((rows, W), jnp.float32),
            pltpu.VMEM((256, 128), jnp.int32),
            pltpu.VMEM((16,), jnp.float32),
            pltpu.SemaphoreType.DMA,
            pltpu.SemaphoreType.DMA,
            pltpu.SemaphoreType.DMA,
            pltpu.SemaphoreType.DMA,
        ],
    )
    mask3d, cnt = sc_call(imp)
    mean = jnp.sum(cnt[:, 0]) / jnp.float32(B * n)
    return mask3d[:, None, :, :], mean

# --- scband reference (transcript-rebuilt; emitter-appended) ---
"""Pipeline reference for scband-learned-block-mask-16879221473313 (READ-ONLY COPY).

The authoritative reference and input builder live on the scoring server;
editing this copy changes nothing except your own understanding.
"""

import jax, jax.numpy as jnp
import numpy as np

RATE = 0.75

def setup_inputs(seed: int = 0) -> dict:
    key = jax.random.key(seed)
    imp = jax.random.normal(key, (32, 512, 512), dtype=jnp.float32)
    return {"imp": imp}

def reference(imp):
    B, H, W = imp.shape
    k = max(1, int(RATE * H * W))
    flat = imp.reshape(B, -1)
    _, idx = jax.lax.top_k(flat, k)
    m = jnp.zeros_like(flat)
    m = m.at[jnp.arange(B)[:, None], idx].set(1.0)
    mask = m.reshape(B, H, W)[:, None, :, :]
    return (mask, m.reshape(B, H, W).mean())

if __name__ == "__main__":
    import jax
    _d = setup_inputs()
    print(jax.jit(kernel)(*tuple(_d.values())))

</pallas_src>

<mosaic_0001>
#map = affine_map<(d0, d1) -> (0, 0, 0)>
#map1 = affine_map<(d0, d1) -> (0, 0)>
module attributes {stable_mosaic.version = 14 : i64} {
  func.func @_sc_body(%arg0: i32, %arg1: i32, %arg2: memref<32x512x512xf32, #tpu.memory_space<hbm>>, %arg3: memref<32x512x512xf32, #tpu.memory_space<hbm>>, %arg4: memref<32x16xf32, #tpu.memory_space<hbm>>, %arg5: memref<32x512xf32, #tpu.memory_space<vmem>>, %arg6: memref<32x512xf32, #tpu.memory_space<vmem>>, %arg7: memref<32x512xf32, #tpu.memory_space<vmem>>, %arg8: memref<32x512xf32, #tpu.memory_space<vmem>>, %arg9: memref<256x128xi32, #tpu.memory_space<vmem>>, %arg10: memref<16xf32, #tpu.memory_space<vmem>>, %arg11: memref<!tpu.dma_semaphore, #tpu.memory_space<semaphore_mem>>, %arg12: memref<!tpu.dma_semaphore, #tpu.memory_space<semaphore_mem>>, %arg13: memref<!tpu.dma_semaphore, #tpu.memory_space<semaphore_mem>>, %arg14: memref<!tpu.dma_semaphore, #tpu.memory_space<semaphore_mem>>) attributes {dimension_semantics = [#tpu.dimension_semantics<core_parallel>, #tpu.dimension_semantics<subcore_parallel>], iteration_bounds = array<i64: 2, 16>, scalar_prefetch = 0 : i64, scratch_operands = 10 : i64, tpu.core_type = #tpu.core_type<sc_vector_subcore>, window_params = [{transform_indices = #map}, {transform_indices = #map}, {transform_indices = #map1}]} {
    %mul3A = arith.constant 2 : i32
    %mul3A_0 = arith.muli %arg1, %mul3A : i32
    %add3A = arith.addi %mul3A_0, %arg0 : i32
    %iota3A = tpu.iota {dimensions = array<i32: 0>} : vector<16xi32>
    %broadcast_in_dim3A = arith.constant 1 : i32
    %broadcast_in_dim3A_1 = vector.broadcast %broadcast_in_dim3A : i32 to vector<16xi32>
    %scan3A = arith.constant 0 : i32
    %scan3A_2 = arith.constant 0 : i32
    %scan3A_3 = arith.constant 2048 : i32
    %scan3A_4 = arith.addi %scan3A_2, %scan3A_3 : i32
    %scan3A_5 = arith.constant 8 : i32
    %scan3A_6 = scf.for %scan3A_133 = %scan3A_2 to %scan3A_4 step %scan3A_5 iter_args(%scan3A_134 = %scan3A) -> (i32)  : i32 {
      %broadcast_in_dim3A_135 = arith.constant 0 : i32
      %broadcast_in_dim3A_136 = vector.broadcast %broadcast_in_dim3A_135 : i32 to vector<16xi32>
      %shift_right_arithmetic3A = arith.constant 3 : i32
      %shift_right_arithmetic3A_137 = arith.shrsi %scan3A_133, %shift_right_arithmetic3A : i32
      %and3A = arith.constant 7 : i32
      %and3A_138 = arith.andi %scan3A_133, %and3A : i32
      %mul3A_139 = arith.constant 16 : i32
      %mul3A_140 = arith.muli %and3A_138, %mul3A_139 : i32
      %swap3A_141 = arith.index_cast %shift_right_arithmetic3A_137 : i32 to index
      %swap3A_142 = arith.index_cast %mul3A_140 : i32 to index
      %swap3A_143 = tpu.vector_load %arg9[%swap3A_141, %swap3A_142] {strides = array<i32>} : memref<256x128xi32, #tpu.memory_space<vmem>>, vector<16xi32>,
      tpu.vector_store %arg9[%swap3A_141, %swap3A_142], %broadcast_in_dim3A_136 {strides = array<i32>} : memref<256x128xi32, #tpu.memory_space<vmem>>, vector<16xi32>,
      %scan3A_144 = arith.constant 0 : i32
      %scan3A_145 = arith.constant 1 : i32
      %scan3A_146 = arith.addi %scan3A_133, %scan3A_145 : i32
      %broadcast_in_dim3A_147 = arith.constant 0 : i32
      %broadcast_in_dim3A_148 = vector.broadcast %broadcast_in_dim3A_147 : i32 to vector<16xi32>
      %shift_right_arithmetic3A_149 = arith.constant 3 : i32
      %shift_right_arithmetic3A_150 = arith.shrsi %scan3A_146, %shift_right_arithmetic3A_149 : i32
      %and3A_151 = arith.constant 7 : i32
      %and3A_152 = arith.andi %scan3A_146, %and3A_151 : i32
      %mul3A_153 = arith.constant 16 : i32
      %mul3A_154 = arith.muli %and3A_152, %mul3A_153 : i32
      %swap3A_155 = arith.index_cast %shift_right_arithmetic3A_150 : i32 to index
      %swap3A_156 = arith.index_cast %mul3A_154 : i32 to index
      %swap3A_157 = tpu.vector_load %arg9[%swap3A_155, %swap3A_156] {strides = array<i32>} : memref<256x128xi32, #tpu.memory_space<vmem>>, vector<16xi32>,
      tpu.vector_store %arg9[%swap3A_155, %swap3A_156], %broadcast_in_dim3A_148 {strides = array<i32>} : memref<256x128xi32, #tpu.memory_space<vmem>>, vector<16xi32>,
      %scan3A_158 = arith.constant 0 : i32
      %scan3A_159 = arith.constant 2 : i32
      %scan3A_160 = arith.addi %scan3A_133, %scan3A_159 : i32
      %broadcast_in_dim3A_161 = arith.constant 0 : i32
      %broadcast_in_dim3A_162 = vector.broadcast %broadcast_in_dim3A_161 : i32 to vector<16xi32>
      %shift_right_arithmetic3A_163 = arith.constant 3 : i32
      %shift_right_arithmetic3A_164 = arith.shrsi %scan3A_160, %shift_right_arithmetic3A_163 : i32
      %and3A_165 = arith.constant 7 : i32
      %and3A_166 = arith.andi %scan3A_160, %and3A_165 : i32
      %mul3A_167 = arith.constant 16 : i32
      %mul3A_168 = arith.muli %and3A_166, %mul3A_167 : i32
      %swap3A_169 = arith.index_cast %shift_right_arithmetic3A_164 : i32 to index
      %swap3A_170 = arith.index_cast %mul3A_168 : i32 to index
      %swap3A_171 = tpu.vector_load %arg9[%swap3A_169, %swap3A_170] {strides = array<i32>} : memref<256x128xi32, #tpu.memory_space<vmem>>, vector<16xi32>,
      tpu.vector_store %arg9[%swap3A_169, %swap3A_170], %broadcast_in_dim3A_162 {strides = array<i32>} : memref<256x128xi32, #tpu.memory_space<vmem>>, vector<16xi32>,
      %scan3A_172 = arith.constant 0 : i32
      %scan3A_173 = arith.constant 3 : i32
      %scan3A_174 = arith.addi %scan3A_133, %scan3A_173 : i32
      %broadcast_in_dim3A_175 = arith.constant 0 : i32
      %broadcast_in_dim3A_176 = vector.broadcast %broadcast_in_dim3A_175 : i32 to vector<16xi32>
      %shift_right_arithmetic3A_177 = arith.constant 3 : i32
      %shift_right_arithmetic3A_178 = arith.shrsi %scan3A_174, %shift_right_arithmetic3A_177 : i32
      %and3A_179 = arith.constant 7 : i32
      %and3A_180 = arith.andi %scan3A_174, %and3A_179 : i32
      %mul3A_181 = arith.constant 16 : i32
      %mul3A_182 = arith.muli %and3A_180, %mul3A_181 : i32
      %swap3A_183 = arith.index_cast %shift_right_arithmetic3A_178 : i32 to index
      %swap3A_184 = arith.index_cast %mul3A_182 : i32 to index
      %swap3A_185 = tpu.vector_load %arg9[%swap3A_183, %swap3A_184] {strides = array<i32>} : memref<256x128xi32, #tpu.memory_space<vmem>>, vector<16xi32>,
      tpu.vector_store %arg9[%swap3A_183, %swap3A_184], %broadcast_in_dim3A_176 {strides = array<i32>} : memref<256x128xi32, #tpu.memory_space<vmem>>, vector<16xi32>,
      %scan3A_186 = arith.constant 0 : i32
      %scan3A_187 = arith.constant 4 : i32
      %scan3A_188 = arith.addi %scan3A_133, %scan3A_187 : i32
      %broadcast_in_dim3A_189 = arith.constant 0 : i32
      %broadcast_in_dim3A_190 = vector.broadcast %broadcast_in_dim3A_189 : i32 to vector<16xi32>
      %shift_right_arithmetic3A_191 = arith.constant 3 : i32
      %shift_right_arithmetic3A_192 = arith.shrsi %scan3A_188, %shift_right_arithmetic3A_191 : i32
      %and3A_193 = arith.constant 7 : i32
      %and3A_194 = arith.andi %scan3A_188, %and3A_193 : i32
      %mul3A_195 = arith.constant 16 : i32
      %mul3A_196 = arith.muli %and3A_194, %mul3A_195 : i32
      %swap3A_197 = arith.index_cast %shift_right_arithmetic3A_192 : i32 to index
      %swap3A_198 = arith.index_cast %mul3A_196 : i32 to index
      %swap3A_199 = tpu.vector_load %arg9[%swap3A_197, %swap3A_198] {strides = array<i32>} : memref<256x128xi32, #tpu.memory_space<vmem>>, vector<16xi32>,
      tpu.vector_store %arg9[%swap3A_197, %swap3A_198], %broadcast_in_dim3A_190 {strides = array<i32>} : memref<256x128xi32, #tpu.memory_space<vmem>>, vector<16xi32>,
      %scan3A_200 = arith.constant 0 : i32
      %scan3A_201 = arith.constant 5 : i32
      %scan3A_202 = arith.addi %scan3A_133, %scan3A_201 : i32
      %broadcast_in_dim3A_203 = arith.constant 0 : i32
      %broadcast_in_dim3A_204 = vector.broadcast %broadcast_in_dim3A_203 : i32 to vector<16xi32>
      %shift_right_arithmetic3A_205 = arith.constant 3 : i32
      %shift_right_arithmetic3A_206 = arith.shrsi %scan3A_202, %shift_right_arithmetic3A_205 : i32
      %and3A_207 = arith.constant 7 : i32
      %and3A_208 = arith.andi %scan3A_202, %and3A_207 : i32
      %mul3A_209 = arith.constant 16 : i32
      %mul3A_210 = arith.muli %and3A_208, %mul3A_209 : i32
      %swap3A_211 = arith.index_cast %shift_right_arithmetic3A_206 : i32 to index
      %swap3A_212 = arith.index_cast %mul3A_210 : i32 to index
      %swap3A_213 = tpu.vector_load %arg9[%swap3A_211, %swap3A_212] {strides = array<i32>} : memref<256x128xi32, #tpu.memory_space<vmem>>, vector<16xi32>,
      tpu.vector_store %arg9[%swap3A_211, %swap3A_212], %broadcast_in_dim3A_204 {strides = array<i32>} : memref<256x128xi32, #tpu.memory_space<vmem>>, vector<16xi32>,
      %scan3A_214 = arith.constant 0 : i32
      %scan3A_215 = arith.constant 6 : i32
      %scan3A_216 = arith.addi %scan3A_133, %scan3A_215 : i32
      %broadcast_in_dim3A_217 = arith.constant 0 : i32
      %broadcast_in_dim3A_218 = vector.broadcast %broadcast_in_dim3A_217 : i32 to vector<16xi32>
      %shift_right_arithmetic3A_219 = arith.constant 3 : i32
      %shift_right_arithmetic3A_220 = arith.shrsi %scan3A_216, %shift_right_arithmetic3A_219 : i32
      %and3A_221 = arith.constant 7 : i32
      %and3A_222 = arith.andi %scan3A_216, %and3A_221 : i32
      %mul3A_223 = arith.constant 16 : i32
      %mul3A_224 = arith.muli %and3A_222, %mul3A_223 : i32
      %swap3A_225 = arith.index_cast %shift_right_arithmetic3A_220 : i32 to index
      %swap3A_226 = arith.index_cast %mul3A_224 : i32 to index
      %swap3A_227 = tpu.vector_load %arg9[%swap3A_225, %swap3A_226] {strides = array<i32>} : memref<256x128xi32, #tpu.memory_space<vmem>>, vector<16xi32>,
      tpu.vector_store %arg9[%swap3A_225, %swap3A_226], %broadcast_in_dim3A_218 {strides = array<i32>} : memref<256x128xi32, #tpu.memory_space<vmem>>, vector<16xi32>,
      %scan3A_228 = arith.constant 0 : i32
      %scan3A_229 = arith.constant 7 : i32
      %scan3A_230 = arith.addi %scan3A_133, %scan3A_229 : i32
      %broadcast_in_dim3A_231 = arith.constant 0 : i32
      %broadcast_in_dim3A_232 = vector.broadcast %broadcast_in_dim3A_231 : i32 to vector<16xi32>
      %shift_right_arithmetic3A_233 = arith.constant 3 : i32
      %shift_right_arithmetic3A_234 = arith.shrsi %scan3A_230, %shift_right_arithmetic3A_233 : i32
      %and3A_235 = arith.constant 7 : i32
      %and3A_236 = arith.andi %scan3A_230, %and3A_235 : i32
      %mul3A_237 = arith.constant 16 : i32
      %mul3A_238 = arith.muli %and3A_236, %mul3A_237 : i32
      %swap3A_239 = arith.index_cast %shift_right_arithmetic3A_234 : i32 to index
      %swap3A_240 = arith.index_cast %mul3A_238 : i32 to index
      %swap3A_241 = tpu.vector_load %arg9[%swap3A_239, %swap3A_240] {strides = array<i32>} : memref<256x128xi32, #tpu.memory_space<vmem>>, vector<16xi32>,
      tpu.vector_store %arg9[%swap3A_239, %swap3A_240], %broadcast_in_dim3A_232 {strides = array<i32>} : memref<256x128xi32, #tpu.memory_space<vmem>>, vector<16xi32>,
      %scan3A_242 = arith.constant 0 : i32
      scf.yield %scan3A_242 : i32
    }
    %scan3A_7 = arith.constant 2048 : i32
    %dma_start3A = arith.constant 0 : i32
    %dma_start3A_8 = arith.constant 0 : i32
    %dma_start3A_9 = tpu.memref_slice %arg2[%add3A, %dma_start3A, %dma_start3A_8] : memref<32x512x512xf32, #tpu.memory_space<hbm>> -> memref<1x32x512xf32, #tpu.memory_space<hbm>>
    %dma_start3A_10 = tpu.memref_squeeze %dma_start3A_9 : memref<1x32x512xf32, #tpu.memory_space<hbm>> -> memref<32x512xf32, #tpu.memory_space<hbm>>
    %dma_start3A_11 = arith.constant 0 : i32
    %dma_start3A_12 = arith.constant 0 : i32
    %dma_start3A_13 = tpu.memref_slice %arg2[%add3A, %dma_start3A_11, %dma_start3A_12] : memref<32x512x512xf32, #tpu.memory_space<hbm>> -> memref<1x32x512xf32, #tpu.memory_space<hbm>>
    %dma_start3A_14 = tpu.memref_squeeze %dma_start3A_13 : memref<1x32x512xf32, #tpu.memory_space<hbm>> -> memref<32x512xf32, #tpu.memory_space<hbm>>
    tpu.enqueue_dma source(%dma_start3A_14 : memref<32x512xf32, #tpu.memory_space<hbm>>) target(%arg5 : memref<32x512xf32, #tpu.memory_space<vmem>>) target_semaphore(%arg11 : memref<!tpu.dma_semaphore, #tpu.memory_space<semaphore_mem>>)
    %scan3A_15 = arith.constant 0 : i32
    %scan3A_16 = arith.constant 0 : i32
    %scan3A_17 = arith.constant 8 : i32
    %scan3A_18 = arith.addi %scan3A_16, %scan3A_17 : i32
    %scan3A_19 = arith.constant 1 : i32
    %scan3A_20 = scf.for %scan3A_133 = %scan3A_16 to %scan3A_18 step %scan3A_19 iter_args(%scan3A_134 = %scan3A_15) -> (i32)  : i32 {
      %mul3A_135 = arith.constant 2 : i32
      %mul3A_136 = arith.muli %scan3A_133, %mul3A_135 : i32
      %add3A_137 = arith.constant 1 : i32
      %add3A_138 = arith.addi %mul3A_136, %add3A_137 : i32
      %mul3A_139 = arith.constant 32 : i32
      %mul3A_140 = arith.muli %add3A_138, %mul3A_139 : i32
      %dma_start3A_141 = arith.constant 0 : i32
      %dma_start3A_142 = tpu.memref_slice %arg2[%add3A, %mul3A_140, %dma_start3A_141] : memref<32x512x512xf32, #tpu.memory_space<hbm>> -> memref<1x32x512xf32, #tpu.memory_space<hbm>>
      %dma_start3A_143 = tpu.memref_squeeze %dma_start3A_142 : memref<1x32x512xf32, #tpu.memory_space<hbm>> -> memref<32x512xf32, #tpu.memory_space<hbm>>
      %dma_start3A_144 = arith.constant 0 : i32
      %dma_start3A_145 = tpu.memref_slice %arg2[%add3A, %mul3A_140, %dma_start3A_144] : memref<32x512x512xf32, #tpu.memory_space<hbm>> -> memref<1x32x512xf32, #tpu.memory_space<hbm>>
      %dma_start3A_146 = tpu.memref_squeeze %dma_start3A_145 : memref<1x32x512xf32, #tpu.memory_space<hbm>> -> memref<32x512xf32, #tpu.memory_space<hbm>>
      tpu.enqueue_dma source(%dma_start3A_146 : memref<32x512xf32, #tpu.memory_space<hbm>>) target(%arg6 : memref<32x512xf32, #tpu.memory_space<vmem>>) target_semaphore(%arg12 : memref<!tpu.dma_semaphore, #tpu.memory_space<semaphore_mem>>)
      %mul3A_147 = arith.constant 32 : i32
      %mul3A_148 = arith.muli %mul3A_136, %mul3A_147 : i32
      %dma_wait3A_149 = arith.constant 0 : i32
      %dma_wait3A_150 = tpu.memref_slice %arg2[%add3A, %mul3A_148, %dma_wait3A_149] : memref<32x512x512xf32, #tpu.memory_space<hbm>> -> memref<1x32x512xf32, #tpu.memory_space<hbm>>
      %dma_wait3A_151 = tpu.memref_squeeze %dma_wait3A_150 : memref<1x32x512xf32, #tpu.memory_space<hbm>> -> memref<32x512xf32, #tpu.memory_space<hbm>>
      %dma_wait3A_152 = arith.constant 0 : i32
      %dma_wait3A_153 = tpu.memref_slice %arg2[%add3A, %mul3A_148, %dma_wait3A_152] : memref<32x512x512xf32, #tpu.memory_space<hbm>> -> memref<1x32x512xf32, #tpu.memory_space<hbm>>
      %dma_wait3A_154 = tpu.memref_squeeze %dma_wait3A_153 : memref<1x32x512xf32, #tpu.memory_space<hbm>> -> memref<32x512xf32, #tpu.memory_space<hbm>>
      tpu.wait_dma2 semaphore(%arg11 : memref<!tpu.dma_semaphore, #tpu.memory_space<semaphore_mem>>) src(%dma_wait3A_154 : memref<32x512xf32, #tpu.memory_space<hbm>>) dst(%arg5 : memref<32x512xf32, #tpu.memory_space<vmem>>)
      %parallel_loop3A_155 = arith.constant 0 : i32
      %parallel_loop3A_156 = arith.constant 1024 : i32
      %parallel_loop3A_157 = arith.constant 1 : i32
      scf.for %parallel_loop3A_177 = %parallel_loop3A_155 to %parallel_loop3A_156 step %parallel_loop3A_157  : i32 {
        %parallel_loop3A_178 = arith.constant 32 : i32
        %parallel_loop3A_179 = arith.divsi %parallel_loop3A_177, %parallel_loop3A_178 : i32
        %parallel_loop3A_180 = arith.constant 0 : i32
        %parallel_loop3A_181 = arith.cmpi sgt, %parallel_loop3A_177, %parallel_loop3A_180 : i32
        %parallel_loop3A_182 = arith.extui %parallel_loop3A_181 : i1 to i32
        %parallel_loop3A_183 = arith.constant 0 : i32
        %parallel_loop3A_184 = arith.cmpi slt, %parallel_loop3A_177, %parallel_loop3A_183 : i32
        %parallel_loop3A_185 = arith.extui %parallel_loop3A_184 : i1 to i32
        %parallel_loop3A_186 = arith.subi %parallel_loop3A_182, %parallel_loop3A_185 : i32
        %parallel_loop3A_187 = arith.constant 0 : i32
        %parallel_loop3A_188 = arith.cmpi sgt, %parallel_loop3A_178, %parallel_loop3A_187 : i32
        %parallel_loop3A_189 = arith.extui %parallel_loop3A_188 : i1 to i32
        %parallel_loop3A_190 = arith.constant 0 : i32
        %parallel_loop3A_191 = arith.cmpi slt, %parallel_loop3A_178, %parallel_loop3A_190 : i32
        %parallel_loop3A_192 = arith.extui %parallel_loop3A_191 : i1 to i32
        %parallel_loop3A_193 = arith.subi %parallel_loop3A_189, %parallel_loop3A_192 : i32
        %parallel_loop3A_194 = arith.cmpi ne, %parallel_loop3A_186, %parallel_loop3A_193 : i32
        %parallel_loop3A_195 = arith.remsi %parallel_loop3A_177, %parallel_loop3A_178 : i32
        %parallel_loop3A_196 = arith.constant 0 : i32
        %parallel_loop3A_197 = arith.cmpi ne, %parallel_loop3A_195, %parallel_loop3A_196 : i32
        %parallel_loop3A_198 = arith.andi %parallel_loop3A_194, %parallel_loop3A_197 : i1
        %parallel_loop3A_199 = arith.constant 1 : i32
        %parallel_loop3A_200 = arith.subi %parallel_loop3A_179, %parallel_loop3A_199 : i32
        %parallel_loop3A_201 = arith.select %parallel_loop3A_198, %parallel_loop3A_200, %parallel_loop3A_179 : i32
        %parallel_loop3A_202 = arith.constant 32 : i32
        %parallel_loop3A_203 = arith.constant 0 : i32
        %parallel_loop3A_204 = arith.cmpi eq, %parallel_loop3A_202, %parallel_loop3A_203 : i32
        %parallel_loop3A_205 = arith.constant 1 : i32
        %parallel_loop3A_206 = arith.select %parallel_loop3A_204, %parallel_loop3A_205, %parallel_loop3A_202 : i32
        %parallel_loop3A_207 = arith.remsi %parallel_loop3A_177, %parallel_loop3A_206 : i32
        %parallel_loop3A_208 = arith.constant 0 : i32
        %parallel_loop3A_209 = arith.cmpi ne, %parallel_loop3A_207, %parallel_loop3A_208 : i32
        %parallel_loop3A_210 = arith.constant 0 : i32
        %parallel_loop3A_211 = arith.cmpi slt, %parallel_loop3A_207, %parallel_loop3A_210 : i32
        %parallel_loop3A_212 = arith.constant 0 : i32
        %parallel_loop3A_213 = arith.cmpi slt, %parallel_loop3A_206, %parallel_loop3A_212 : i32
        %parallel_loop3A_214 = arith.xori %parallel_loop3A_211, %parallel_loop3A_213 : i1
        %parallel_loop3A_215 = arith.andi %parallel_loop3A_214, %parallel_loop3A_209 : i1
        %parallel_loop3A_216 = arith.addi %parallel_loop3A_207, %parallel_loop3A_206 : i32
        %parallel_loop3A_217 = arith.select %parallel_loop3A_215, %parallel_loop3A_216, %parallel_loop3A_207 : i32
        %parallel_loop3A_218 = arith.constant 16 : i32
        %parallel_loop3A_219 = arith.muli %parallel_loop3A_217, %parallel_loop3A_218 : i32
        %parallel_loop3A_220 = arith.index_cast %parallel_loop3A_201 : i32 to index
        %parallel_loop3A_221 = arith.index_cast %parallel_loop3A_219 : i32 to index
        %parallel_loop3A_222 = tpu.vector_load %arg5[%parallel_loop3A_220, %parallel_loop3A_221] {strides = array<i32>} : memref<32x512xf32, #tpu.memory_space<vmem>>, vector<16xf32>,
        %parallel_loop3A_223 = tpu.bitcast %parallel_loop3A_222 : vector<16xf32> -> vector<16xi32>
        %parallel_loop3A_224 = arith.constant 31 : i32
        %parallel_loop3A_225 = vector.broadcast %parallel_loop3A_224 : i32 to vector<16xi32>
        %parallel_loop3A_226 = arith.shrsi %parallel_loop3A_223, %parallel_loop3A_225 : vector<16xi32>
        %parallel_loop3A_227 = arith.constant -2147483648 : i32
        %parallel_loop3A_228 = vector.broadcast %parallel_loop3A_227 : i32 to vector<16xi32>
        %parallel_loop3A_229 = arith.ori %parallel_loop3A_226, %parallel_loop3A_228 : vector<16xi32>
        %parallel_loop3A_230 = arith.xori %parallel_loop3A_223, %parallel_loop3A_229 : vector<16xi32>
        %parallel_loop3A_231 = arith.constant 21 : i32
        %parallel_loop3A_232 = vector.broadcast %parallel_loop3A_231 : i32 to vector<16xi32>
        %parallel_loop3A_233 = arith.shrui %parallel_loop3A_230, %parallel_loop3A_232 : vector<16xi32>
        %parallel_loop3A_234 = arith.constant 2047 : i32
        %parallel_loop3A_235 = vector.broadcast %parallel_loop3A_234 : i32 to vector<16xi32>
        %parallel_loop3A_236 = arith.andi %parallel_loop3A_233, %parallel_loop3A_235 : vector<16xi32>
        %parallel_loop3A_237 = arith.constant 3 : i32
        %parallel_loop3A_238 = vector.broadcast %parallel_loop3A_237 : i32 to vector<16xi32>
        %parallel_loop3A_239 = arith.shrui %parallel_loop3A_236, %parallel_loop3A_238 : vector<16xi32>
        %parallel_loop3A_240 = arith.constant 7 : i32
        %parallel_loop3A_241 = vector.broadcast %parallel_loop3A_240 : i32 to vector<16xi32>
        %parallel_loop3A_242 = arith.andi %parallel_loop3A_236, %parallel_loop3A_241 : vector<16xi32>
        %parallel_loop3A_243 = arith.constant 4 : i32
        %parallel_loop3A_244 = vector.broadcast %parallel_loop3A_243 : i32 to vector<16xi32>
        %parallel_loop3A_245 = arith.shli %parallel_loop3A_242, %parallel_loop3A_244 : vector<16xi32>
        %parallel_loop3A_246 = arith.ori %parallel_loop3A_245, %iota3A : vector<16xi32>
        tpu.vector_store_idx %arg9[%parallel_loop3A_239, %parallel_loop3A_246], %broadcast_in_dim3A_1 {add = true} : memref<256x128xi32, #tpu.memory_space<vmem>>[vector<16xi32>, vector<16xi32>], vector<16xi32>,
      } {sc.loop_unroll_factor = 8 : i64, sc.parallel_access}
      %add3A_158 = arith.constant 1 : i32
      %add3A_159 = arith.addi %scan3A_133, %add3A_158 : i32
      %lt3A = arith.constant 8 : i32
      %lt3A_160 = arith.cmpi slt, %add3A_159, %lt3A : i32
      %convert_element_type3A_161 = arith.extui %lt3A_160 : i1 to i32
      %cond3A = arith.constant 0 : i32
      %cond3A_162 = arith.cmpi ne, %convert_element_type3A_161, %cond3A : i32
      scf.if %cond3A_162 {
        %add3A_177 = arith.constant 2 : i32
        %add3A_178 = arith.addi %mul3A_136, %add3A_177 : i32
        %mul3A_179 = arith.constant 32 : i32
        %mul3A_180 = arith.muli %add3A_178, %mul3A_179 : i32
        %dma_start3A_181 = arith.constant 0 : i32
        %dma_start3A_182 = tpu.memref_slice %arg2[%add3A, %mul3A_180, %dma_start3A_181] : memref<32x512x512xf32, #tpu.memory_space<hbm>> -> memref<1x32x512xf32, #tpu.memory_space<hbm>>
        %dma_start3A_183 = tpu.memref_squeeze %dma_start3A_182 : memref<1x32x512xf32, #tpu.memory_space<hbm>> -> memref<32x512xf32, #tpu.memory_space<hbm>>
        %dma_start3A_184 = arith.constant 0 : i32
        %dma_start3A_185 = tpu.memref_slice %arg2[%add3A, %mul3A_180, %dma_start3A_184] : memref<32x512x512xf32, #tpu.memory_space<hbm>> -> memref<1x32x512xf32, #tpu.memory_space<hbm>>
        %dma_start3A_186 = tpu.memref_squeeze %dma_start3A_185 : memref<1x32x512xf32, #tpu.memory_space<hbm>> -> memref<32x512xf32, #tpu.memory_space<hbm>>
        tpu.enqueue_dma source(%dma_start3A_186 : memref<32x512xf32, #tpu.memory_space<hbm>>) target(%arg5 : memref<32x512xf32, #tpu.memory_space<vmem>>) target_semaphore(%arg11 : memref<!tpu.dma_semaphore, #tpu.memory_space<semaphore_mem>>)
      } else {
      }
      %add3A_163 = arith.constant 1 : i32
      %add3A_164 = arith.addi %mul3A_136, %add3A_163 : i32
      %mul3A_165 = arith.constant 32 : i32
      %mul3A_166 = arith.muli %add3A_164, %mul3A_165 : i32
      %dma_wait3A_167 = arith.constant 0 : i32
      %dma_wait3A_168 = tpu.memref_slice %arg2[%add3A, %mul3A_166, %dma_wait3A_167] : memref<32x512x512xf32, #tpu.memory_space<hbm>> -> memref<1x32x512xf32, #tpu.memory_space<hbm>>
      %dma_wait3A_169 = tpu.memref_squeeze %dma_wait3A_168 : memref<1x32x512xf32, #tpu.memory_space<hbm>> -> memref<32x512xf32, #tpu.memory_space<hbm>>
      %dma_wait3A_170 = arith.constant 0 : i32
      %dma_wait3A_171 = tpu.memref_slice %arg2[%add3A, %mul3A_166, %dma_wait3A_170] : memref<32x512x512xf32, #tpu.memory_space<hbm>> -> memref<1x32x512xf32, #tpu.memory_space<hbm>>
      %dma_wait3A_172 = tpu.memref_squeeze %dma_wait3A_171 : memref<1x32x512xf32, #tpu.memory_space<hbm>> -> memref<32x512xf32, #tpu.memory_space<hbm>>
      tpu.wait_dma2 semaphore(%arg12 : memref<!tpu.dma_semaphore, #tpu.memory_space<semaphore_mem>>) src(%dma_wait3A_172 : memref<32x512xf32, #tpu.memory_space<hbm>>) dst(%arg6 : memref<32x512xf32, #tpu.memory_space<vmem>>)
      %parallel_loop3A_173 = arith.constant 0 : i32
      %parallel_loop3A_174 = arith.constant 1024 : i32
      %parallel_loop3A_175 = arith.constant 1 : i32
      scf.for %parallel_loop3A_177 = %parallel_loop3A_173 to %parallel_loop3A_174 step %parallel_loop3A_175  : i32 {
        %parallel_loop3A_178 = arith.constant 32 : i32
        %parallel_loop3A_179 = arith.divsi %parallel_loop3A_177, %parallel_loop3A_178 : i32
        %parallel_loop3A_180 = arith.constant 0 : i32
        %parallel_loop3A_181 = arith.cmpi sgt, %parallel_loop3A_177, %parallel_loop3A_180 : i32
        %parallel_loop3A_182 = arith.extui %parallel_loop3A_181 : i1 to i32
        %parallel_loop3A_183 = arith.constant 0 : i32
        %parallel_loop3A_184 = arith.cmpi slt, %parallel_loop3A_177, %parallel_loop3A_183 : i32
        %parallel_loop3A_185 = arith.extui %parallel_loop3A_184 : i1 to i32
        %parallel_loop3A_186 = arith.subi %parallel_loop3A_182, %parallel_loop3A_185 : i32
        %parallel_loop3A_187 = arith.constant 0 : i32
        %parallel_loop3A_188 = arith.cmpi sgt, %parallel_loop3A_178, %parallel_loop3A_187 : i32
        %parallel_loop3A_189 = arith.extui %parallel_loop3A_188 : i1 to i32
        %parallel_loop3A_190 = arith.constant 0 : i32
        %parallel_loop3A_191 = arith.cmpi slt, %parallel_loop3A_178, %parallel_loop3A_190 : i32
        %parallel_loop3A_192 = arith.extui %parallel_loop3A_191 : i1 to i32
        %parallel_loop3A_193 = arith.subi %parallel_loop3A_189, %parallel_loop3A_192 : i32
        %parallel_loop3A_194 = arith.cmpi ne, %parallel_loop3A_186, %parallel_loop3A_193 : i32
        %parallel_loop3A_195 = arith.remsi %parallel_loop3A_177, %parallel_loop3A_178 : i32
        %parallel_loop3A_196 = arith.constant 0 : i32
        %parallel_loop3A_197 = arith.cmpi ne, %parallel_loop3A_195, %parallel_loop3A_196 : i32
        %parallel_loop3A_198 = arith.andi %parallel_loop3A_194, %parallel_loop3A_197 : i1
        %parallel_loop3A_199 = arith.constant 1 : i32
        %parallel_loop3A_200 = arith.subi %parallel_loop3A_179, %parallel_loop3A_199 : i32
        %parallel_loop3A_201 = arith.select %parallel_loop3A_198, %parallel_loop3A_200, %parallel_loop3A_179 : i32
        %parallel_loop3A_202 = arith.constant 32 : i32
        %parallel_loop3A_203 = arith.constant 0 : i32
        %parallel_loop3A_204 = arith.cmpi eq, %parallel_loop3A_202, %parallel_loop3A_203 : i32
        %parallel_loop3A_205 = arith.constant 1 : i32
        %parallel_loop3A_206 = arith.select %parallel_loop3A_204, %parallel_loop3A_205, %parallel_loop3A_202 : i32
        %parallel_loop3A_207 = arith.remsi %parallel_loop3A_177, %parallel_loop3A_206 : i32
        %parallel_loop3A_208 = arith.constant 0 : i32
        %parallel_loop3A_209 = arith.cmpi ne, %parallel_loop3A_207, %parallel_loop3A_208 : i32
        %parallel_loop3A_210 = arith.constant 0 : i32
        %parallel_loop3A_211 = arith.cmpi slt, %parallel_loop3A_207, %parallel_loop3A_210 : i32
        %parallel_loop3A_212 = arith.constant 0 : i32
        %parallel_loop3A_213 = arith.cmpi slt, %parallel_loop3A_206, %parallel_loop3A_212 : i32
        %parallel_loop3A_214 = arith.xori %parallel_loop3A_211, %parallel_loop3A_213 : i1
        %parallel_loop3A_215 = arith.andi %parallel_loop3A_214, %parallel_loop3A_209 : i1
        %parallel_loop3A_216 = arith.addi %parallel_loop3A_207, %parallel_loop3A_206 : i32
        %parallel_loop3A_217 = arith.select %parallel_loop3A_215, %parallel_loop3A_216, %parallel_loop3A_207 : i32
        %parallel_loop3A_218 = arith.constant 16 : i32
        %parallel_loop3A_219 = arith.muli %parallel_loop3A_217, %parallel_loop3A_218 : i32
        %parallel_loop3A_220 = arith.index_cast %parallel_loop3A_201 : i32 to index
        %parallel_loop3A_221 = arith.index_cast %parallel_loop3A_219 : i32 to index
        %parallel_loop3A_222 = tpu.vector_load %arg6[%parallel_loop3A_220, %parallel_loop3A_221] {strides = array<i32>} : memref<32x512xf32, #tpu.memory_space<vmem>>, vector<16xf32>,
        %parallel_loop3A_223 = tpu.bitcast %parallel_loop3A_222 : vector<16xf32> -> vector<16xi32>
        %parallel_loop3A_224 = arith.constant 31 : i32
        %parallel_loop3A_225 = vector.broadcast %parallel_loop3A_224 : i32 to vector<16xi32>
        %parallel_loop3A_226 = arith.shrsi %parallel_loop3A_223, %parallel_loop3A_225 : vector<16xi32>
        %parallel_loop3A_227 = arith.constant -2147483648 : i32
        %parallel_loop3A_228 = vector.broadcast %parallel_loop3A_227 : i32 to vector<16xi32>
        %parallel_loop3A_229 = arith.ori %parallel_loop3A_226, %parallel_loop3A_228 : vector<16xi32>
        %parallel_loop3A_230 = arith.xori %parallel_loop3A_223, %parallel_loop3A_229 : vector<16xi32>
        %parallel_loop3A_231 = arith.constant 21 : i32
        %parallel_loop3A_232 = vector.broadcast %parallel_loop3A_231 : i32 to vector<16xi32>
        %parallel_loop3A_233 = arith.shrui %parallel_loop3A_230, %parallel_loop3A_232 : vector<16xi32>
        %parallel_loop3A_234 = arith.constant 2047 : i32
        %parallel_loop3A_235 = vector.broadcast %parallel_loop3A_234 : i32 to vector<16xi32>
        %parallel_loop3A_236 = arith.andi %parallel_loop3A_233, %parallel_loop3A_235 : vector<16xi32>
        %parallel_loop3A_237 = arith.constant 3 : i32
        %parallel_loop3A_238 = vector.broadcast %parallel_loop3A_237 : i32 to vector<16xi32>
        %parallel_loop3A_239 = arith.shrui %parallel_loop3A_236, %parallel_loop3A_238 : vector<16xi32>
        %parallel_loop3A_240 = arith.constant 7 : i32
        %parallel_loop3A_241 = vector.broadcast %parallel_loop3A_240 : i32 to vector<16xi32>
        %parallel_loop3A_242 = arith.andi %parallel_loop3A_236, %parallel_loop3A_241 : vector<16xi32>
        %parallel_loop3A_243 = arith.constant 4 : i32
        %parallel_loop3A_244 = vector.broadcast %parallel_loop3A_243 : i32 to vector<16xi32>
        %parallel_loop3A_245 = arith.shli %parallel_loop3A_242, %parallel_loop3A_244 : vector<16xi32>
        %parallel_loop3A_246 = arith.ori %parallel_loop3A_245, %iota3A : vector<16xi32>
        tpu.vector_store_idx %arg9[%parallel_loop3A_239, %parallel_loop3A_246], %broadcast_in_dim3A_1 {add = true} : memref<256x128xi32, #tpu.memory_space<vmem>>[vector<16xi32>, vector<16xi32>], vector<16xi32>,
      } {sc.loop_unroll_factor = 8 : i64, sc.parallel_access}
      %scan3A_176 = arith.constant 0 : i32
      scf.yield %scan3A_176 : i32
    }
    %scan3A_21 = arith.constant 8 : i32
    %dma_start3A_22 = arith.constant 0 : i32
    %dma_start3A_23 = arith.constant 0 : i32
    %dma_start3A_24 = tpu.memref_slice %arg2[%add3A, %dma_start3A_22, %dma_start3A_23] : memref<32x512x512xf32, #tpu.memory_space<hbm>> -> memref<1x32x512xf32, #tpu.memory_space<hbm>>
    %dma_start3A_25 = tpu.memref_squeeze %dma_start3A_24 : memref<1x32x512xf32, #tpu.memory_space<hbm>> -> memref<32x512xf32, #tpu.memory_space<hbm>>
    %dma_start3A_26 = arith.constant 0 : i32
    %dma_start3A_27 = arith.constant 0 : i32
    %dma_start3A_28 = tpu.memref_slice %arg2[%add3A, %dma_start3A_26, %dma_start3A_27] : memref<32x512x512xf32, #tpu.memory_space<hbm>> -> memref<1x32x512xf32, #tpu.memory_space<hbm>>
    %dma_start3A_29 = tpu.memref_squeeze %dma_start3A_28 : memref<1x32x512xf32, #tpu.memory_space<hbm>> -> memref<32x512xf32, #tpu.memory_space<hbm>>
    tpu.enqueue_dma source(%dma_start3A_29 : memref<32x512xf32, #tpu.memory_space<hbm>>) target(%arg5 : memref<32x512xf32, #tpu.memory_space<vmem>>) target_semaphore(%arg11 : memref<!tpu.dma_semaphore, #tpu.memory_space<semaphore_mem>>)
    %parallel_loop3A = arith.constant 0 : i32
    %parallel_loop3A_30 = arith.constant 2048 : i32
    %parallel_loop3A_31 = arith.constant 1 : i32
    %parallel_loop3A_32 = arith.constant 196608 : i32
    %parallel_loop3A_33 = arith.constant 0 : i32
    %parallel_loop3A_34 = arith.constant 0 : i32
    %parallel_loop3A_35 = arith.constant 0 : i32
    %parallel_loop3A_36:3 = scf.for %parallel_loop3A_133 = %parallel_loop3A to %parallel_loop3A_30 step %parallel_loop3A_31 iter_args(%parallel_loop3A_134 = %parallel_loop3A_33, %parallel_loop3A_135 = %parallel_loop3A_34, %parallel_loop3A_136 = %parallel_loop3A_35) -> (i32, i32, i32)  : i32 {
      %parallel_loop3A_137 = arith.constant 2047 : i32
      %parallel_loop3A_138 = arith.subi %parallel_loop3A_137, %parallel_loop3A_133 : i32
      %parallel_loop3A_139 = arith.constant 3 : i32
      %parallel_loop3A_140 = arith.shrsi %parallel_loop3A_138, %parallel_loop3A_139 : i32
      %parallel_loop3A_141 = arith.constant 7 : i32
      %parallel_loop3A_142 = arith.andi %parallel_loop3A_138, %parallel_loop3A_141 : i32
      %parallel_loop3A_143 = arith.constant 16 : i32
      %parallel_loop3A_144 = arith.muli %parallel_loop3A_142, %parallel_loop3A_143 : i32
      %parallel_loop3A_145 = arith.index_cast %parallel_loop3A_140 : i32 to index
      %parallel_loop3A_146 = arith.index_cast %parallel_loop3A_144 : i32 to index
      %parallel_loop3A_147 = tpu.vector_load %arg9[%parallel_loop3A_145, %parallel_loop3A_146] {strides = array<i32>} : memref<256x128xi32, #tpu.memory_space<vmem>>, vector<16xi32>,
      %parallel_loop3A_148 = arith.constant true
      %parallel_loop3A_149 = vector.broadcast %parallel_loop3A_148 : i1 to vector<16xi1>
      %parallel_loop3A_150 = tpu.scan <sum>, %parallel_loop3A_147 masked %parallel_loop3A_149 : vector<16xi32>, vector<16xi1> -> vector<16xi32>
      %parallel_loop3A_151 = vector.extract %parallel_loop3A_150[15] : i32 from vector<16xi32>
      %parallel_loop3A_152 = arith.addi %parallel_loop3A_134, %parallel_loop3A_151 : i32
      %parallel_loop3A_153 = arith.cmpi slt, %parallel_loop3A_134, %parallel_loop3A_32 : i32
      %parallel_loop3A_154 = arith.cmpi sge, %parallel_loop3A_152, %parallel_loop3A_32 : i32
      %parallel_loop3A_155 = arith.andi %parallel_loop3A_153, %parallel_loop3A_154 : i1
      %parallel_loop3A_156 = arith.select %parallel_loop3A_155, %parallel_loop3A_138, %parallel_loop3A_135 : i32
      %parallel_loop3A_157 = arith.select %parallel_loop3A_155, %parallel_loop3A_134, %parallel_loop3A_136 : i32
      scf.yield %parallel_loop3A_152, %parallel_loop3A_156, %parallel_loop3A_157 : i32, i32, i32
    } {sc.loop_unroll_factor = 4 : i64, sc.parallel_access}
    %shift_left3A = arith.constant 0 : i32
    %shift_left3A_37 = arith.constant 11 : i32
    %shift_left3A_38 = arith.shli %shift_left3A, %shift_left3A_37 : i32
    %or3A = arith.ori %shift_left3A_38, %parallel_loop3A_36#1 : i32
    %sub3A = arith.constant 196608 : i32
    %sub3A_39 = arith.subi %sub3A, %parallel_loop3A_36#2 : i32
    %scan3A_40 = arith.constant 0 : i32
    %scan3A_41 = arith.constant 0 : i32
    %scan3A_42 = arith.constant 2048 : i32
    %scan3A_43 = arith.addi %scan3A_41, %scan3A_42 : i32
    %scan3A_44 = arith.constant 8 : i32
    %scan3A_45 = scf.for %scan3A_133 = %scan3A_41 to %scan3A_43 step %scan3A_44 iter_args(%scan3A_134 = %scan3A_40) -> (i32)  : i32 {
      %broadcast_in_dim3A_135 = arith.constant 0 : i32
      %broadcast_in_dim3A_136 = vector.broadcast %broadcast_in_dim3A_135 : i32 to vector<16xi32>
      %shift_right_arithmetic3A = arith.constant 3 : i32
      %shift_right_arithmetic3A_137 = arith.shrsi %scan3A_133, %shift_right_arithmetic3A : i32
      %and3A = arith.constant 7 : i32
      %and3A_138 = arith.andi %scan3A_133, %and3A : i32
      %mul3A_139 = arith.constant 16 : i32
      %mul3A_140 = arith.muli %and3A_138, %mul3A_139 : i32
      %swap3A_141 = arith.index_cast %shift_right_arithmetic3A_137 : i32 to index
      %swap3A_142 = arith.index_cast %mul3A_140 : i32 to index
      %swap3A_143 = tpu.vector_load %arg9[%swap3A_141, %swap3A_142] {strides = array<i32>} : memref<256x128xi32, #tpu.memory_space<vmem>>, vector<16xi32>,
      tpu.vector_store %arg9[%swap3A_141, %swap3A_142], %broadcast_in_dim3A_136 {strides = array<i32>} : memref<256x128xi32, #tpu.memory_space<vmem>>, vector<16xi32>,
      %scan3A_144 = arith.constant 0 : i32
      %scan3A_145 = arith.constant 1 : i32
      %scan3A_146 = arith.addi %scan3A_133, %scan3A_145 : i32
      %broadcast_in_dim3A_147 = arith.constant 0 : i32
      %broadcast_in_dim3A_148 = vector.broadcast %broadcast_in_dim3A_147 : i32 to vector<16xi32>
      %shift_right_arithmetic3A_149 = arith.constant 3 : i32
      %shift_right_arithmetic3A_150 = arith.shrsi %scan3A_146, %shift_right_arithmetic3A_149 : i32
      %and3A_151 = arith.constant 7 : i32
      %and3A_152 = arith.andi %scan3A_146, %and3A_151 : i32
      %mul3A_153 = arith.constant 16 : i32
      %mul3A_154 = arith.muli %and3A_152, %mul3A_153 : i32
      %swap3A_155 = arith.index_cast %shift_right_arithmetic3A_150 : i32 to index
      %swap3A_156 = arith.index_cast %mul3A_154 : i32 to index
      %swap3A_157 = tpu.vector_load %arg9[%swap3A_155, %swap3A_156] {strides = array<i32>} : memref<256x128xi32, #tpu.memory_space<vmem>>, vector<16xi32>,
      tpu.vector_store %arg9[%swap3A_155, %swap3A_156], %broadcast_in_dim3A_148 {strides = array<i32>} : memref<256x128xi32, #tpu.memory_space<vmem>>, vector<16xi32>,
      %scan3A_158 = arith.constant 0 : i32
      %scan3A_159 = arith.constant 2 : i32
      %scan3A_160 = arith.addi %scan3A_133, %scan3A_159 : i32
      %broadcast_in_dim3A_161 = arith.constant 0 : i32
      %broadcast_in_dim3A_162 = vector.broadcast %broadcast_in_dim3A_161 : i32 to vector<16xi32>
      %shift_right_arithmetic3A_163 = arith.constant 3 : i32
      %shift_right_arithmetic3A_164 = arith.shrsi %scan3A_160, %shift_right_arithmetic3A_163 : i32
      %and3A_165 = arith.constant 7 : i32
      %and3A_166 = arith.andi %scan3A_160, %and3A_165 : i32
      %mul3A_167 = arith.constant 16 : i32
      %mul3A_168 = arith.muli %and3A_166, %mul3A_167 : i32
      %swap3A_169 = arith.index_cast %shift_right_arithmetic3A_164 : i32 to index
      %swap3A_170 = arith.index_cast %mul3A_168 : i32 to index
      %swap3A_171 = tpu.vector_load %arg9[%swap3A_169, %swap3A_170] {strides = array<i32>} : memref<256x128xi32, #tpu.memory_space<vmem>>, vector<16xi32>,
      tpu.vector_store %arg9[%swap3A_169, %swap3A_170], %broadcast_in_dim3A_162 {strides = array<i32>} : memref<256x128xi32, #tpu.memory_space<vmem>>, vector<16xi32>,
      %scan3A_172 = arith.constant 0 : i32
      %scan3A_173 = arith.constant 3 : i32
      %scan3A_174 = arith.addi %scan3A_133, %scan3A_173 : i32
      %broadcast_in_dim3A_175 = arith.constant 0 : i32
      %broadcast_in_dim3A_176 = vector.broadcast %broadcast_in_dim3A_175 : i32 to vector<16xi32>
      %shift_right_arithmetic3A_177 = arith.constant 3 : i32
      %shift_right_arithmetic3A_178 = arith.shrsi %scan3A_174, %shift_right_arithmetic3A_177 : i32
      %and3A_179 = arith.constant 7 : i32
      %and3A_180 = arith.andi %scan3A_174, %and3A_179 : i32
      %mul3A_181 = arith.constant 16 : i32
      %mul3A_182 = arith.muli %and3A_180, %mul3A_181 : i32
      %swap3A_183 = arith.index_cast %shift_right_arithmetic3A_178 : i32 to index
      %swap3A_184 = arith.index_cast %mul3A_182 : i32 to index
      %swap3A_185 = tpu.vector_load %arg9[%swap3A_183, %swap3A_184] {strides = array<i32>} : memref<256x128xi32, #tpu.memory_space<vmem>>, vector<16xi32>,
      tpu.vector_store %arg9[%swap3A_183, %swap3A_184], %broadcast_in_dim3A_176 {strides = array<i32>} : memref<256x128xi32, #tpu.memory_space<vmem>>, vector<16xi32>,
      %scan3A_186 = arith.constant 0 : i32
      %scan3A_187 = arith.constant 4 : i32
      %scan3A_188 = arith.addi %scan3A_133, %scan3A_187 : i32
      %broadcast_in_dim3A_189 = arith.constant 0 : i32
      %broadcast_in_dim3A_190 = vector.broadcast %broadcast_in_dim3A_189 : i32 to vector<16xi32>
      %shift_right_arithmetic3A_191 = arith.constant 3 : i32
      %shift_right_arithmetic3A_192 = arith.shrsi %scan3A_188, %shift_right_arithmetic3A_191 : i32
      %and3A_193 = arith.constant 7 : i32
      %and3A_194 = arith.andi %scan3A_188, %and3A_193 : i32
      %mul3A_195 = arith.constant 16 : i32
      %mul3A_196 = arith.muli %and3A_194, %mul3A_195 : i32
      %swap3A_197 = arith.index_cast %shift_right_arithmetic3A_192 : i32 to index
      %swap3A_198 = arith.index_cast %mul3A_196 : i32 to index
      %swap3A_199 = tpu.vector_load %arg9[%swap3A_197, %swap3A_198] {strides = array<i32>} : memref<256x128xi32, #tpu.memory_space<vmem>>, vector<16xi32>,
      tpu.vector_store %arg9[%swap3A_197, %swap3A_198], %broadcast_in_dim3A_190 {strides = array<i32>} : memref<256x128xi32, #tpu.memory_space<vmem>>, vector<16xi32>,
      %scan3A_200 = arith.constant 0 : i32
      %scan3A_201 = arith.constant 5 : i32
      %scan3A_202 = arith.addi %scan3A_133, %scan3A_201 : i32
      %broadcast_in_dim3A_203 = arith.constant 0 : i32
      %broadcast_in_dim3A_204 = vector.broadcast %broadcast_in_dim3A_203 : i32 to vector<16xi32>
      %shift_right_arithmetic3A_205 = arith.constant 3 : i32
      %shift_right_arithmetic3A_206 = arith.shrsi %scan3A_202, %shift_right_arithmetic3A_205 : i32
      %and3A_207 = arith.constant 7 : i32
      %and3A_208 = arith.andi %scan3A_202, %and3A_207 : i32
      %mul3A_209 = arith.constant 16 : i32
      %mul3A_210 = arith.muli %and3A_208, %mul3A_209 : i32
      %swap3A_211 = arith.index_cast %shift_right_arithmetic3A_206 : i32 to index
      %swap3A_212 = arith.index_cast %mul3A_210 : i32 to index
      %swap3A_213 = tpu.vector_load %arg9[%swap3A_211, %swap3A_212] {strides = array<i32>} : memref<256x128xi32, #tpu.memory_space<vmem>>, vector<16xi32>,
      tpu.vector_store %arg9[%swap3A_211, %swap3A_212], %broadcast_in_dim3A_204 {strides = array<i32>} : memref<256x128xi32, #tpu.memory_space<vmem>>, vector<16xi32>,
      %scan3A_214 = arith.constant 0 : i32
      %scan3A_215 = arith.constant 6 : i32
      %scan3A_216 = arith.addi %scan3A_133, %scan3A_215 : i32
      %broadcast_in_dim3A_217 = arith.constant 0 : i32
      %broadcast_in_dim3A_218 = vector.broadcast %broadcast_in_dim3A_217 : i32 to vector<16xi32>
      %shift_right_arithmetic3A_219 = arith.constant 3 : i32
      %shift_right_arithmetic3A_220 = arith.shrsi %scan3A_216, %shift_right_arithmetic3A_219 : i32
      %and3A_221 = arith.constant 7 : i32
      %and3A_222 = arith.andi %scan3A_216, %and3A_221 : i32
      %mul3A_223 = arith.constant 16 : i32
      %mul3A_224 = arith.muli %and3A_222, %mul3A_223 : i32
      %swap3A_225 = arith.index_cast %shift_right_arithmetic3A_220 : i32 to index
      %swap3A_226 = arith.index_cast %mul3A_224 : i32 to index
      %swap3A_227 = tpu.vector_load %arg9[%swap3A_225, %swap3A_226] {strides = array<i32>} : memref<256x128xi32, #tpu.memory_space<vmem>>, vector<16xi32>,
      tpu.vector_store %arg9[%swap3A_225, %swap3A_226], %broadcast_in_dim3A_218 {strides = array<i32>} : memref<256x128xi32, #tpu.memory_space<vmem>>, vector<16xi32>,
      %scan3A_228 = arith.constant 0 : i32
      %scan3A_229 = arith.constant 7 : i32
      %scan3A_230 = arith.addi %scan3A_133, %scan3A_229 : i32
      %broadcast_in_dim3A_231 = arith.constant 0 : i32
      %broadcast_in_dim3A_232 = vector.broadcast %broadcast_in_dim3A_231 : i32 to vector<16xi32>
      %shift_right_arithmetic3A_233 = arith.constant 3 : i32
      %shift_right_arithmetic3A_234 = arith.shrsi %scan3A_230, %shift_right_arithmetic3A_233 : i32
      %and3A_235 = arith.constant 7 : i32
      %and3A_236 = arith.andi %scan3A_230, %and3A_235 : i32
      %mul3A_237 = arith.constant 16 : i32
      %mul3A_238 = arith.muli %and3A_236, %mul3A_237 : i32
      %swap3A_239 = arith.index_cast %shift_right_arithmetic3A_234 : i32 to index
      %swap3A_240 = arith.index_cast %mul3A_238 : i32 to index
      %swap3A_241 = tpu.vector_load %arg9[%swap3A_239, %swap3A_240] {strides = array<i32>} : memref<256x128xi32, #tpu.memory_space<vmem>>, vector<16xi32>,
      tpu.vector_store %arg9[%swap3A_239, %swap3A_240], %broadcast_in_dim3A_232 {strides = array<i32>} : memref<256x128xi32, #tpu.memory_space<vmem>>, vector<16xi32>,
      %scan3A_242 = arith.constant 0 : i32
      scf.yield %scan3A_242 : i32
    }
    %scan3A_46 = arith.constant 2048 : i32
    %scan3A_47 = arith.constant 0 : i32
    %scan3A_48 = arith.constant 0 : i32
    %scan3A_49 = arith.constant 8 : i32
    %scan3A_50 = arith.addi %scan3A_48, %scan3A_49 : i32
    %scan3A_51 = arith.constant 1 : i32
    %scan3A_52 = scf.for %scan3A_133 = %scan3A_48 to %scan3A_50 step %scan3A_51 iter_args(%scan3A_134 = %scan3A_47) -> (i32)  : i32 {
      %mul3A_135 = arith.constant 2 : i32
      %mul3A_136 = arith.muli %scan3A_133, %mul3A_135 : i32
      %add3A_137 = arith.constant 1 : i32
      %add3A_138 = arith.addi %mul3A_136, %add3A_137 : i32
      %mul3A_139 = arith.constant 32 : i32
      %mul3A_140 = arith.muli %add3A_138, %mul3A_139 : i32
      %dma_start3A_141 = arith.constant 0 : i32
      %dma_start3A_142 = tpu.memref_slice %arg2[%add3A, %mul3A_140, %dma_start3A_141] : memref<32x512x512xf32, #tpu.memory_space<hbm>> -> memref<1x32x512xf32, #tpu.memory_space<hbm>>
      %dma_start3A_143 = tpu.memref_squeeze %dma_start3A_142 : memref<1x32x512xf32, #tpu.memory_space<hbm>> -> memref<32x512xf32, #tpu.memory_space<hbm>>
      %dma_start3A_144 = arith.constant 0 : i32
      %dma_start3A_145 = tpu.memref_slice %arg2[%add3A, %mul3A_140, %dma_start3A_144] : memref<32x512x512xf32, #tpu.memory_space<hbm>> -> memref<1x32x512xf32, #tpu.memory_space<hbm>>
      %dma_start3A_146 = tpu.memref_squeeze %dma_start3A_145 : memref<1x32x512xf32, #tpu.memory_space<hbm>> -> memref<32x512xf32, #tpu.memory_space<hbm>>
      tpu.enqueue_dma source(%dma_start3A_146 : memref<32x512xf32, #tpu.memory_space<hbm>>) target(%arg6 : memref<32x512xf32, #tpu.memory_space<vmem>>) target_semaphore(%arg12 : memref<!tpu.dma_semaphore, #tpu.memory_space<semaphore_mem>>)
      %mul3A_147 = arith.constant 32 : i32
      %mul3A_148 = arith.muli %mul3A_136, %mul3A_147 : i32
      %dma_wait3A_149 = arith.constant 0 : i32
      %dma_wait3A_150 = tpu.memref_slice %arg2[%add3A, %mul3A_148, %dma_wait3A_149] : memref<32x512x512xf32, #tpu.memory_space<hbm>> -> memref<1x32x512xf32, #tpu.memory_space<hbm>>
      %dma_wait3A_151 = tpu.memref_squeeze %dma_wait3A_150 : memref<1x32x512xf32, #tpu.memory_space<hbm>> -> memref<32x512xf32, #tpu.memory_space<hbm>>
      %dma_wait3A_152 = arith.constant 0 : i32
      %dma_wait3A_153 = tpu.memref_slice %arg2[%add3A, %mul3A_148, %dma_wait3A_152] : memref<32x512x512xf32, #tpu.memory_space<hbm>> -> memref<1x32x512xf32, #tpu.memory_space<hbm>>
      %dma_wait3A_154 = tpu.memref_squeeze %dma_wait3A_153 : memref<1x32x512xf32, #tpu.memory_space<hbm>> -> memref<32x512xf32, #tpu.memory_space<hbm>>
      tpu.wait_dma2 semaphore(%arg11 : memref<!tpu.dma_semaphore, #tpu.memory_space<semaphore_mem>>) src(%dma_wait3A_154 : memref<32x512xf32, #tpu.memory_space<hbm>>) dst(%arg5 : memref<32x512xf32, #tpu.memory_space<vmem>>)
      %parallel_loop3A_155 = arith.constant 0 : i32
      %parallel_loop3A_156 = arith.constant 1024 : i32
      %parallel_loop3A_157 = arith.constant 1 : i32
      scf.for %parallel_loop3A_177 = %parallel_loop3A_155 to %parallel_loop3A_156 step %parallel_loop3A_157  : i32 {
        %parallel_loop3A_178 = arith.constant 32 : i32
        %parallel_loop3A_179 = arith.divsi %parallel_loop3A_177, %parallel_loop3A_178 : i32
        %parallel_loop3A_180 = arith.constant 0 : i32
        %parallel_loop3A_181 = arith.cmpi sgt, %parallel_loop3A_177, %parallel_loop3A_180 : i32
        %parallel_loop3A_182 = arith.extui %parallel_loop3A_181 : i1 to i32
        %parallel_loop3A_183 = arith.constant 0 : i32
        %parallel_loop3A_184 = arith.cmpi slt, %parallel_loop3A_177, %parallel_loop3A_183 : i32
        %parallel_loop3A_185 = arith.extui %parallel_loop3A_184 : i1 to i32
        %parallel_loop3A_186 = arith.subi %parallel_loop3A_182, %parallel_loop3A_185 : i32
        %parallel_loop3A_187 = arith.constant 0 : i32
        %parallel_loop3A_188 = arith.cmpi sgt, %parallel_loop3A_178, %parallel_loop3A_187 : i32
        %parallel_loop3A_189 = arith.extui %parallel_loop3A_188 : i1 to i32
        %parallel_loop3A_190 = arith.constant 0 : i32
        %parallel_loop3A_191 = arith.cmpi slt, %parallel_loop3A_178, %parallel_loop3A_190 : i32
        %parallel_loop3A_192 = arith.extui %parallel_loop3A_191 : i1 to i32
        %parallel_loop3A_193 = arith.subi %parallel_loop3A_189, %parallel_loop3A_192 : i32
        %parallel_loop3A_194 = arith.cmpi ne, %parallel_loop3A_186, %parallel_loop3A_193 : i32
        %parallel_loop3A_195 = arith.remsi %parallel_loop3A_177, %parallel_loop3A_178 : i32
        %parallel_loop3A_196 = arith.constant 0 : i32
        %parallel_loop3A_197 = arith.cmpi ne, %parallel_loop3A_195, %parallel_loop3A_196 : i32
        %parallel_loop3A_198 = arith.andi %parallel_loop3A_194, %parallel_loop3A_197 : i1
        %parallel_loop3A_199 = arith.constant 1 : i32
        %parallel_loop3A_200 = arith.subi %parallel_loop3A_179, %parallel_loop3A_199 : i32
        %parallel_loop3A_201 = arith.select %parallel_loop3A_198, %parallel_loop3A_200, %parallel_loop3A_179 : i32
        %parallel_loop3A_202 = arith.constant 32 : i32
        %parallel_loop3A_203 = arith.constant 0 : i32
        %parallel_loop3A_204 = arith.cmpi eq, %parallel_loop3A_202, %parallel_loop3A_203 : i32
        %parallel_loop3A_205 = arith.constant 1 : i32
        %parallel_loop3A_206 = arith.select %parallel_loop3A_204, %parallel_loop3A_205, %parallel_loop3A_202 : i32
        %parallel_loop3A_207 = arith.remsi %parallel_loop3A_177, %parallel_loop3A_206 : i32
        %parallel_loop3A_208 = arith.constant 0 : i32
        %parallel_loop3A_209 = arith.cmpi ne, %parallel_loop3A_207, %parallel_loop3A_208 : i32
        %parallel_loop3A_210 = arith.constant 0 : i32
        %parallel_loop3A_211 = arith.cmpi slt, %parallel_loop3A_207, %parallel_loop3A_210 : i32
        %parallel_loop3A_212 = arith.constant 0 : i32
        %parallel_loop3A_213 = arith.cmpi slt, %parallel_loop3A_206, %parallel_loop3A_212 : i32
        %parallel_loop3A_214 = arith.xori %parallel_loop3A_211, %parallel_loop3A_213 : i1
        %parallel_loop3A_215 = arith.andi %parallel_loop3A_214, %parallel_loop3A_209 : i1
        %parallel_loop3A_216 = arith.addi %parallel_loop3A_207, %parallel_loop3A_206 : i32
        %parallel_loop3A_217 = arith.select %parallel_loop3A_215, %parallel_loop3A_216, %parallel_loop3A_207 : i32
        %parallel_loop3A_218 = arith.constant 16 : i32
        %parallel_loop3A_219 = arith.muli %parallel_loop3A_217, %parallel_loop3A_218 : i32
        %parallel_loop3A_220 = arith.index_cast %parallel_loop3A_201 : i32 to index
        %parallel_loop3A_221 = arith.index_cast %parallel_loop3A_219 : i32 to index
        %parallel_loop3A_222 = tpu.vector_load %arg5[%parallel_loop3A_220, %parallel_loop3A_221] {strides = array<i32>} : memref<32x512xf32, #tpu.memory_space<vmem>>, vector<16xf32>,
        %parallel_loop3A_223 = tpu.bitcast %parallel_loop3A_222 : vector<16xf32> -> vector<16xi32>
        %parallel_loop3A_224 = arith.constant 31 : i32
        %parallel_loop3A_225 = vector.broadcast %parallel_loop3A_224 : i32 to vector<16xi32>
        %parallel_loop3A_226 = arith.shrsi %parallel_loop3A_223, %parallel_loop3A_225 : vector<16xi32>
        %parallel_loop3A_227 = arith.constant -2147483648 : i32
        %parallel_loop3A_228 = vector.broadcast %parallel_loop3A_227 : i32 to vector<16xi32>
        %parallel_loop3A_229 = arith.ori %parallel_loop3A_226, %parallel_loop3A_228 : vector<16xi32>
        %parallel_loop3A_230 = arith.xori %parallel_loop3A_223, %parallel_loop3A_229 : vector<16xi32>
        %parallel_loop3A_231 = arith.constant 10 : i32
        %parallel_loop3A_232 = vector.broadcast %parallel_loop3A_231 : i32 to vector<16xi32>
        %parallel_loop3A_233 = arith.shrui %parallel_loop3A_230, %parallel_loop3A_232 : vector<16xi32>
        %parallel_loop3A_234 = arith.constant 2047 : i32
        %parallel_loop3A_235 = vector.broadcast %parallel_loop3A_234 : i32 to vector<16xi32>
        %parallel_loop3A_236 = arith.andi %parallel_loop3A_233, %parallel_loop3A_235 : vector<16xi32>
        %parallel_loop3A_237 = arith.constant 3 : i32
        %parallel_loop3A_238 = vector.broadcast %parallel_loop3A_237 : i32 to vector<16xi32>
        %parallel_loop3A_239 = arith.shrui %parallel_loop3A_236, %parallel_loop3A_238 : vector<16xi32>
        %parallel_loop3A_240 = arith.constant 7 : i32
        %parallel_loop3A_241 = vector.broadcast %parallel_loop3A_240 : i32 to vector<16xi32>
        %parallel_loop3A_242 = arith.andi %parallel_loop3A_236, %parallel_loop3A_241 : vector<16xi32>
        %parallel_loop3A_243 = arith.constant 4 : i32
        %parallel_loop3A_244 = vector.broadcast %parallel_loop3A_243 : i32 to vector<16xi32>
        %parallel_loop3A_245 = arith.shli %parallel_loop3A_242, %parallel_loop3A_244 : vector<16xi32>
        %parallel_loop3A_246 = arith.ori %parallel_loop3A_245, %iota3A : vector<16xi32>
        %parallel_loop3A_247 = arith.constant 21 : i32
        %parallel_loop3A_248 = vector.broadcast %parallel_loop3A_247 : i32 to vector<16xi32>
        %parallel_loop3A_249 = arith.shrui %parallel_loop3A_230, %parallel_loop3A_248 : vector<16xi32>
        %parallel_loop3A_250 = vector.broadcast %or3A : i32 to vector<16xi32>
        %parallel_loop3A_251 = arith.cmpi eq, %parallel_loop3A_249, %parallel_loop3A_250 : vector<16xi32>
        tpu.vector_store_idx %arg9[%parallel_loop3A_239, %parallel_loop3A_246], %broadcast_in_dim3A_1 masked %parallel_loop3A_251 {add = true} : memref<256x128xi32, #tpu.memory_space<vmem>>[vector<16xi32>, vector<16xi32>], vector<16xi32>, vector<16xi1>
      } {sc.loop_unroll_factor = 8 : i64, sc.parallel_access}
      %add3A_158 = arith.constant 1 : i32
      %add3A_159 = arith.addi %scan3A_133, %add3A_158 : i32
      %lt3A = arith.constant 8 : i32
      %lt3A_160 = arith.cmpi slt, %add3A_159, %lt3A : i32
      %convert_element_type3A_161 = arith.extui %lt3A_160 : i1 to i32
      %cond3A = arith.constant 0 : i32
      %cond3A_162 = arith.cmpi ne, %convert_element_type3A_161, %cond3A : i32
      scf.if %cond3A_162 {
        %add3A_177 = arith.constant 2 : i32
        %add3A_178 = arith.addi %mul3A_136, %add3A_177 : i32
        %mul3A_179 = arith.constant 32 : i32
        %mul3A_180 = arith.muli %add3A_178, %mul3A_179 : i32
        %dma_start3A_181 = arith.constant 0 : i32
        %dma_start3A_182 = tpu.memref_slice %arg2[%add3A, %mul3A_180, %dma_start3A_181] : memref<32x512x512xf32, #tpu.memory_space<hbm>> -> memref<1x32x512xf32, #tpu.memory_space<hbm>>
        %dma_start3A_183 = tpu.memref_squeeze %dma_start3A_182 : memref<1x32x512xf32, #tpu.memory_space<hbm>> -> memref<32x512xf32, #tpu.memory_space<hbm>>
        %dma_start3A_184 = arith.constant 0 : i32
        %dma_start3A_185 = tpu.memref_slice %arg2[%add3A, %mul3A_180, %dma_start3A_184] : memref<32x512x512xf32, #tpu.memory_space<hbm>> -> memref<1x32x512xf32, #tpu.memory_space<hbm>>
        %dma_start3A_186 = tpu.memref_squeeze %dma_start3A_185 : memref<1x32x512xf32, #tpu.memory_space<hbm>> -> memref<32x512xf32, #tpu.memory_space<hbm>>
        tpu.enqueue_dma source(%dma_start3A_186 : memref<32x512xf32, #tpu.memory_space<hbm>>) target(%arg5 : memref<32x512xf32, #tpu.memory_space<vmem>>) target_semaphore(%arg11 : memref<!tpu.dma_semaphore, #tpu.memory_space<semaphore_mem>>)
      } else {
      }
      %add3A_163 = arith.constant 1 : i32
      %add3A_164 = arith.addi %mul3A_136, %add3A_163 : i32
      %mul3A_165 = arith.constant 32 : i32
      %mul3A_166 = arith.muli %add3A_164, %mul3A_165 : i32
      %dma_wait3A_167 = arith.constant 0 : i32
      %dma_wait3A_168 = tpu.memref_slice %arg2[%add3A, %mul3A_166, %dma_wait3A_167] : memref<32x512x512xf32, #tpu.memory_space<hbm>> -> memref<1x32x512xf32, #tpu.memory_space<hbm>>
      %dma_wait3A_169 = tpu.memref_squeeze %dma_wait3A_168 : memref<1x32x512xf32, #tpu.memory_space<hbm>> -> memref<32x512xf32, #tpu.memory_space<hbm>>
      %dma_wait3A_170 = arith.constant 0 : i32
      %dma_wait3A_171 = tpu.memref_slice %arg2[%add3A, %mul3A_166, %dma_wait3A_170] : memref<32x512x512xf32, #tpu.memory_space<hbm>> -> memref<1x32x512xf32, #tpu.memory_space<hbm>>
      %dma_wait3A_172 = tpu.memref_squeeze %dma_wait3A_171 : memref<1x32x512xf32, #tpu.memory_space<hbm>> -> memref<32x512xf32, #tpu.memory_space<hbm>>
      tpu.wait_dma2 semaphore(%arg12 : memref<!tpu.dma_semaphore, #tpu.memory_space<semaphore_mem>>) src(%dma_wait3A_172 : memref<32x512xf32, #tpu.memory_space<hbm>>) dst(%arg6 : memref<32x512xf32, #tpu.memory_space<vmem>>)
      %parallel_loop3A_173 = arith.constant 0 : i32
      %parallel_loop3A_174 = arith.constant 1024 : i32
      %parallel_loop3A_175 = arith.constant 1 : i32
      scf.for %parallel_loop3A_177 = %parallel_loop3A_173 to %parallel_loop3A_174 step %parallel_loop3A_175  : i32 {
        %parallel_loop3A_178 = arith.constant 32 : i32
        %parallel_loop3A_179 = arith.divsi %parallel_loop3A_177, %parallel_loop3A_178 : i32
        %parallel_loop3A_180 = arith.constant 0 : i32
        %parallel_loop3A_181 = arith.cmpi sgt, %parallel_loop3A_177, %parallel_loop3A_180 : i32
        %parallel_loop3A_182 = arith.extui %parallel_loop3A_181 : i1 to i32
        %parallel_loop3A_183 = arith.constant 0 : i32
        %parallel_loop3A_184 = arith.cmpi slt, %parallel_loop3A_177, %parallel_loop3A_183 : i32
        %parallel_loop3A_185 = arith.extui %parallel_loop3A_184 : i1 to i32
        %parallel_loop3A_186 = arith.subi %parallel_loop3A_182, %parallel_loop3A_185 : i32
        %parallel_loop3A_187 = arith.constant 0 : i32
        %parallel_loop3A_188 = arith.cmpi sgt, %parallel_loop3A_178, %parallel_loop3A_187 : i32
        %parallel_loop3A_189 = arith.extui %parallel_loop3A_188 : i1 to i32
        %parallel_loop3A_190 = arith.constant 0 : i32
        %parallel_loop3A_191 = arith.cmpi slt, %parallel_loop3A_178, %parallel_loop3A_190 : i32
        %parallel_loop3A_192 = arith.extui %parallel_loop3A_191 : i1 to i32
        %parallel_loop3A_193 = arith.subi %parallel_loop3A_189, %parallel_loop3A_192 : i32
        %parallel_loop3A_194 = arith.cmpi ne, %parallel_loop3A_186, %parallel_loop3A_193 : i32
        %parallel_loop3A_195 = arith.remsi %parallel_loop3A_177, %parallel_loop3A_178 : i32
        %parallel_loop3A_196 = arith.constant 0 : i32
        %parallel_loop3A_197 = arith.cmpi ne, %parallel_loop3A_195, %parallel_loop3A_196 : i32
        %parallel_loop3A_198 = arith.andi %parallel_loop3A_194, %parallel_loop3A_197 : i1
        %parallel_loop3A_199 = arith.constant 1 : i32
        %parallel_loop3A_200 = arith.subi %parallel_loop3A_179, %parallel_loop3A_199 : i32
        %parallel_loop3A_201 = arith.select %parallel_loop3A_198, %parallel_loop3A_200, %parallel_loop3A_179 : i32
        %parallel_loop3A_202 = arith.constant 32 : i32
        %parallel_loop3A_203 = arith.constant 0 : i32
        %parallel_loop3A_204 = arith.cmpi eq, %parallel_loop3A_202, %parallel_loop3A_203 : i32
        %parallel_loop3A_205 = arith.constant 1 : i32
        %parallel_loop3A_206 = arith.select %parallel_loop3A_204, %parallel_loop3A_205, %parallel_loop3A_202 : i32
        %parallel_loop3A_207 = arith.remsi %parallel_loop3A_177, %parallel_loop3A_206 : i32
        %parallel_loop3A_208 = arith.constant 0 : i32
        %parallel_loop3A_209 = arith.cmpi ne, %parallel_loop3A_207, %parallel_loop3A_208 : i32
        %parallel_loop3A_210 = arith.constant 0 : i32
        %parallel_loop3A_211 = arith.cmpi slt, %parallel_loop3A_207, %parallel_loop3A_210 : i32
        %parallel_loop3A_212 = arith.constant 0 : i32
        %parallel_loop3A_213 = arith.cmpi slt, %parallel_loop3A_206, %parallel_loop3A_212 : i32
        %parallel_loop3A_214 = arith.xori %parallel_loop3A_211, %parallel_loop3A_213 : i1
        %parallel_loop3A_215 = arith.andi %parallel_loop3A_214, %parallel_loop3A_209 : i1
        %parallel_loop3A_216 = arith.addi %parallel_loop3A_207, %parallel_loop3A_206 : i32
        %parallel_loop3A_217 = arith.select %parallel_loop3A_215, %parallel_loop3A_216, %parallel_loop3A_207 : i32
        %parallel_loop3A_218 = arith.constant 16 : i32
        %parallel_loop3A_219 = arith.muli %parallel_loop3A_217, %parallel_loop3A_218 : i32
        %parallel_loop3A_220 = arith.index_cast %parallel_loop3A_201 : i32 to index
        %parallel_loop3A_221 = arith.index_cast %parallel_loop3A_219 : i32 to index
        %parallel_loop3A_222 = tpu.vector_load %arg6[%parallel_loop3A_220, %parallel_loop3A_221] {strides = array<i32>} : memref<32x512xf32, #tpu.memory_space<vmem>>, vector<16xf32>,
        %parallel_loop3A_223 = tpu.bitcast %parallel_loop3A_222 : vector<16xf32> -> vector<16xi32>
        %parallel_loop3A_224 = arith.constant 31 : i32
        %parallel_loop3A_225 = vector.broadcast %parallel_loop3A_224 : i32 to vector<16xi32>
        %parallel_loop3A_226 = arith.shrsi %parallel_loop3A_223, %parallel_loop3A_225 : vector<16xi32>
        %parallel_loop3A_227 = arith.constant -2147483648 : i32
        %parallel_loop3A_228 = vector.broadcast %parallel_loop3A_227 : i32 to vector<16xi32>
        %parallel_loop3A_229 = arith.ori %parallel_loop3A_226, %parallel_loop3A_228 : vector<16xi32>
        %parallel_loop3A_230 = arith.xori %parallel_loop3A_223, %parallel_loop3A_229 : vector<16xi32>
        %parallel_loop3A_231 = arith.constant 10 : i32
        %parallel_loop3A_232 = vector.broadcast %parallel_loop3A_231 : i32 to vector<16xi32>
        %parallel_loop3A_233 = arith.shrui %parallel_loop3A_230, %parallel_loop3A_232 : vector<16xi32>
        %parallel_loop3A_234 = arith.constant 2047 : i32
        %parallel_loop3A_235 = vector.broadcast %parallel_loop3A_234 : i32 to vector<16xi32>
        %parallel_loop3A_236 = arith.andi %parallel_loop3A_233, %parallel_loop3A_235 : vector<16xi32>
        %parallel_loop3A_237 = arith.constant 3 : i32
        %parallel_loop3A_238 = vector.broadcast %parallel_loop3A_237 : i32 to vector<16xi32>
        %parallel_loop3A_239 = arith.shrui %parallel_loop3A_236, %parallel_loop3A_238 : vector<16xi32>
        %parallel_loop3A_240 = arith.constant 7 : i32
        %parallel_loop3A_241 = vector.broadcast %parallel_loop3A_240 : i32 to vector<16xi32>
        %parallel_loop3A_242 = arith.andi %parallel_loop3A_236, %parallel_loop3A_241 : vector<16xi32>
        %parallel_loop3A_243 = arith.constant 4 : i32
        %parallel_loop3A_244 = vector.broadcast %parallel_loop3A_243 : i32 to vector<16xi32>
        %parallel_loop3A_245 = arith.shli %parallel_loop3A_242, %parallel_loop3A_244 : vector<16xi32>
        %parallel_loop3A_246 = arith.ori %parallel_loop3A_245, %iota3A : vector<16xi32>
        %parallel_loop3A_247 = arith.constant 21 : i32
        %parallel_loop3A_248 = vector.broadcast %parallel_loop3A_247 : i32 to vector<16xi32>
        %parallel_loop3A_249 = arith.shrui %parallel_loop3A_230, %parallel_loop3A_248 : vector<16xi32>
        %parallel_loop3A_250 = vector.broadcast %or3A : i32 to vector<16xi32>
        %parallel_loop3A_251 = arith.cmpi eq, %parallel_loop3A_249, %parallel_loop3A_250 : vector<16xi32>
        tpu.vector_store_idx %arg9[%parallel_loop3A_239, %parallel_loop3A_246], %broadcast_in_dim3A_1 masked %parallel_loop3A_251 {add = true} : memref<256x128xi32, #tpu.memory_space<vmem>>[vector<16xi32>, vector<16xi32>], vector<16xi32>, vector<16xi1>
      } {sc.loop_unroll_factor = 8 : i64, sc.parallel_access}
      %scan3A_176 = arith.constant 0 : i32
      scf.yield %scan3A_176 : i32
    }
    %scan3A_53 = arith.constant 8 : i32
    %dma_start3A_54 = arith.constant 0 : i32
    %dma_start3A_55 = arith.constant 0 : i32
    %dma_start3A_56 = tpu.memref_slice %arg2[%add3A, %dma_start3A_54, %dma_start3A_55] : memref<32x512x512xf32, #tpu.memory_space<hbm>> -> memref<1x32x512xf32, #tpu.memory_space<hbm>>
    %dma_start3A_57 = tpu.memref_squeeze %dma_start3A_56 : memref<1x32x512xf32, #tpu.memory_space<hbm>> -> memref<32x512xf32, #tpu.memory_space<hbm>>
    %dma_start3A_58 = arith.constant 0 : i32
    %dma_start3A_59 = arith.constant 0 : i32
    %dma_start3A_60 = tpu.memref_slice %arg2[%add3A, %dma_start3A_58, %dma_start3A_59] : memref<32x512x512xf32, #tpu.memory_space<hbm>> -> memref<1x32x512xf32, #tpu.memory_space<hbm>>
    %dma_start3A_61 = tpu.memref_squeeze %dma_start3A_60 : memref<1x32x512xf32, #tpu.memory_space<hbm>> -> memref<32x512xf32, #tpu.memory_space<hbm>>
    tpu.enqueue_dma source(%dma_start3A_61 : memref<32x512xf32, #tpu.memory_space<hbm>>) target(%arg5 : memref<32x512xf32, #tpu.memory_space<vmem>>) target_semaphore(%arg11 : memref<!tpu.dma_semaphore, #tpu.memory_space<semaphore_mem>>)
    %parallel_loop3A_62 = arith.constant 0 : i32
    %parallel_loop3A_63 = arith.constant 2048 : i32
    %parallel_loop3A_64 = arith.constant 1 : i32
    %parallel_loop3A_65 = arith.constant 0 : i32
    %parallel_loop3A_66 = arith.constant 0 : i32
    %parallel_loop3A_67 = arith.constant 0 : i32
    %parallel_loop3A_68:3 = scf.for %parallel_loop3A_133 = %parallel_loop3A_62 to %parallel_loop3A_63 step %parallel_loop3A_64 iter_args(%parallel_loop3A_134 = %parallel_loop3A_65, %parallel_loop3A_135 = %parallel_loop3A_66, %parallel_loop3A_136 = %parallel_loop3A_67) -> (i32, i32, i32)  : i32 {
      %parallel_loop3A_137 = arith.constant 2047 : i32
      %parallel_loop3A_138 = arith.subi %parallel_loop3A_137, %parallel_loop3A_133 : i32
      %parallel_loop3A_139 = arith.constant 3 : i32
      %parallel_loop3A_140 = arith.shrsi %parallel_loop3A_138, %parallel_loop3A_139 : i32
      %parallel_loop3A_141 = arith.constant 7 : i32
      %parallel_loop3A_142 = arith.andi %parallel_loop3A_138, %parallel_loop3A_141 : i32
      %parallel_loop3A_143 = arith.constant 16 : i32
      %parallel_loop3A_144 = arith.muli %parallel_loop3A_142, %parallel_loop3A_143 : i32
      %parallel_loop3A_145 = arith.index_cast %parallel_loop3A_140 : i32 to index
      %parallel_loop3A_146 = arith.index_cast %parallel_loop3A_144 : i32 to index
      %parallel_loop3A_147 = tpu.vector_load %arg9[%parallel_loop3A_145, %parallel_loop3A_146] {strides = array<i32>} : memref<256x128xi32, #tpu.memory_space<vmem>>, vector<16xi32>,
      %parallel_loop3A_148 = arith.constant true
      %parallel_loop3A_149 = vector.broadcast %parallel_loop3A_148 : i1 to vector<16xi1>
      %parallel_loop3A_150 = tpu.scan <sum>, %parallel_loop3A_147 masked %parallel_loop3A_149 : vector<16xi32>, vector<16xi1> -> vector<16xi32>
      %parallel_loop3A_151 = vector.extract %parallel_loop3A_150[15] : i32 from vector<16xi32>
      %parallel_loop3A_152 = arith.addi %parallel_loop3A_134, %parallel_loop3A_151 : i32
      %parallel_loop3A_153 = arith.cmpi slt, %parallel_loop3A_134, %sub3A_39 : i32
      %parallel_loop3A_154 = arith.cmpi sge, %parallel_loop3A_152, %sub3A_39 : i32
      %parallel_loop3A_155 = arith.andi %parallel_loop3A_153, %parallel_loop3A_154 : i1
      %parallel_loop3A_156 = arith.select %parallel_loop3A_155, %parallel_loop3A_138, %parallel_loop3A_135 : i32
      %parallel_loop3A_157 = arith.select %parallel_loop3A_155, %parallel_loop3A_134, %parallel_loop3A_136 : i32
      scf.yield %parallel_loop3A_152, %parallel_loop3A_156, %parallel_loop3A_157 : i32, i32, i32
    } {sc.loop_unroll_factor = 4 : i64, sc.parallel_access}
    %shift_left3A_69 = arith.constant 11 : i32
    %shift_left3A_70 = arith.shli %or3A, %shift_left3A_69 : i32
    %or3A_71 = arith.ori %shift_left3A_70, %parallel_loop3A_68#1 : i32
    %sub3A_72 = arith.subi %sub3A_39, %parallel_loop3A_68#2 : i32
    %scan3A_73 = arith.constant 0 : i32
    %scan3A_74 = arith.constant 0 : i32
    %scan3A_75 = arith.constant 1024 : i32
    %scan3A_76 = arith.addi %scan3A_74, %scan3A_75 : i32
    %scan3A_77 = arith.constant 8 : i32
    %scan3A_78 = scf.for %scan3A_133 = %scan3A_74 to %scan3A_76 step %scan3A_77 iter_args(%scan3A_134 = %scan3A_73) -> (i32)  : i32 {
      %broadcast_in_dim3A_135 = arith.constant 0 : i32
      %broadcast_in_dim3A_136 = vector.broadcast %broadcast_in_dim3A_135 : i32 to vector<16xi32>
      %shift_right_arithmetic3A = arith.constant 3 : i32
      %shift_right_arithmetic3A_137 = arith.shrsi %scan3A_133, %shift_right_arithmetic3A : i32
      %and3A = arith.constant 7 : i32
      %and3A_138 = arith.andi %scan3A_133, %and3A : i32
      %mul3A_139 = arith.constant 16 : i32
      %mul3A_140 = arith.muli %and3A_138, %mul3A_139 : i32
      %swap3A_141 = arith.index_cast %shift_right_arithmetic3A_137 : i32 to index
      %swap3A_142 = arith.index_cast %mul3A_140 : i32 to index
      %swap3A_143 = tpu.vector_load %arg9[%swap3A_141, %swap3A_142] {strides = array<i32>} : memref<256x128xi32, #tpu.memory_space<vmem>>, vector<16xi32>,
      tpu.vector_store %arg9[%swap3A_141, %swap3A_142], %broadcast_in_dim3A_136 {strides = array<i32>} : memref<256x128xi32, #tpu.memory_space<vmem>>, vector<16xi32>,
      %scan3A_144 = arith.constant 0 : i32
      %scan3A_145 = arith.constant 1 : i32
      %scan3A_146 = arith.addi %scan3A_133, %scan3A_145 : i32
      %broadcast_in_dim3A_147 = arith.constant 0 : i32
      %broadcast_in_dim3A_148 = vector.broadcast %broadcast_in_dim3A_147 : i32 to vector<16xi32>
      %shift_right_arithmetic3A_149 = arith.constant 3 : i32
      %shift_right_arithmetic3A_150 = arith.shrsi %scan3A_146, %shift_right_arithmetic3A_149 : i32
      %and3A_151 = arith.constant 7 : i32
      %and3A_152 = arith.andi %scan3A_146, %and3A_151 : i32
      %mul3A_153 = arith.constant 16 : i32
      %mul3A_154 = arith.muli %and3A_152, %mul3A_153 : i32
      %swap3A_155 = arith.index_cast %shift_right_arithmetic3A_150 : i32 to index
      %swap3A_156 = arith.index_cast %mul3A_154 : i32 to index
      %swap3A_157 = tpu.vector_load %arg9[%swap3A_155, %swap3A_156] {strides = array<i32>} : memref<256x128xi32, #tpu.memory_space<vmem>>, vector<16xi32>,
      tpu.vector_store %arg9[%swap3A_155, %swap3A_156], %broadcast_in_dim3A_148 {strides = array<i32>} : memref<256x128xi32, #tpu.memory_space<vmem>>, vector<16xi32>,
      %scan3A_158 = arith.constant 0 : i32
      %scan3A_159 = arith.constant 2 : i32
      %scan3A_160 = arith.addi %scan3A_133, %scan3A_159 : i32
      %broadcast_in_dim3A_161 = arith.constant 0 : i32
      %broadcast_in_dim3A_162 = vector.broadcast %broadcast_in_dim3A_161 : i32 to vector<16xi32>
      %shift_right_arithmetic3A_163 = arith.constant 3 : i32
      %shift_right_arithmetic3A_164 = arith.shrsi %scan3A_160, %shift_right_arithmetic3A_163 : i32
      %and3A_165 = arith.constant 7 : i32
      %and3A_166 = arith.andi %scan3A_160, %and3A_165 : i32
      %mul3A_167 = arith.constant 16 : i32
      %mul3A_168 = arith.muli %and3A_166, %mul3A_167 : i32
      %swap3A_169 = arith.index_cast %shift_right_arithmetic3A_164 : i32 to index
      %swap3A_170 = arith.index_cast %mul3A_168 : i32 to index
      %swap3A_171 = tpu.vector_load %arg9[%swap3A_169, %swap3A_170] {strides = array<i32>} : memref<256x128xi32, #tpu.memory_space<vmem>>, vector<16xi32>,
      tpu.vector_store %arg9[%swap3A_169, %swap3A_170], %broadcast_in_dim3A_162 {strides = array<i32>} : memref<256x128xi32, #tpu.memory_space<vmem>>, vector<16xi32>,
      %scan3A_172 = arith.constant 0 : i32
      %scan3A_173 = arith.constant 3 : i32
      %scan3A_174 = arith.addi %scan3A_133, %scan3A_173 : i32
      %broadcast_in_dim3A_175 = arith.constant 0 : i32
      %broadcast_in_dim3A_176 = vector.broadcast %broadcast_in_dim3A_175 : i32 to vector<16xi32>
      %shift_right_arithmetic3A_177 = arith.constant 3 : i32
      %shift_right_arithmetic3A_178 = arith.shrsi %scan3A_174, %shift_right_arithmetic3A_177 : i32
      %and3A_179 = arith.constant 7 : i32
      %and3A_180 = arith.andi %scan3A_174, %and3A_179 : i32
      %mul3A_181 = arith.constant 16 : i32
      %mul3A_182 = arith.muli %and3A_180, %mul3A_181 : i32
      %swap3A_183 = arith.index_cast %shift_right_arithmetic3A_178 : i32 to index
      %swap3A_184 = arith.index_cast %mul3A_182 : i32 to index
      %swap3A_185 = tpu.vector_load %arg9[%swap3A_183, %swap3A_184] {strides = array<i32>} : memref<256x128xi32, #tpu.memory_space<vmem>>, vector<16xi32>,
      tpu.vector_store %arg9[%swap3A_183, %swap3A_184], %broadcast_in_dim3A_176 {strides = array<i32>} : memref<256x128xi32, #tpu.memory_space<vmem>>, vector<16xi32>,
      %scan3A_186 = arith.constant 0 : i32
      %scan3A_187 = arith.constant 4 : i32
      %scan3A_188 = arith.addi %scan3A_133, %scan3A_187 : i32
      %broadcast_in_dim3A_189 = arith.constant 0 : i32
      %broadcast_in_dim3A_190 = vector.broadcast %broadcast_in_dim3A_189 : i32 to vector<16xi32>
      %shift_right_arithmetic3A_191 = arith.constant 3 : i32
      %shift_right_arithmetic3A_192 = arith.shrsi %scan3A_188, %shift_right_arithmetic3A_191 : i32
      %and3A_193 = arith.constant 7 : i32
      %and3A_194 = arith.andi %scan3A_188, %and3A_193 : i32
      %mul3A_195 = arith.constant 16 : i32
      %mul3A_196 = arith.muli %and3A_194, %mul3A_195 : i32
      %swap3A_197 = arith.index_cast %shift_right_arithmetic3A_192 : i32 to index
      %swap3A_198 = arith.index_cast %mul3A_196 : i32 to index
      %swap3A_199 = tpu.vector_load %arg9[%swap3A_197, %swap3A_198] {strides = array<i32>} : memref<256x128xi32, #tpu.memory_space<vmem>>, vector<16xi32>,
      tpu.vector_store %arg9[%swap3A_197, %swap3A_198], %broadcast_in_dim3A_190 {strides = array<i32>} : memref<256x128xi32, #tpu.memory_space<vmem>>, vector<16xi32>,
      %scan3A_200 = arith.constant 0 : i32
      %scan3A_201 = arith.constant 5 : i32
      %scan3A_202 = arith.addi %scan3A_133, %scan3A_201 : i32
      %broadcast_in_dim3A_203 = arith.constant 0 : i32
      %broadcast_in_dim3A_204 = vector.broadcast %broadcast_in_dim3A_203 : i32 to vector<16xi32>
      %shift_right_arithmetic3A_205 = arith.constant 3 : i32
      %shift_right_arithmetic3A_206 = arith.shrsi %scan3A_202, %shift_right_arithmetic3A_205 : i32
      %and3A_207 = arith.constant 7 : i32
      %and3A_208 = arith.andi %scan3A_202, %and3A_207 : i32
      %mul3A_209 = arith.constant 16 : i32
      %mul3A_210 = arith.muli %and3A_208, %mul3A_209 : i32
      %swap3A_211 = arith.index_cast %shift_right_arithmetic3A_206 : i32 to index
      %swap3A_212 = arith.index_cast %mul3A_210 : i32 to index
      %swap3A_213 = tpu.vector_load %arg9[%swap3A_211, %swap3A_212] {strides = array<i32>} : memref<256x128xi32, #tpu.memory_space<vmem>>, vector<16xi32>,
      tpu.vector_store %arg9[%swap3A_211, %swap3A_212], %broadcast_in_dim3A_204 {strides = array<i32>} : memref<256x128xi32, #tpu.memory_space<vmem>>, vector<16xi32>,
      %scan3A_214 = arith.constant 0 : i32
      %scan3A_215 = arith.constant 6 : i32
      %scan3A_216 = arith.addi %scan3A_133, %scan3A_215 : i32
      %broadcast_in_dim3A_217 = arith.constant 0 : i32
      %broadcast_in_dim3A_218 = vector.broadcast %broadcast_in_dim3A_217 : i32 to vector<16xi32>
      %shift_right_arithmetic3A_219 = arith.constant 3 : i32
      %shift_right_arithmetic3A_220 = arith.shrsi %scan3A_216, %shift_right_arithmetic3A_219 : i32
      %and3A_221 = arith.constant 7 : i32
      %and3A_222 = arith.andi %scan3A_216, %and3A_221 : i32
      %mul3A_223 = arith.constant 16 : i32
      %mul3A_224 = arith.muli %and3A_222, %mul3A_223 : i32
      %swap3A_225 = arith.index_cast %shift_right_arithmetic3A_220 : i32 to index
      %swap3A_226 = arith.index_cast %mul3A_224 : i32 to index
      %swap3A_227 = tpu.vector_load %arg9[%swap3A_225, %swap3A_226] {strides = array<i32>} : memref<256x128xi32, #tpu.memory_space<vmem>>, vector<16xi32>,
      tpu.vector_store %arg9[%swap3A_225, %swap3A_226], %broadcast_in_dim3A_218 {strides = array<i32>} : memref<256x128xi32, #tpu.memory_space<vmem>>, vector<16xi32>,
      %scan3A_228 = arith.constant 0 : i32
      %scan3A_229 = arith.constant 7 : i32
      %scan3A_230 = arith.addi %scan3A_133, %scan3A_229 : i32
      %broadcast_in_dim3A_231 = arith.constant 0 : i32
      %broadcast_in_dim3A_232 = vector.broadcast %broadcast_in_dim3A_231 : i32 to vector<16xi32>
      %shift_right_arithmetic3A_233 = arith.constant 3 : i32
      %shift_right_arithmetic3A_234 = arith.shrsi %scan3A_230, %shift_right_arithmetic3A_233 : i32
      %and3A_235 = arith.constant 7 : i32
      %and3A_236 = arith.andi %scan3A_230, %and3A_235 : i32
      %mul3A_237 = arith.constant 16 : i32
      %mul3A_238 = arith.muli %and3A_236, %mul3A_237 : i32
      %swap3A_239 = arith.index_cast %shift_right_arithmetic3A_234 : i32 to index
      %swap3A_240 = arith.index_cast %mul3A_238 : i32 to index
      %swap3A_241 = tpu.vector_load %arg9[%swap3A_239, %swap3A_240] {strides = array<i32>} : memref<256x128xi32, #tpu.memory_space<vmem>>, vector<16xi32>,
      tpu.vector_store %arg9[%swap3A_239, %swap3A_240], %broadcast_in_dim3A_232 {strides = array<i32>} : memref<256x128xi32, #tpu.memory_space<vmem>>, vector<16xi32>,
      %scan3A_242 = arith.constant 0 : i32
      scf.yield %scan3A_242 : i32
    }
    %scan3A_79 = arith.constant 1024 : i32
    %scan3A_80 = arith.constant 0 : i32
    %scan3A_81 = arith.constant 0 : i32
    %scan3A_82 = arith.constant 8 : i32
    %scan3A_83 = arith.addi %scan3A_81, %scan3A_82 : i32
    %scan3A_84 = arith.constant 1 : i32
    %scan3A_85 = scf.for %scan3A_133 = %scan3A_81 to %scan3A_83 step %scan3A_84 iter_args(%scan3A_134 = %scan3A_80) -> (i32)  : i32 {
      %mul3A_135 = arith.constant 2 : i32
      %mul3A_136 = arith.muli %scan3A_133, %mul3A_135 : i32
      %add3A_137 = arith.constant 1 : i32
      %add3A_138 = arith.addi %mul3A_136, %add3A_137 : i32
      %mul3A_139 = arith.constant 32 : i32
      %mul3A_140 = arith.muli %add3A_138, %mul3A_139 : i32
      %dma_start3A_141 = arith.constant 0 : i32
      %dma_start3A_142 = tpu.memref_slice %arg2[%add3A, %mul3A_140, %dma_start3A_141] : memref<32x512x512xf32, #tpu.memory_space<hbm>> -> memref<1x32x512xf32, #tpu.memory_space<hbm>>
      %dma_start3A_143 = tpu.memref_squeeze %dma_start3A_142 : memref<1x32x512xf32, #tpu.memory_space<hbm>> -> memref<32x512xf32, #tpu.memory_space<hbm>>
      %dma_start3A_144 = arith.constant 0 : i32
      %dma_start3A_145 = tpu.memref_slice %arg2[%add3A, %mul3A_140, %dma_start3A_144] : memref<32x512x512xf32, #tpu.memory_space<hbm>> -> memref<1x32x512xf32, #tpu.memory_space<hbm>>
      %dma_start3A_146 = tpu.memref_squeeze %dma_start3A_145 : memref<1x32x512xf32, #tpu.memory_space<hbm>> -> memref<32x512xf32, #tpu.memory_space<hbm>>
      tpu.enqueue_dma source(%dma_start3A_146 : memref<32x512xf32, #tpu.memory_space<hbm>>) target(%arg6 : memref<32x512xf32, #tpu.memory_space<vmem>>) target_semaphore(%arg12 : memref<!tpu.dma_semaphore, #tpu.memory_space<semaphore_mem>>)
      %mul3A_147 = arith.constant 32 : i32
      %mul3A_148 = arith.muli %mul3A_136, %mul3A_147 : i32
      %dma_wait3A_149 = arith.constant 0 : i32
      %dma_wait3A_150 = tpu.memref_slice %arg2[%add3A, %mul3A_148, %dma_wait3A_149] : memref<32x512x512xf32, #tpu.memory_space<hbm>> -> memref<1x32x512xf32, #tpu.memory_space<hbm>>
      %dma_wait3A_151 = tpu.memref_squeeze %dma_wait3A_150 : memref<1x32x512xf32, #tpu.memory_space<hbm>> -> memref<32x512xf32, #tpu.memory_space<hbm>>
      %dma_wait3A_152 = arith.constant 0 : i32
      %dma_wait3A_153 = tpu.memref_slice %arg2[%add3A, %mul3A_148, %dma_wait3A_152] : memref<32x512x512xf32, #tpu.memory_space<hbm>> -> memref<1x32x512xf32, #tpu.memory_space<hbm>>
      %dma_wait3A_154 = tpu.memref_squeeze %dma_wait3A_153 : memref<1x32x512xf32, #tpu.memory_space<hbm>> -> memref<32x512xf32, #tpu.memory_space<hbm>>
      tpu.wait_dma2 semaphore(%arg11 : memref<!tpu.dma_semaphore, #tpu.memory_space<semaphore_mem>>) src(%dma_wait3A_154 : memref<32x512xf32, #tpu.memory_space<hbm>>) dst(%arg5 : memref<32x512xf32, #tpu.memory_space<vmem>>)
      %parallel_loop3A_155 = arith.constant 0 : i32
      %parallel_loop3A_156 = arith.constant 1024 : i32
      %parallel_loop3A_157 = arith.constant 1 : i32
      scf.for %parallel_loop3A_177 = %parallel_loop3A_155 to %parallel_loop3A_156 step %parallel_loop3A_157  : i32 {
        %parallel_loop3A_178 = arith.constant 32 : i32
        %parallel_loop3A_179 = arith.divsi %parallel_loop3A_177, %parallel_loop3A_178 : i32
        %parallel_loop3A_180 = arith.constant 0 : i32
        %parallel_loop3A_181 = arith.cmpi sgt, %parallel_loop3A_177, %parallel_loop3A_180 : i32
        %parallel_loop3A_182 = arith.extui %parallel_loop3A_181 : i1 to i32
        %parallel_loop3A_183 = arith.constant 0 : i32
        %parallel_loop3A_184 = arith.cmpi slt, %parallel_loop3A_177, %parallel_loop3A_183 : i32
        %parallel_loop3A_185 = arith.extui %parallel_loop3A_184 : i1 to i32
        %parallel_loop3A_186 = arith.subi %parallel_loop3A_182, %parallel_loop3A_185 : i32
        %parallel_loop3A_187 = arith.constant 0 : i32
        %parallel_loop3A_188 = arith.cmpi sgt, %parallel_loop3A_178, %parallel_loop3A_187 : i32
        %parallel_loop3A_189 = arith.extui %parallel_loop3A_188 : i1 to i32
        %parallel_loop3A_190 = arith.constant 0 : i32
        %parallel_loop3A_191 = arith.cmpi slt, %parallel_loop3A_178, %parallel_loop3A_190 : i32
        %parallel_loop3A_192 = arith.extui %parallel_loop3A_191 : i1 to i32
        %parallel_loop3A_193 = arith.subi %parallel_loop3A_189, %parallel_loop3A_192 : i32
        %parallel_loop3A_194 = arith.cmpi ne, %parallel_loop3A_186, %parallel_loop3A_193 : i32
        %parallel_loop3A_195 = arith.remsi %parallel_loop3A_177, %parallel_loop3A_178 : i32
        %parallel_loop3A_196 = arith.constant 0 : i32
        %parallel_loop3A_197 = arith.cmpi ne, %parallel_loop3A_195, %parallel_loop3A_196 : i32
        %parallel_loop3A_198 = arith.andi %parallel_loop3A_194, %parallel_loop3A_197 : i1
        %parallel_loop3A_199 = arith.constant 1 : i32
        %parallel_loop3A_200 = arith.subi %parallel_loop3A_179, %parallel_loop3A_199 : i32
        %parallel_loop3A_201 = arith.select %parallel_loop3A_198, %parallel_loop3A_200, %parallel_loop3A_179 : i32
        %parallel_loop3A_202 = arith.constant 32 : i32
        %parallel_loop3A_203 = arith.constant 0 : i32
        %parallel_loop3A_204 = arith.cmpi eq, %parallel_loop3A_202, %parallel_loop3A_203 : i32
        %parallel_loop3A_205 = arith.constant 1 : i32
        %parallel_loop3A_206 = arith.select %parallel_loop3A_204, %parallel_loop3A_205, %parallel_loop3A_202 : i32
        %parallel_loop3A_207 = arith.remsi %parallel_loop3A_177, %parallel_loop3A_206 : i32
        %parallel_loop3A_208 = arith.constant 0 : i32
        %parallel_loop3A_209 = arith.cmpi ne, %parallel_loop3A_207, %parallel_loop3A_208 : i32
        %parallel_loop3A_210 = arith.constant 0 : i32
        %parallel_loop3A_211 = arith.cmpi slt, %parallel_loop3A_207, %parallel_loop3A_210 : i32
        %parallel_loop3A_212 = arith.constant 0 : i32
        %parallel_loop3A_213 = arith.cmpi slt, %parallel_loop3A_206, %parallel_loop3A_212 : i32
        %parallel_loop3A_214 = arith.xori %parallel_loop3A_211, %parallel_loop3A_213 : i1
        %parallel_loop3A_215 = arith.andi %parallel_loop3A_214, %parallel_loop3A_209 : i1
        %parallel_loop3A_216 = arith.addi %parallel_loop3A_207, %parallel_loop3A_206 : i32
        %parallel_loop3A_217 = arith.select %parallel_loop3A_215, %parallel_loop3A_216, %parallel_loop3A_207 : i32
        %parallel_loop3A_218 = arith.constant 16 : i32
        %parallel_loop3A_219 = arith.muli %parallel_loop3A_217, %parallel_loop3A_218 : i32
        %parallel_loop3A_220 = arith.index_cast %parallel_loop3A_201 : i32 to index
        %parallel_loop3A_221 = arith.index_cast %parallel_loop3A_219 : i32 to index
        %parallel_loop3A_222 = tpu.vector_load %arg5[%parallel_loop3A_220, %parallel_loop3A_221] {strides = array<i32>} : memref<32x512xf32, #tpu.memory_space<vmem>>, vector<16xf32>,
        %parallel_loop3A_223 = tpu.bitcast %parallel_loop3A_222 : vector<16xf32> -> vector<16xi32>
        %parallel_loop3A_224 = arith.constant 31 : i32
        %parallel_loop3A_225 = vector.broadcast %parallel_loop3A_224 : i32 to vector<16xi32>
        %parallel_loop3A_226 = arith.shrsi %parallel_loop3A_223, %parallel_loop3A_225 : vector<16xi32>
        %parallel_loop3A_227 = arith.constant -2147483648 : i32
        %parallel_loop3A_228 = vector.broadcast %parallel_loop3A_227 : i32 to vector<16xi32>
        %parallel_loop3A_229 = arith.ori %parallel_loop3A_226, %parallel_loop3A_228 : vector<16xi32>
        %parallel_loop3A_230 = arith.xori %parallel_loop3A_223, %parallel_loop3A_229 : vector<16xi32>
        %parallel_loop3A_231 = arith.constant 1023 : i32
        %parallel_loop3A_232 = vector.broadcast %parallel_loop3A_231 : i32 to vector<16xi32>
        %parallel_loop3A_233 = arith.andi %parallel_loop3A_230, %parallel_loop3A_232 : vector<16xi32>
        %parallel_loop3A_234 = arith.constant 3 : i32
        %parallel_loop3A_235 = vector.broadcast %parallel_loop3A_234 : i32 to vector<16xi32>
        %parallel_loop3A_236 = arith.shrui %parallel_loop3A_233, %parallel_loop3A_235 : vector<16xi32>
        %parallel_loop3A_237 = arith.constant 7 : i32
        %parallel_loop3A_238 = vector.broadcast %parallel_loop3A_237 : i32 to vector<16xi32>
        %parallel_loop3A_239 = arith.andi %parallel_loop3A_233, %parallel_loop3A_238 : vector<16xi32>
        %parallel_loop3A_240 = arith.constant 4 : i32
        %parallel_loop3A_241 = vector.broadcast %parallel_loop3A_240 : i32 to vector<16xi32>
        %parallel_loop3A_242 = arith.shli %parallel_loop3A_239, %parallel_loop3A_241 : vector<16xi32>
        %parallel_loop3A_243 = arith.ori %parallel_loop3A_242, %iota3A : vector<16xi32>
        %parallel_loop3A_244 = arith.constant 10 : i32
        %parallel_loop3A_245 = vector.broadcast %parallel_loop3A_244 : i32 to vector<16xi32>
        %parallel_loop3A_246 = arith.shrui %parallel_loop3A_230, %parallel_loop3A_245 : vector<16xi32>
        %parallel_loop3A_247 = vector.broadcast %or3A_71 : i32 to vector<16xi32>
        %parallel_loop3A_248 = arith.cmpi eq, %parallel_loop3A_246, %parallel_loop3A_247 : vector<16xi32>
        tpu.vector_store_idx %arg9[%parallel_loop3A_236, %parallel_loop3A_243], %broadcast_in_dim3A_1 masked %parallel_loop3A_248 {add = true} : memref<256x128xi32, #tpu.memory_space<vmem>>[vector<16xi32>, vector<16xi32>], vector<16xi32>, vector<16xi1>
      } {sc.loop_unroll_factor = 8 : i64, sc.parallel_access}
      %add3A_158 = arith.constant 1 : i32
      %add3A_159 = arith.addi %scan3A_133, %add3A_158 : i32
      %lt3A = arith.constant 8 : i32
      %lt3A_160 = arith.cmpi slt, %add3A_159, %lt3A : i32
      %convert_element_type3A_161 = arith.extui %lt3A_160 : i1 to i32
      %cond3A = arith.constant 0 : i32
      %cond3A_162 = arith.cmpi ne, %convert_element_type3A_161, %cond3A : i32
      scf.if %cond3A_162 {
        %add3A_177 = arith.constant 2 : i32
        %add3A_178 = arith.addi %mul3A_136, %add3A_177 : i32
        %mul3A_179 = arith.constant 32 : i32
        %mul3A_180 = arith.muli %add3A_178, %mul3A_179 : i32
        %dma_start3A_181 = arith.constant 0 : i32
        %dma_start3A_182 = tpu.memref_slice %arg2[%add3A, %mul3A_180, %dma_start3A_181] : memref<32x512x512xf32, #tpu.memory_space<hbm>> -> memref<1x32x512xf32, #tpu.memory_space<hbm>>
        %dma_start3A_183 = tpu.memref_squeeze %dma_start3A_182 : memref<1x32x512xf32, #tpu.memory_space<hbm>> -> memref<32x512xf32, #tpu.memory_space<hbm>>
        %dma_start3A_184 = arith.constant 0 : i32
        %dma_start3A_185 = tpu.memref_slice %arg2[%add3A, %mul3A_180, %dma_start3A_184] : memref<32x512x512xf32, #tpu.memory_space<hbm>> -> memref<1x32x512xf32, #tpu.memory_space<hbm>>
        %dma_start3A_186 = tpu.memref_squeeze %dma_start3A_185 : memref<1x32x512xf32, #tpu.memory_space<hbm>> -> memref<32x512xf32, #tpu.memory_space<hbm>>
        tpu.enqueue_dma source(%dma_start3A_186 : memref<32x512xf32, #tpu.memory_space<hbm>>) target(%arg5 : memref<32x512xf32, #tpu.memory_space<vmem>>) target_semaphore(%arg11 : memref<!tpu.dma_semaphore, #tpu.memory_space<semaphore_mem>>)
      } else {
      }
      %add3A_163 = arith.constant 1 : i32
      %add3A_164 = arith.addi %mul3A_136, %add3A_163 : i32
      %mul3A_165 = arith.constant 32 : i32
      %mul3A_166 = arith.muli %add3A_164, %mul3A_165 : i32
      %dma_wait3A_167 = arith.constant 0 : i32
      %dma_wait3A_168 = tpu.memref_slice %arg2[%add3A, %mul3A_166, %dma_wait3A_167] : memref<32x512x512xf32, #tpu.memory_space<hbm>> -> memref<1x32x512xf32, #tpu.memory_space<hbm>>
      %dma_wait3A_169 = tpu.memref_squeeze %dma_wait3A_168 : memref<1x32x512xf32, #tpu.memory_space<hbm>> -> memref<32x512xf32, #tpu.memory_space<hbm>>
      %dma_wait3A_170 = arith.constant 0 : i32
      %dma_wait3A_171 = tpu.memref_slice %arg2[%add3A, %mul3A_166, %dma_wait3A_170] : memref<32x512x512xf32, #tpu.memory_space<hbm>> -> memref<1x32x512xf32, #tpu.memory_space<hbm>>
      %dma_wait3A_172 = tpu.memref_squeeze %dma_wait3A_171 : memref<1x32x512xf32, #tpu.memory_space<hbm>> -> memref<32x512xf32, #tpu.memory_space<hbm>>
      tpu.wait_dma2 semaphore(%arg12 : memref<!tpu.dma_semaphore, #tpu.memory_space<semaphore_mem>>) src(%dma_wait3A_172 : memref<32x512xf32, #tpu.memory_space<hbm>>) dst(%arg6 : memref<32x512xf32, #tpu.memory_space<vmem>>)
      %parallel_loop3A_173 = arith.constant 0 : i32
      %parallel_loop3A_174 = arith.constant 1024 : i32
      %parallel_loop3A_175 = arith.constant 1 : i32
      scf.for %parallel_loop3A_177 = %parallel_loop3A_173 to %parallel_loop3A_174 step %parallel_loop3A_175  : i32 {
        %parallel_loop3A_178 = arith.constant 32 : i32
        %parallel_loop3A_179 = arith.divsi %parallel_loop3A_177, %parallel_loop3A_178 : i32
        %parallel_loop3A_180 = arith.constant 0 : i32
        %parallel_loop3A_181 = arith.cmpi sgt, %parallel_loop3A_177, %parallel_loop3A_180 : i32
        %parallel_loop3A_182 = arith.extui %parallel_loop3A_181 : i1 to i32
        %parallel_loop3A_183 = arith.constant 0 : i32
        %parallel_loop3A_184 = arith.cmpi slt, %parallel_loop3A_177, %parallel_loop3A_183 : i32
        %parallel_loop3A_185 = arith.extui %parallel_loop3A_184 : i1 to i32
        %parallel_loop3A_186 = arith.subi %parallel_loop3A_182, %parallel_loop3A_185 : i32
        %parallel_loop3A_187 = arith.constant 0 : i32
        %parallel_loop3A_188 = arith.cmpi sgt, %parallel_loop3A_178, %parallel_loop3A_187 : i32
        %parallel_loop3A_189 = arith.extui %parallel_loop3A_188 : i1 to i32
        %parallel_loop3A_190 = arith.constant 0 : i32
        %parallel_loop3A_191 = arith.cmpi slt, %parallel_loop3A_178, %parallel_loop3A_190 : i32
        %parallel_loop3A_192 = arith.extui %parallel_loop3A_191 : i1 to i32
        %parallel_loop3A_193 = arith.subi %parallel_loop3A_189, %parallel_loop3A_192 : i32
        %parallel_loop3A_194 = arith.cmpi ne, %parallel_loop3A_186, %parallel_loop3A_193 : i32
        %parallel_loop3A_195 = arith.remsi %parallel_loop3A_177, %parallel_loop3A_178 : i32
        %parallel_loop3A_196 = arith.constant 0 : i32
        %parallel_loop3A_197 = arith.cmpi ne, %parallel_loop3A_195, %parallel_loop3A_196 : i32
        %parallel_loop3A_198 = arith.andi %parallel_loop3A_194, %parallel_loop3A_197 : i1
        %parallel_loop3A_199 = arith.constant 1 : i32
        %parallel_loop3A_200 = arith.subi %parallel_loop3A_179, %parallel_loop3A_199 : i32
        %parallel_loop3A_201 = arith.select %parallel_loop3A_198, %parallel_loop3A_200, %parallel_loop3A_179 : i32
        %parallel_loop3A_202 = arith.constant 32 : i32
        %parallel_loop3A_203 = arith.constant 0 : i32
        %parallel_loop3A_204 = arith.cmpi eq, %parallel_loop3A_202, %parallel_loop3A_203 : i32
        %parallel_loop3A_205 = arith.constant 1 : i32
        %parallel_loop3A_206 = arith.select %parallel_loop3A_204, %parallel_loop3A_205, %parallel_loop3A_202 : i32
        %parallel_loop3A_207 = arith.remsi %parallel_loop3A_177, %parallel_loop3A_206 : i32
        %parallel_loop3A_208 = arith.constant 0 : i32
        %parallel_loop3A_209 = arith.cmpi ne, %parallel_loop3A_207, %parallel_loop3A_208 : i32
        %parallel_loop3A_210 = arith.constant 0 : i32
        %parallel_loop3A_211 = arith.cmpi slt, %parallel_loop3A_207, %parallel_loop3A_210 : i32
        %parallel_loop3A_212 = arith.constant 0 : i32
        %parallel_loop3A_213 = arith.cmpi slt, %parallel_loop3A_206, %parallel_loop3A_212 : i32
        %parallel_loop3A_214 = arith.xori %parallel_loop3A_211, %parallel_loop3A_213 : i1
        %parallel_loop3A_215 = arith.andi %parallel_loop3A_214, %parallel_loop3A_209 : i1
        %parallel_loop3A_216 = arith.addi %parallel_loop3A_207, %parallel_loop3A_206 : i32
        %parallel_loop3A_217 = arith.select %parallel_loop3A_215, %parallel_loop3A_216, %parallel_loop3A_207 : i32
        %parallel_loop3A_218 = arith.constant 16 : i32
        %parallel_loop3A_219 = arith.muli %parallel_loop3A_217, %parallel_loop3A_218 : i32
        %parallel_loop3A_220 = arith.index_cast %parallel_loop3A_201 : i32 to index
        %parallel_loop3A_221 = arith.index_cast %parallel_loop3A_219 : i32 to index
        %parallel_loop3A_222 = tpu.vector_load %arg6[%parallel_loop3A_220, %parallel_loop3A_221] {strides = array<i32>} : memref<32x512xf32, #tpu.memory_space<vmem>>, vector<16xf32>,
        %parallel_loop3A_223 = tpu.bitcast %parallel_loop3A_222 : vector<16xf32> -> vector<16xi32>
        %parallel_loop3A_224 = arith.constant 31 : i32
        %parallel_loop3A_225 = vector.broadcast %parallel_loop3A_224 : i32 to vector<16xi32>
        %parallel_loop3A_226 = arith.shrsi %parallel_loop3A_223, %parallel_loop3A_225 : vector<16xi32>
        %parallel_loop3A_227 = arith.constant -2147483648 : i32
        %parallel_loop3A_228 = vector.broadcast %parallel_loop3A_227 : i32 to vector<16xi32>
        %parallel_loop3A_229 = arith.ori %parallel_loop3A_226, %parallel_loop3A_228 : vector<16xi32>
        %parallel_loop3A_230 = arith.xori %parallel_loop3A_223, %parallel_loop3A_229 : vector<16xi32>
        %parallel_loop3A_231 = arith.constant 1023 : i32
        %parallel_loop3A_232 = vector.broadcast %parallel_loop3A_231 : i32 to vector<16xi32>
        %parallel_loop3A_233 = arith.andi %parallel_loop3A_230, %parallel_loop3A_232 : vector<16xi32>
        %parallel_loop3A_234 = arith.constant 3 : i32
        %parallel_loop3A_235 = vector.broadcast %parallel_loop3A_234 : i32 to vector<16xi32>
        %parallel_loop3A_236 = arith.shrui %parallel_loop3A_233, %parallel_loop3A_235 : vector<16xi32>
        %parallel_loop3A_237 = arith.constant 7 : i32
        %parallel_loop3A_238 = vector.broadcast %parallel_loop3A_237 : i32 to vector<16xi32>
        %parallel_loop3A_239 = arith.andi %parallel_loop3A_233, %parallel_loop3A_238 : vector<16xi32>
        %parallel_loop3A_240 = arith.constant 4 : i32
        %parallel_loop3A_241 = vector.broadcast %parallel_loop3A_240 : i32 to vector<16xi32>
        %parallel_loop3A_242 = arith.shli %parallel_loop3A_239, %parallel_loop3A_241 : vector<16xi32>
        %parallel_loop3A_243 = arith.ori %parallel_loop3A_242, %iota3A : vector<16xi32>
        %parallel_loop3A_244 = arith.constant 10 : i32
        %parallel_loop3A_245 = vector.broadcast %parallel_loop3A_244 : i32 to vector<16xi32>
        %parallel_loop3A_246 = arith.shrui %parallel_loop3A_230, %parallel_loop3A_245 : vector<16xi32>
        %parallel_loop3A_247 = vector.broadcast %or3A_71 : i32 to vector<16xi32>
        %parallel_loop3A_248 = arith.cmpi eq, %parallel_loop3A_246, %parallel_loop3A_247 : vector<16xi32>
        tpu.vector_store_idx %arg9[%parallel_loop3A_236, %parallel_loop3A_243], %broadcast_in_dim3A_1 masked %parallel_loop3A_248 {add = true} : memref<256x128xi32, #tpu.memory_space<vmem>>[vector<16xi32>, vector<16xi32>], vector<16xi32>, vector<16xi1>
      } {sc.loop_unroll_factor = 8 : i64, sc.parallel_access}
      %scan3A_176 = arith.constant 0 : i32
      scf.yield %scan3A_176 : i32
    }
    %scan3A_86 = arith.constant 8 : i32
    %dma_start3A_87 = arith.constant 0 : i32
    %dma_start3A_88 = arith.constant 0 : i32
    %dma_start3A_89 = tpu.memref_slice %arg2[%add3A, %dma_start3A_87, %dma_start3A_88] : memref<32x512x512xf32, #tpu.memory_space<hbm>> -> memref<1x32x512xf32, #tpu.memory_space<hbm>>
    %dma_start3A_90 = tpu.memref_squeeze %dma_start3A_89 : memref<1x32x512xf32, #tpu.memory_space<hbm>> -> memref<32x512xf32, #tpu.memory_space<hbm>>
    %dma_start3A_91 = arith.constant 0 : i32
    %dma_start3A_92 = arith.constant 0 : i32
    %dma_start3A_93 = tpu.memref_slice %arg2[%add3A, %dma_start3A_91, %dma_start3A_92] : memref<32x512x512xf32, #tpu.memory_space<hbm>> -> memref<1x32x512xf32, #tpu.memory_space<hbm>>
    %dma_start3A_94 = tpu.memref_squeeze %dma_start3A_93 : memref<1x32x512xf32, #tpu.memory_space<hbm>> -> memref<32x512xf32, #tpu.memory_space<hbm>>
    tpu.enqueue_dma source(%dma_start3A_94 : memref<32x512xf32, #tpu.memory_space<hbm>>) target(%arg5 : memref<32x512xf32, #tpu.memory_space<vmem>>) target_semaphore(%arg11 : memref<!tpu.dma_semaphore, #tpu.memory_space<semaphore_mem>>)
    %parallel_loop3A_95 = arith.constant 0 : i32
    %parallel_loop3A_96 = arith.constant 1024 : i32
    %parallel_loop3A_97 = arith.constant 1 : i32
    %parallel_loop3A_98 = arith.constant 0 : i32
    %parallel_loop3A_99 = arith.constant 0 : i32
    %parallel_loop3A_100 = arith.constant 0 : i32
    %parallel_loop3A_101:3 = scf.for %parallel_loop3A_133 = %parallel_loop3A_95 to %parallel_loop3A_96 step %parallel_loop3A_97 iter_args(%parallel_loop3A_134 = %parallel_loop3A_98, %parallel_loop3A_135 = %parallel_loop3A_99, %parallel_loop3A_136 = %parallel_loop3A_100) -> (i32, i32, i32)  : i32 {
      %parallel_loop3A_137 = arith.constant 1023 : i32
      %parallel_loop3A_138 = arith.subi %parallel_loop3A_137, %parallel_loop3A_133 : i32
      %parallel_loop3A_139 = arith.constant 3 : i32
      %parallel_loop3A_140 = arith.shrsi %parallel_loop3A_138, %parallel_loop3A_139 : i32
      %parallel_loop3A_141 = arith.constant 7 : i32
      %parallel_loop3A_142 = arith.andi %parallel_loop3A_138, %parallel_loop3A_141 : i32
      %parallel_loop3A_143 = arith.constant 16 : i32
      %parallel_loop3A_144 = arith.muli %parallel_loop3A_142, %parallel_loop3A_143 : i32
      %parallel_loop3A_145 = arith.index_cast %parallel_loop3A_140 : i32 to index
      %parallel_loop3A_146 = arith.index_cast %parallel_loop3A_144 : i32 to index
      %parallel_loop3A_147 = tpu.vector_load %arg9[%parallel_loop3A_145, %parallel_loop3A_146] {strides = array<i32>} : memref<256x128xi32, #tpu.memory_space<vmem>>, vector<16xi32>,
      %parallel_loop3A_148 = arith.constant true
      %parallel_loop3A_149 = vector.broadcast %parallel_loop3A_148 : i1 to vector<16xi1>
      %parallel_loop3A_150 = tpu.scan <sum>, %parallel_loop3A_147 masked %parallel_loop3A_149 : vector<16xi32>, vector<16xi1> -> vector<16xi32>
      %parallel_loop3A_151 = vector.extract %parallel_loop3A_150[15] : i32 from vector<16xi32>
      %parallel_loop3A_152 = arith.addi %parallel_loop3A_134, %parallel_loop3A_151 : i32
      %parallel_loop3A_153 = arith.cmpi slt, %parallel_loop3A_134, %sub3A_72 : i32
      %parallel_loop3A_154 = arith.cmpi sge, %parallel_loop3A_152, %sub3A_72 : i32
      %parallel_loop3A_155 = arith.andi %parallel_loop3A_153, %parallel_loop3A_154 : i1
      %parallel_loop3A_156 = arith.select %parallel_loop3A_155, %parallel_loop3A_138, %parallel_loop3A_135 : i32
      %parallel_loop3A_157 = arith.select %parallel_loop3A_155, %parallel_loop3A_134, %parallel_loop3A_136 : i32
      scf.yield %parallel_loop3A_152, %parallel_loop3A_156, %parallel_loop3A_157 : i32, i32, i32
    } {sc.loop_unroll_factor = 4 : i64, sc.parallel_access}
    %shift_left3A_102 = arith.constant 10 : i32
    %shift_left3A_103 = arith.shli %or3A_71, %shift_left3A_102 : i32
    %or3A_104 = arith.ori %shift_left3A_103, %parallel_loop3A_101#1 : i32
    %sub3A_105 = arith.subi %sub3A_72, %parallel_loop3A_101#2 : i32
    %xor3A = arith.constant -2147483648 : i32
    %xor3A_106 = arith.xori %or3A_104, %xor3A : i32
    %broadcast_in_dim3A_107 = arith.constant 0 : i32
    %broadcast_in_dim3A_108 = vector.broadcast %broadcast_in_dim3A_107 : i32 to vector<16xi32>
    %broadcast_in_dim3A_109 = arith.constant 0 : i32
    %broadcast_in_dim3A_110 = vector.broadcast %broadcast_in_dim3A_109 : i32 to vector<16xi32>
    %scan3A_111 = arith.constant 0 : i32
    %scan3A_112 = arith.constant 8 : i32
    %scan3A_113 = arith.addi %scan3A_111, %scan3A_112 : i32
    %scan3A_114 = arith.constant 1 : i32
    %scan3A_115:2 = scf.for %scan3A_133 = %scan3A_111 to %scan3A_113 step %scan3A_114 iter_args(%scan3A_134 = %broadcast_in_dim3A_108, %scan3A_135 = %broadcast_in_dim3A_110) -> (vector<16xi32>, vector<16xi32>)  : i32 {
      %mul3A_136 = arith.constant 2 : i32
      %mul3A_137 = arith.muli %scan3A_133, %mul3A_136 : i32
      %add3A_138 = arith.constant 1 : i32
      %add3A_139 = arith.addi %mul3A_137, %add3A_138 : i32
      %mul3A_140 = arith.constant 32 : i32
      %mul3A_141 = arith.muli %add3A_139, %mul3A_140 : i32
      %dma_start3A_142 = arith.constant 0 : i32
      %dma_start3A_143 = tpu.memref_slice %arg2[%add3A, %mul3A_141, %dma_start3A_142] : memref<32x512x512xf32, #tpu.memory_space<hbm>> -> memref<1x32x512xf32, #tpu.memory_space<hbm>>
      %dma_start3A_144 = tpu.memref_squeeze %dma_start3A_143 : memref<1x32x512xf32, #tpu.memory_space<hbm>> -> memref<32x512xf32, #tpu.memory_space<hbm>>
      %dma_start3A_145 = arith.constant 0 : i32
      %dma_start3A_146 = tpu.memref_slice %arg2[%add3A, %mul3A_141, %dma_start3A_145] : memref<32x512x512xf32, #tpu.memory_space<hbm>> -> memref<1x32x512xf32, #tpu.memory_space<hbm>>
      %dma_start3A_147 = tpu.memref_squeeze %dma_start3A_146 : memref<1x32x512xf32, #tpu.memory_space<hbm>> -> memref<32x512xf32, #tpu.memory_space<hbm>>
      tpu.enqueue_dma source(%dma_start3A_147 : memref<32x512xf32, #tpu.memory_space<hbm>>) target(%arg6 : memref<32x512xf32, #tpu.memory_space<vmem>>) target_semaphore(%arg12 : memref<!tpu.dma_semaphore, #tpu.memory_space<semaphore_mem>>)
      %mul3A_148 = arith.constant 32 : i32
      %mul3A_149 = arith.muli %mul3A_137, %mul3A_148 : i32
      %dma_wait3A_150 = arith.constant 0 : i32
      %dma_wait3A_151 = tpu.memref_slice %arg2[%add3A, %mul3A_149, %dma_wait3A_150] : memref<32x512x512xf32, #tpu.memory_space<hbm>> -> memref<1x32x512xf32, #tpu.memory_space<hbm>>
      %dma_wait3A_152 = tpu.memref_squeeze %dma_wait3A_151 : memref<1x32x512xf32, #tpu.memory_space<hbm>> -> memref<32x512xf32, #tpu.memory_space<hbm>>
      %dma_wait3A_153 = arith.constant 0 : i32
      %dma_wait3A_154 = tpu.memref_slice %arg2[%add3A, %mul3A_149, %dma_wait3A_153] : memref<32x512x512xf32, #tpu.memory_space<hbm>> -> memref<1x32x512xf32, #tpu.memory_space<hbm>>
      %dma_wait3A_155 = tpu.memref_squeeze %dma_wait3A_154 : memref<1x32x512xf32, #tpu.memory_space<hbm>> -> memref<32x512xf32, #tpu.memory_space<hbm>>
      tpu.wait_dma2 semaphore(%arg11 : memref<!tpu.dma_semaphore, #tpu.memory_space<semaphore_mem>>) src(%dma_wait3A_155 : memref<32x512xf32, #tpu.memory_space<hbm>>) dst(%arg5 : memref<32x512xf32, #tpu.memory_space<vmem>>)
      %ge3A = arith.constant 1 : i32
      %ge3A_156 = arith.cmpi sge, %scan3A_133, %ge3A : i32
      %convert_element_type3A_157 = arith.extui %ge3A_156 : i1 to i32
      %cond3A = arith.constant 0 : i32
      %cond3A_158 = arith.cmpi ne, %convert_element_type3A_157, %cond3A : i32
      scf.if %cond3A_158 {
        %sub3A_206 = arith.constant 2 : i32
        %sub3A_207 = arith.subi %mul3A_137, %sub3A_206 : i32
        %mul3A_208 = arith.constant 32 : i32
        %mul3A_209 = arith.muli %sub3A_207, %mul3A_208 : i32
        %dma_wait3A_210 = arith.constant 0 : i32
        %dma_wait3A_211 = tpu.memref_slice %arg3[%add3A, %mul3A_209, %dma_wait3A_210] : memref<32x512x512xf32, #tpu.memory_space<hbm>> -> memref<1x32x512xf32, #tpu.memory_space<hbm>>
        %dma_wait3A_212 = tpu.memref_squeeze %dma_wait3A_211 : memref<1x32x512xf32, #tpu.memory_space<hbm>> -> memref<32x512xf32, #tpu.memory_space<hbm>>
        %dma_wait3A_213 = arith.constant 0 : i32
        %dma_wait3A_214 = tpu.memref_slice %arg3[%add3A, %mul3A_209, %dma_wait3A_213] : memref<32x512x512xf32, #tpu.memory_space<hbm>> -> memref<1x32x512xf32, #tpu.memory_space<hbm>>
        %dma_wait3A_215 = tpu.memref_squeeze %dma_wait3A_214 : memref<1x32x512xf32, #tpu.memory_space<hbm>> -> memref<32x512xf32, #tpu.memory_space<hbm>>
        tpu.wait_dma2 semaphore(%arg13 : memref<!tpu.dma_semaphore, #tpu.memory_space<semaphore_mem>>) src(%arg7 : memref<32x512xf32, #tpu.memory_space<vmem>>) dst(%dma_wait3A_215 : memref<32x512xf32, #tpu.memory_space<hbm>>)
      } else {
      }
      %parallel_loop3A_159 = arith.constant 0 : i32
      %parallel_loop3A_160 = arith.constant 1024 : i32
      %parallel_loop3A_161 = arith.constant 1 : i32
      %parallel_loop3A_162:2 = scf.for %parallel_loop3A_206 = %parallel_loop3A_159 to %parallel_loop3A_160 step %parallel_loop3A_161 iter_args(%parallel_loop3A_207 = %scan3A_134, %parallel_loop3A_208 = %scan3A_135) -> (vector<16xi32>, vector<16xi32>)  : i32 {
        %parallel_loop3A_209 = arith.constant 32 : i32
        %parallel_loop3A_210 = arith.divsi %parallel_loop3A_206, %parallel_loop3A_209 : i32
        %parallel_loop3A_211 = arith.constant 0 : i32
        %parallel_loop3A_212 = arith.cmpi sgt, %parallel_loop3A_206, %parallel_loop3A_211 : i32
        %parallel_loop3A_213 = arith.extui %parallel_loop3A_212 : i1 to i32
        %parallel_loop3A_214 = arith.constant 0 : i32
        %parallel_loop3A_215 = arith.cmpi slt, %parallel_loop3A_206, %parallel_loop3A_214 : i32
        %parallel_loop3A_216 = arith.extui %parallel_loop3A_215 : i1 to i32
        %parallel_loop3A_217 = arith.subi %parallel_loop3A_213, %parallel_loop3A_216 : i32
        %parallel_loop3A_218 = arith.constant 0 : i32
        %parallel_loop3A_219 = arith.cmpi sgt, %parallel_loop3A_209, %parallel_loop3A_218 : i32
        %parallel_loop3A_220 = arith.extui %parallel_loop3A_219 : i1 to i32
        %parallel_loop3A_221 = arith.constant 0 : i32
        %parallel_loop3A_222 = arith.cmpi slt, %parallel_loop3A_209, %parallel_loop3A_221 : i32
        %parallel_loop3A_223 = arith.extui %parallel_loop3A_222 : i1 to i32
        %parallel_loop3A_224 = arith.subi %parallel_loop3A_220, %parallel_loop3A_223 : i32
        %parallel_loop3A_225 = arith.cmpi ne, %parallel_loop3A_217, %parallel_loop3A_224 : i32
        %parallel_loop3A_226 = arith.remsi %parallel_loop3A_206, %parallel_loop3A_209 : i32
        %parallel_loop3A_227 = arith.constant 0 : i32
        %parallel_loop3A_228 = arith.cmpi ne, %parallel_loop3A_226, %parallel_loop3A_227 : i32
        %parallel_loop3A_229 = arith.andi %parallel_loop3A_225, %parallel_loop3A_228 : i1
        %parallel_loop3A_230 = arith.constant 1 : i32
        %parallel_loop3A_231 = arith.subi %parallel_loop3A_210, %parallel_loop3A_230 : i32
        %parallel_loop3A_232 = arith.select %parallel_loop3A_229, %parallel_loop3A_231, %parallel_loop3A_210 : i32
        %parallel_loop3A_233 = arith.constant 32 : i32
        %parallel_loop3A_234 = arith.constant 0 : i32
        %parallel_loop3A_235 = arith.cmpi eq, %parallel_loop3A_233, %parallel_loop3A_234 : i32
        %parallel_loop3A_236 = arith.constant 1 : i32
        %parallel_loop3A_237 = arith.select %parallel_loop3A_235, %parallel_loop3A_236, %parallel_loop3A_233 : i32
        %parallel_loop3A_238 = arith.remsi %parallel_loop3A_206, %parallel_loop3A_237 : i32
        %parallel_loop3A_239 = arith.constant 0 : i32
        %parallel_loop3A_240 = arith.cmpi ne, %parallel_loop3A_238, %parallel_loop3A_239 : i32
        %parallel_loop3A_241 = arith.constant 0 : i32
        %parallel_loop3A_242 = arith.cmpi slt, %parallel_loop3A_238, %parallel_loop3A_241 : i32
        %parallel_loop3A_243 = arith.constant 0 : i32
        %parallel_loop3A_244 = arith.cmpi slt, %parallel_loop3A_237, %parallel_loop3A_243 : i32
        %parallel_loop3A_245 = arith.xori %parallel_loop3A_242, %parallel_loop3A_244 : i1
        %parallel_loop3A_246 = arith.andi %parallel_loop3A_245, %parallel_loop3A_240 : i1
        %parallel_loop3A_247 = arith.addi %parallel_loop3A_238, %parallel_loop3A_237 : i32
        %parallel_loop3A_248 = arith.select %parallel_loop3A_246, %parallel_loop3A_247, %parallel_loop3A_238 : i32
        %parallel_loop3A_249 = arith.constant 16 : i32
        %parallel_loop3A_250 = arith.muli %parallel_loop3A_248, %parallel_loop3A_249 : i32
        %parallel_loop3A_251 = arith.index_cast %parallel_loop3A_232 : i32 to index
        %parallel_loop3A_252 = arith.index_cast %parallel_loop3A_250 : i32 to index
        %parallel_loop3A_253 = tpu.vector_load %arg5[%parallel_loop3A_251, %parallel_loop3A_252] {strides = array<i32>} : memref<32x512xf32, #tpu.memory_space<vmem>>, vector<16xf32>,
        %parallel_loop3A_254 = tpu.bitcast %parallel_loop3A_253 : vector<16xf32> -> vector<16xi32>
        %parallel_loop3A_255 = arith.constant 31 : i32
        %parallel_loop3A_256 = vector.broadcast %parallel_loop3A_255 : i32 to vector<16xi32>
        %parallel_loop3A_257 = arith.shrsi %parallel_loop3A_254, %parallel_loop3A_256 : vector<16xi32>
        %parallel_loop3A_258 = arith.constant 2147483647 : i32
        %parallel_loop3A_259 = vector.broadcast %parallel_loop3A_258 : i32 to vector<16xi32>
        %parallel_loop3A_260 = arith.andi %parallel_loop3A_257, %parallel_loop3A_259 : vector<16xi32>
        %parallel_loop3A_261 = arith.xori %parallel_loop3A_254, %parallel_loop3A_260 : vector<16xi32>
        %parallel_loop3A_262 = vector.broadcast %xor3A_106 : i32 to vector<16xi32>
        %parallel_loop3A_263 = arith.cmpi sgt, %parallel_loop3A_261, %parallel_loop3A_262 : vector<16xi32>
        %parallel_loop3A_264 = vector.broadcast %xor3A_106 : i32 to vector<16xi32>
        %parallel_loop3A_265 = arith.cmpi eq, %parallel_loop3A_261, %parallel_loop3A_264 : vector<16xi32>
        %parallel_loop3A_266 = arith.constant 1 : i32
        %parallel_loop3A_267 = arith.constant 0 : i32
        %parallel_loop3A_268 = vector.broadcast %parallel_loop3A_266 : i32 to vector<16xi32>
        %parallel_loop3A_269 = vector.broadcast %parallel_loop3A_267 : i32 to vector<16xi32>
        %parallel_loop3A_270 = arith.select %parallel_loop3A_265, %parallel_loop3A_268, %parallel_loop3A_269 : vector<16xi1>, vector<16xi32>
        %parallel_loop3A_271 = arith.constant true
        %parallel_loop3A_272 = vector.broadcast %parallel_loop3A_271 : i1 to vector<16xi1>
        %parallel_loop3A_273 = tpu.scan <sum>, %parallel_loop3A_270 masked %parallel_loop3A_272 : vector<16xi32>, vector<16xi1> -> vector<16xi32>
        %parallel_loop3A_274 = arith.addi %parallel_loop3A_273, %parallel_loop3A_207 : vector<16xi32>
        %parallel_loop3A_275 = vector.broadcast %sub3A_105 : i32 to vector<16xi32>
        %parallel_loop3A_276 = arith.cmpi sle, %parallel_loop3A_274, %parallel_loop3A_275 : vector<16xi32>
        %parallel_loop3A_277 = arith.andi %parallel_loop3A_265, %parallel_loop3A_276 : vector<16xi1>
        %parallel_loop3A_278 = arith.ori %parallel_loop3A_263, %parallel_loop3A_277 : vector<16xi1>
        %parallel_loop3A_279 = arith.constant 1.000000e+00 : f32
        %parallel_loop3A_280 = arith.constant 0.000000e+00 : f32
        %parallel_loop3A_281 = vector.broadcast %parallel_loop3A_279 : f32 to vector<16xf32>
        %parallel_loop3A_282 = vector.broadcast %parallel_loop3A_280 : f32 to vector<16xf32>
        %parallel_loop3A_283 = arith.select %parallel_loop3A_278, %parallel_loop3A_281, %parallel_loop3A_282 : vector<16xi1>, vector<16xf32>
        %parallel_loop3A_284 = arith.constant 32 : i32
        %parallel_loop3A_285 = arith.divsi %parallel_loop3A_206, %parallel_loop3A_284 : i32
        %parallel_loop3A_286 = arith.constant 0 : i32
        %parallel_loop3A_287 = arith.cmpi sgt, %parallel_loop3A_206, %parallel_loop3A_286 : i32
        %parallel_loop3A_288 = arith.extui %parallel_loop3A_287 : i1 to i32
        %parallel_loop3A_289 = arith.constant 0 : i32
        %parallel_loop3A_290 = arith.cmpi slt, %parallel_loop3A_206, %parallel_loop3A_289 : i32
        %parallel_loop3A_291 = arith.extui %parallel_loop3A_290 : i1 to i32
        %parallel_loop3A_292 = arith.subi %parallel_loop3A_288, %parallel_loop3A_291 : i32
        %parallel_loop3A_293 = arith.constant 0 : i32
        %parallel_loop3A_294 = arith.cmpi sgt, %parallel_loop3A_284, %parallel_loop3A_293 : i32
        %parallel_loop3A_295 = arith.extui %parallel_loop3A_294 : i1 to i32
        %parallel_loop3A_296 = arith.constant 0 : i32
        %parallel_loop3A_297 = arith.cmpi slt, %parallel_loop3A_284, %parallel_loop3A_296 : i32
        %parallel_loop3A_298 = arith.extui %parallel_loop3A_297 : i1 to i32
        %parallel_loop3A_299 = arith.subi %parallel_loop3A_295, %parallel_loop3A_298 : i32
        %parallel_loop3A_300 = arith.cmpi ne, %parallel_loop3A_292, %parallel_loop3A_299 : i32
        %parallel_loop3A_301 = arith.remsi %parallel_loop3A_206, %parallel_loop3A_284 : i32
        %parallel_loop3A_302 = arith.constant 0 : i32
        %parallel_loop3A_303 = arith.cmpi ne, %parallel_loop3A_301, %parallel_loop3A_302 : i32
        %parallel_loop3A_304 = arith.andi %parallel_loop3A_300, %parallel_loop3A_303 : i1
        %parallel_loop3A_305 = arith.constant 1 : i32
        %parallel_loop3A_306 = arith.subi %parallel_loop3A_285, %parallel_loop3A_305 : i32
        %parallel_loop3A_307 = arith.select %parallel_loop3A_304, %parallel_loop3A_306, %parallel_loop3A_285 : i32
        %parallel_loop3A_308 = arith.constant 32 : i32
        %parallel_loop3A_309 = arith.constant 0 : i32
        %parallel_loop3A_310 = arith.cmpi eq, %parallel_loop3A_308, %parallel_loop3A_309 : i32
        %parallel_loop3A_311 = arith.constant 1 : i32
        %parallel_loop3A_312 = arith.select %parallel_loop3A_310, %parallel_loop3A_311, %parallel_loop3A_308 : i32
        %parallel_loop3A_313 = arith.remsi %parallel_loop3A_206, %parallel_loop3A_312 : i32
        %parallel_loop3A_314 = arith.constant 0 : i32
        %parallel_loop3A_315 = arith.cmpi ne, %parallel_loop3A_313, %parallel_loop3A_314 : i32
        %parallel_loop3A_316 = arith.constant 0 : i32
        %parallel_loop3A_317 = arith.cmpi slt, %parallel_loop3A_313, %parallel_loop3A_316 : i32
        %parallel_loop3A_318 = arith.constant 0 : i32
        %parallel_loop3A_319 = arith.cmpi slt, %parallel_loop3A_312, %parallel_loop3A_318 : i32
        %parallel_loop3A_320 = arith.xori %parallel_loop3A_317, %parallel_loop3A_319 : i1
        %parallel_loop3A_321 = arith.andi %parallel_loop3A_320, %parallel_loop3A_315 : i1
        %parallel_loop3A_322 = arith.addi %parallel_loop3A_313, %parallel_loop3A_312 : i32
        %parallel_loop3A_323 = arith.select %parallel_loop3A_321, %parallel_loop3A_322, %parallel_loop3A_313 : i32
        %parallel_loop3A_324 = arith.constant 16 : i32
        %parallel_loop3A_325 = arith.muli %parallel_loop3A_323, %parallel_loop3A_324 : i32
        %parallel_loop3A_326 = arith.index_cast %parallel_loop3A_307 : i32 to index
        %parallel_loop3A_327 = arith.index_cast %parallel_loop3A_325 : i32 to index
        %parallel_loop3A_328 = tpu.vector_load %arg7[%parallel_loop3A_326, %parallel_loop3A_327] {strides = array<i32>} : memref<32x512xf32, #tpu.memory_space<vmem>>, vector<16xf32>,
        tpu.vector_store %arg7[%parallel_loop3A_326, %parallel_loop3A_327], %parallel_loop3A_283 {strides = array<i32>} : memref<32x512xf32, #tpu.memory_space<vmem>>, vector<16xf32>,
        %parallel_loop3A_329 = tpu.all_reduce %parallel_loop3A_265 {dim = 0 : i64, kind = #tpu.reduction_kind<sum>} : vector<16xi1> -> vector<16xi32>
        %parallel_loop3A_330 = arith.addi %parallel_loop3A_207, %parallel_loop3A_329 : vector<16xi32>
        %parallel_loop3A_331 = tpu.all_reduce %parallel_loop3A_278 {dim = 0 : i64, kind = #tpu.reduction_kind<sum>} : vector<16xi1> -> vector<16xi32>
        %parallel_loop3A_332 = arith.addi %parallel_loop3A_208, %parallel_loop3A_331 : vector<16xi32>
        scf.yield %parallel_loop3A_330, %parallel_loop3A_332 : vector<16xi32>, vector<16xi32>
      } {sc.loop_unroll_factor = 8 : i64, sc.parallel_access}
      %mul3A_163 = arith.constant 32 : i32
      %mul3A_164 = arith.muli %mul3A_137, %mul3A_163 : i32
      %dma_start3A_165 = arith.constant 0 : i32
      %dma_start3A_166 = tpu.memref_slice %arg3[%add3A, %mul3A_164, %dma_start3A_165] : memref<32x512x512xf32, #tpu.memory_space<hbm>> -> memref<1x32x512xf32, #tpu.memory_space<hbm>>
      %dma_start3A_167 = tpu.memref_squeeze %dma_start3A_166 : memref<1x32x512xf32, #tpu.memory_space<hbm>> -> memref<32x512xf32, #tpu.memory_space<hbm>>
      %dma_start3A_168 = arith.constant 0 : i32
      %dma_start3A_169 = tpu.memref_slice %arg3[%add3A, %mul3A_164, %dma_start3A_168] : memref<32x512x512xf32, #tpu.memory_space<hbm>> -> memref<1x32x512xf32, #tpu.memory_space<hbm>>
      %dma_start3A_170 = tpu.memref_squeeze %dma_start3A_169 : memref<1x32x512xf32, #tpu.memory_space<hbm>> -> memref<32x512xf32, #tpu.memory_space<hbm>>
      tpu.enqueue_dma source(%arg7 : memref<32x512xf32, #tpu.memory_space<vmem>>) target(%dma_start3A_170 : memref<32x512xf32, #tpu.memory_space<hbm>>) target_semaphore(%arg13 : memref<!tpu.dma_semaphore, #tpu.memory_space<semaphore_mem>>)
      %add3A_171 = arith.constant 1 : i32
      %add3A_172 = arith.addi %scan3A_133, %add3A_171 : i32
      %lt3A = arith.constant 8 : i32
      %lt3A_173 = arith.cmpi slt, %add3A_172, %lt3A : i32
      %convert_element_type3A_174 = arith.extui %lt3A_173 : i1 to i32
      %cond3A_175 = arith.constant 0 : i32
      %cond3A_176 = arith.cmpi ne, %convert_element_type3A_174, %cond3A_175 : i32
      scf.if %cond3A_176 {
        %add3A_206 = arith.constant 2 : i32
        %add3A_207 = arith.addi %mul3A_137, %add3A_206 : i32
        %mul3A_208 = arith.constant 32 : i32
        %mul3A_209 = arith.muli %add3A_207, %mul3A_208 : i32
        %dma_start3A_210 = arith.constant 0 : i32
        %dma_start3A_211 = tpu.memref_slice %arg2[%add3A, %mul3A_209, %dma_start3A_210] : memref<32x512x512xf32, #tpu.memory_space<hbm>> -> memref<1x32x512xf32, #tpu.memory_space<hbm>>
        %dma_start3A_212 = tpu.memref_squeeze %dma_start3A_211 : memref<1x32x512xf32, #tpu.memory_space<hbm>> -> memref<32x512xf32, #tpu.memory_space<hbm>>
        %dma_start3A_213 = arith.constant 0 : i32
        %dma_start3A_214 = tpu.memref_slice %arg2[%add3A, %mul3A_209, %dma_start3A_213] : memref<32x512x512xf32, #tpu.memory_space<hbm>> -> memref<1x32x512xf32, #tpu.memory_space<hbm>>
        %dma_start3A_215 = tpu.memref_squeeze %dma_start3A_214 : memref<1x32x512xf32, #tpu.memory_space<hbm>> -> memref<32x512xf32, #tpu.memory_space<hbm>>
        tpu.enqueue_dma source(%dma_start3A_215 : memref<32x512xf32, #tpu.memory_space<hbm>>) target(%arg5 : memref<32x512xf32, #tpu.memory_space<vmem>>) target_semaphore(%arg11 : memref<!tpu.dma_semaphore, #tpu.memory_space<semaphore_mem>>)
      } else {
      }
      %add3A_177 = arith.constant 1 : i32
      %add3A_178 = arith.addi %mul3A_137, %add3A_177 : i32
      %mul3A_179 = arith.constant 32 : i32
      %mul3A_180 = arith.muli %add3A_178, %mul3A_179 : i32
      %dma_wait3A_181 = arith.constant 0 : i32
      %dma_wait3A_182 = tpu.memref_slice %arg2[%add3A, %mul3A_180, %dma_wait3A_181] : memref<32x512x512xf32, #tpu.memory_space<hbm>> -> memref<1x32x512xf32, #tpu.memory_space<hbm>>
      %dma_wait3A_183 = tpu.memref_squeeze %dma_wait3A_182 : memref<1x32x512xf32, #tpu.memory_space<hbm>> -> memref<32x512xf32, #tpu.memory_space<hbm>>
      %dma_wait3A_184 = arith.constant 0 : i32
      %dma_wait3A_185 = tpu.memref_slice %arg2[%add3A, %mul3A_180, %dma_wait3A_184] : memref<32x512x512xf32, #tpu.memory_space<hbm>> -> memref<1x32x512xf32, #tpu.memory_space<hbm>>
      %dma_wait3A_186 = tpu.memref_squeeze %dma_wait3A_185 : memref<1x32x512xf32, #tpu.memory_space<hbm>> -> memref<32x512xf32, #tpu.memory_space<hbm>>
      tpu.wait_dma2 semaphore(%arg12 : memref<!tpu.dma_semaphore, #tpu.memory_space<semaphore_mem>>) src(%dma_wait3A_186 : memref<32x512xf32, #tpu.memory_space<hbm>>) dst(%arg6 : memref<32x512xf32, #tpu.memory_space<vmem>>)
      %ge3A_187 = arith.constant 1 : i32
      %ge3A_188 = arith.cmpi sge, %scan3A_133, %ge3A_187 : i32
      %convert_element_type3A_189 = arith.extui %ge3A_188 : i1 to i32
      %cond3A_190 = arith.constant 0 : i32
      %cond3A_191 = arith.cmpi ne, %convert_element_type3A_189, %cond3A_190 : i32
      scf.if %cond3A_191 {
        %sub3A_206 = arith.constant 1 : i32
        %sub3A_207 = arith.subi %mul3A_137, %sub3A_206 : i32
        %mul3A_208 = arith.constant 32 : i32
        %mul3A_209 = arith.muli %sub3A_207, %mul3A_208 : i32
        %dma_wait3A_210 = arith.constant 0 : i32
        %dma_wait3A_211 = tpu.memref_slice %arg3[%add3A, %mul3A_209, %dma_wait3A_210] : memref<32x512x512xf32, #tpu.memory_space<hbm>> -> memref<1x32x512xf32, #tpu.memory_space<hbm>>
        %dma_wait3A_212 = tpu.memref_squeeze %dma_wait3A_211 : memref<1x32x512xf32, #tpu.memory_space<hbm>> -> memref<32x512xf32, #tpu.memory_space<hbm>>
        %dma_wait3A_213 = arith.constant 0 : i32
        %dma_wait3A_214 = tpu.memref_slice %arg3[%add3A, %mul3A_209, %dma_wait3A_213] : memref<32x512x512xf32, #tpu.memory_space<hbm>> -> memref<1x32x512xf32, #tpu.memory_space<hbm>>
        %dma_wait3A_215 = tpu.memref_squeeze %dma_wait3A_214 : memref<1x32x512xf32, #tpu.memory_space<hbm>> -> memref<32x512xf32, #tpu.memory_space<hbm>>
        tpu.wait_dma2 semaphore(%arg14 : memref<!tpu.dma_semaphore, #tpu.memory_space<semaphore_mem>>) src(%arg8 : memref<32x512xf32, #tpu.memory_space<vmem>>) dst(%dma_wait3A_215 : memref<32x512xf32, #tpu.memory_space<hbm>>)
      } else {
      }
      %parallel_loop3A_192 = arith.constant 0 : i32
      %parallel_loop3A_193 = arith.constant 1024 : i32
      %parallel_loop3A_194 = arith.constant 1 : i32
      %parallel_loop3A_195:2 = scf.for %parallel_loop3A_206 = %parallel_loop3A_192 to %parallel_loop3A_193 step %parallel_loop3A_194 iter_args(%parallel_loop3A_207 = %parallel_loop3A_162#0, %parallel_loop3A_208 = %parallel_loop3A_162#1) -> (vector<16xi32>, vector<16xi32>)  : i32 {
        %parallel_loop3A_209 = arith.constant 32 : i32
        %parallel_loop3A_210 = arith.divsi %parallel_loop3A_206, %parallel_loop3A_209 : i32
        %parallel_loop3A_211 = arith.constant 0 : i32
        %parallel_loop3A_212 = arith.cmpi sgt, %parallel_loop3A_206, %parallel_loop3A_211 : i32
        %parallel_loop3A_213 = arith.extui %parallel_loop3A_212 : i1 to i32
        %parallel_loop3A_214 = arith.constant 0 : i32
        %parallel_loop3A_215 = arith.cmpi slt, %parallel_loop3A_206, %parallel_loop3A_214 : i32
        %parallel_loop3A_216 = arith.extui %parallel_loop3A_215 : i1 to i32
        %parallel_loop3A_217 = arith.subi %parallel_loop3A_213, %parallel_loop3A_216 : i32
        %parallel_loop3A_218 = arith.constant 0 : i32
        %parallel_loop3A_219 = arith.cmpi sgt, %parallel_loop3A_209, %parallel_loop3A_218 : i32
        %parallel_loop3A_220 = arith.extui %parallel_loop3A_219 : i1 to i32
        %parallel_loop3A_221 = arith.constant 0 : i32
        %parallel_loop3A_222 = arith.cmpi slt, %parallel_loop3A_209, %parallel_loop3A_221 : i32
        %parallel_loop3A_223 = arith.extui %parallel_loop3A_222 : i1 to i32
        %parallel_loop3A_224 = arith.subi %parallel_loop3A_220, %parallel_loop3A_223 : i32
        %parallel_loop3A_225 = arith.cmpi ne, %parallel_loop3A_217, %parallel_loop3A_224 : i32
        %parallel_loop3A_226 = arith.remsi %parallel_loop3A_206, %parallel_loop3A_209 : i32
        %parallel_loop3A_227 = arith.constant 0 : i32
        %parallel_loop3A_228 = arith.cmpi ne, %parallel_loop3A_226, %parallel_loop3A_227 : i32
        %parallel_loop3A_229 = arith.andi %parallel_loop3A_225, %parallel_loop3A_228 : i1
        %parallel_loop3A_230 = arith.constant 1 : i32
        %parallel_loop3A_231 = arith.subi %parallel_loop3A_210, %parallel_loop3A_230 : i32
        %parallel_loop3A_232 = arith.select %parallel_loop3A_229, %parallel_loop3A_231, %parallel_loop3A_210 : i32
        %parallel_loop3A_233 = arith.constant 32 : i32
        %parallel_loop3A_234 = arith.constant 0 : i32
        %parallel_loop3A_235 = arith.cmpi eq, %parallel_loop3A_233, %parallel_loop3A_234 : i32
        %parallel_loop3A_236 = arith.constant 1 : i32
        %parallel_loop3A_237 = arith.select %parallel_loop3A_235, %parallel_loop3A_236, %parallel_loop3A_233 : i32
        %parallel_loop3A_238 = arith.remsi %parallel_loop3A_206, %parallel_loop3A_237 : i32
        %parallel_loop3A_239 = arith.constant 0 : i32
        %parallel_loop3A_240 = arith.cmpi ne, %parallel_loop3A_238, %parallel_loop3A_239 : i32
        %parallel_loop3A_241 = arith.constant 0 : i32
        %parallel_loop3A_242 = arith.cmpi slt, %parallel_loop3A_238, %parallel_loop3A_241 : i32
        %parallel_loop3A_243 = arith.constant 0 : i32
        %parallel_loop3A_244 = arith.cmpi slt, %parallel_loop3A_237, %parallel_loop3A_243 : i32
        %parallel_loop3A_245 = arith.xori %parallel_loop3A_242, %parallel_loop3A_244 : i1
        %parallel_loop3A_246 = arith.andi %parallel_loop3A_245, %parallel_loop3A_240 : i1
        %parallel_loop3A_247 = arith.addi %parallel_loop3A_238, %parallel_loop3A_237 : i32
        %parallel_loop3A_248 = arith.select %parallel_loop3A_246, %parallel_loop3A_247, %parallel_loop3A_238 : i32
        %parallel_loop3A_249 = arith.constant 16 : i32
        %parallel_loop3A_250 = arith.muli %parallel_loop3A_248, %parallel_loop3A_249 : i32
        %parallel_loop3A_251 = arith.index_cast %parallel_loop3A_232 : i32 to index
        %parallel_loop3A_252 = arith.index_cast %parallel_loop3A_250 : i32 to index
        %parallel_loop3A_253 = tpu.vector_load %arg6[%parallel_loop3A_251, %parallel_loop3A_252] {strides = array<i32>} : memref<32x512xf32, #tpu.memory_space<vmem>>, vector<16xf32>,
        %parallel_loop3A_254 = tpu.bitcast %parallel_loop3A_253 : vector<16xf32> -> vector<16xi32>
        %parallel_loop3A_255 = arith.constant 31 : i32
        %parallel_loop3A_256 = vector.broadcast %parallel_loop3A_255 : i32 to vector<16xi32>
        %parallel_loop3A_257 = arith.shrsi %parallel_loop3A_254, %parallel_loop3A_256 : vector<16xi32>
        %parallel_loop3A_258 = arith.constant 2147483647 : i32
        %parallel_loop3A_259 = vector.broadcast %parallel_loop3A_258 : i32 to vector<16xi32>
        %parallel_loop3A_260 = arith.andi %parallel_loop3A_257, %parallel_loop3A_259 : vector<16xi32>
        %parallel_loop3A_261 = arith.xori %parallel_loop3A_254, %parallel_loop3A_260 : vector<16xi32>
        %parallel_loop3A_262 = vector.broadcast %xor3A_106 : i32 to vector<16xi32>
        %parallel_loop3A_263 = arith.cmpi sgt, %parallel_loop3A_261, %parallel_loop3A_262 : vector<16xi32>
        %parallel_loop3A_264 = vector.broadcast %xor3A_106 : i32 to vector<16xi32>
        %parallel_loop3A_265 = arith.cmpi eq, %parallel_loop3A_261, %parallel_loop3A_264 : vector<16xi32>
        %parallel_loop3A_266 = arith.constant 1 : i32
        %parallel_loop3A_267 = arith.constant 0 : i32
        %parallel_loop3A_268 = vector.broadcast %parallel_loop3A_266 : i32 to vector<16xi32>
        %parallel_loop3A_269 = vector.broadcast %parallel_loop3A_267 : i32 to vector<16xi32>
        %parallel_loop3A_270 = arith.select %parallel_loop3A_265, %parallel_loop3A_268, %parallel_loop3A_269 : vector<16xi1>, vector<16xi32>
        %parallel_loop3A_271 = arith.constant true
        %parallel_loop3A_272 = vector.broadcast %parallel_loop3A_271 : i1 to vector<16xi1>
        %parallel_loop3A_273 = tpu.scan <sum>, %parallel_loop3A_270 masked %parallel_loop3A_272 : vector<16xi32>, vector<16xi1> -> vector<16xi32>
        %parallel_loop3A_274 = arith.addi %parallel_loop3A_273, %parallel_loop3A_207 : vector<16xi32>
        %parallel_loop3A_275 = vector.broadcast %sub3A_105 : i32 to vector<16xi32>
        %parallel_loop3A_276 = arith.cmpi sle, %parallel_loop3A_274, %parallel_loop3A_275 : vector<16xi32>
        %parallel_loop3A_277 = arith.andi %parallel_loop3A_265, %parallel_loop3A_276 : vector<16xi1>
        %parallel_loop3A_278 = arith.ori %parallel_loop3A_263, %parallel_loop3A_277 : vector<16xi1>
        %parallel_loop3A_279 = arith.constant 1.000000e+00 : f32
        %parallel_loop3A_280 = arith.constant 0.000000e+00 : f32
        %parallel_loop3A_281 = vector.broadcast %parallel_loop3A_279 : f32 to vector<16xf32>
        %parallel_loop3A_282 = vector.broadcast %parallel_loop3A_280 : f32 to vector<16xf32>
        %parallel_loop3A_283 = arith.select %parallel_loop3A_278, %parallel_loop3A_281, %parallel_loop3A_282 : vector<16xi1>, vector<16xf32>
        %parallel_loop3A_284 = arith.constant 32 : i32
        %parallel_loop3A_285 = arith.divsi %parallel_loop3A_206, %parallel_loop3A_284 : i32
        %parallel_loop3A_286 = arith.constant 0 : i32
        %parallel_loop3A_287 = arith.cmpi sgt, %parallel_loop3A_206, %parallel_loop3A_286 : i32
        %parallel_loop3A_288 = arith.extui %parallel_loop3A_287 : i1 to i32
        %parallel_loop3A_289 = arith.constant 0 : i32
        %parallel_loop3A_290 = arith.cmpi slt, %parallel_loop3A_206, %parallel_loop3A_289 : i32
        %parallel_loop3A_291 = arith.extui %parallel_loop3A_290 : i1 to i32
        %parallel_loop3A_292 = arith.subi %parallel_loop3A_288, %parallel_loop3A_291 : i32
        %parallel_loop3A_293 = arith.constant 0 : i32
        %parallel_loop3A_294 = arith.cmpi sgt, %parallel_loop3A_284, %parallel_loop3A_293 : i32
        %parallel_loop3A_295 = arith.extui %parallel_loop3A_294 : i1 to i32
        %parallel_loop3A_296 = arith.constant 0 : i32
        %parallel_loop3A_297 = arith.cmpi slt, %parallel_loop3A_284, %parallel_loop3A_296 : i32
        %parallel_loop3A_298 = arith.extui %parallel_loop3A_297 : i1 to i32
        %parallel_loop3A_299 = arith.subi %parallel_loop3A_295, %parallel_loop3A_298 : i32
        %parallel_loop3A_300 = arith.cmpi ne, %parallel_loop3A_292, %parallel_loop3A_299 : i32
        %parallel_loop3A_301 = arith.remsi %parallel_loop3A_206, %parallel_loop3A_284 : i32
        %parallel_loop3A_302 = arith.constant 0 : i32
        %parallel_loop3A_303 = arith.cmpi ne, %parallel_loop3A_301, %parallel_loop3A_302 : i32
        %parallel_loop3A_304 = arith.andi %parallel_loop3A_300, %parallel_loop3A_303 : i1
        %parallel_loop3A_305 = arith.constant 1 : i32
        %parallel_loop3A_306 = arith.subi %parallel_loop3A_285, %parallel_loop3A_305 : i32
        %parallel_loop3A_307 = arith.select %parallel_loop3A_304, %parallel_loop3A_306, %parallel_loop3A_285 : i32
        %parallel_loop3A_308 = arith.constant 32 : i32
        %parallel_loop3A_309 = arith.constant 0 : i32
        %parallel_loop3A_310 = arith.cmpi eq, %parallel_loop3A_308, %parallel_loop3A_309 : i32
        %parallel_loop3A_311 = arith.constant 1 : i32
        %parallel_loop3A_312 = arith.select %parallel_loop3A_310, %parallel_loop3A_311, %parallel_loop3A_308 : i32
        %parallel_loop3A_313 = arith.remsi %parallel_loop3A_206, %parallel_loop3A_312 : i32
        %parallel_loop3A_314 = arith.constant 0 : i32
        %parallel_loop3A_315 = arith.cmpi ne, %parallel_loop3A_313, %parallel_loop3A_314 : i32
        %parallel_loop3A_316 = arith.constant 0 : i32
        %parallel_loop3A_317 = arith.cmpi slt, %parallel_loop3A_313, %parallel_loop3A_316 : i32
        %parallel_loop3A_318 = arith.constant 0 : i32
        %parallel_loop3A_319 = arith.cmpi slt, %parallel_loop3A_312, %parallel_loop3A_318 : i32
        %parallel_loop3A_320 = arith.xori %parallel_loop3A_317, %parallel_loop3A_319 : i1
        %parallel_loop3A_321 = arith.andi %parallel_loop3A_320, %parallel_loop3A_315 : i1
        %parallel_loop3A_322 = arith.addi %parallel_loop3A_313, %parallel_loop3A_312 : i32
        %parallel_loop3A_323 = arith.select %parallel_loop3A_321, %parallel_loop3A_322, %parallel_loop3A_313 : i32
        %parallel_loop3A_324 = arith.constant 16 : i32
        %parallel_loop3A_325 = arith.muli %parallel_loop3A_323, %parallel_loop3A_324 : i32
        %parallel_loop3A_326 = arith.index_cast %parallel_loop3A_307 : i32 to index
        %parallel_loop3A_327 = arith.index_cast %parallel_loop3A_325 : i32 to index
        %parallel_loop3A_328 = tpu.vector_load %arg8[%parallel_loop3A_326, %parallel_loop3A_327] {strides = array<i32>} : memref<32x512xf32, #tpu.memory_space<vmem>>, vector<16xf32>,
        tpu.vector_store %arg8[%parallel_loop3A_326, %parallel_loop3A_327], %parallel_loop3A_283 {strides = array<i32>} : memref<32x512xf32, #tpu.memory_space<vmem>>, vector<16xf32>,
        %parallel_loop3A_329 = tpu.all_reduce %parallel_loop3A_265 {dim = 0 : i64, kind = #tpu.reduction_kind<sum>} : vector<16xi1> -> vector<16xi32>
        %parallel_loop3A_330 = arith.addi %parallel_loop3A_207, %parallel_loop3A_329 : vector<16xi32>
        %parallel_loop3A_331 = tpu.all_reduce %parallel_loop3A_278 {dim = 0 : i64, kind = #tpu.reduction_kind<sum>} : vector<16xi1> -> vector<16xi32>
        %parallel_loop3A_332 = arith.addi %parallel_loop3A_208, %parallel_loop3A_331 : vector<16xi32>
        scf.yield %parallel_loop3A_330, %parallel_loop3A_332 : vector<16xi32>, vector<16xi32>
      } {sc.loop_unroll_factor = 8 : i64, sc.parallel_access}
      %add3A_196 = arith.constant 1 : i32
      %add3A_197 = arith.addi %mul3A_137, %add3A_196 : i32
      %mul3A_198 = arith.constant 32 : i32
      %mul3A_199 = arith.muli %add3A_197, %mul3A_198 : i32
      %dma_start3A_200 = arith.constant 0 : i32
      %dma_start3A_201 = tpu.memref_slice %arg3[%add3A, %mul3A_199, %dma_start3A_200] : memref<32x512x512xf32, #tpu.memory_space<hbm>> -> memref<1x32x512xf32, #tpu.memory_space<hbm>>
      %dma_start3A_202 = tpu.memref_squeeze %dma_start3A_201 : memref<1x32x512xf32, #tpu.memory_space<hbm>> -> memref<32x512xf32, #tpu.memory_space<hbm>>
      %dma_start3A_203 = arith.constant 0 : i32
      %dma_start3A_204 = tpu.memref_slice %arg3[%add3A, %mul3A_199, %dma_start3A_203] : memref<32x512x512xf32, #tpu.memory_space<hbm>> -> memref<1x32x512xf32, #tpu.memory_space<hbm>>
      %dma_start3A_205 = tpu.memref_squeeze %dma_start3A_204 : memref<1x32x512xf32, #tpu.memory_space<hbm>> -> memref<32x512xf32, #tpu.memory_space<hbm>>
      tpu.enqueue_dma source(%arg8 : memref<32x512xf32, #tpu.memory_space<vmem>>) target(%dma_start3A_205 : memref<32x512xf32, #tpu.memory_space<hbm>>) target_semaphore(%arg14 : memref<!tpu.dma_semaphore, #tpu.memory_space<semaphore_mem>>)
      scf.yield %parallel_loop3A_195#0, %parallel_loop3A_195#1 : vector<16xi32>, vector<16xi32>
    }
    %scan3A_116 = arith.constant 8 : i32
    %dma_wait3A = arith.constant 448 : i32
    %dma_wait3A_117 = arith.constant 0 : i32
    %dma_wait3A_118 = tpu.memref_slice %arg3[%add3A, %dma_wait3A, %dma_wait3A_117] : memref<32x512x512xf32, #tpu.memory_space<hbm>> -> memref<1x32x512xf32, #tpu.memory_space<hbm>>
    %dma_wait3A_119 = tpu.memref_squeeze %dma_wait3A_118 : memref<1x32x512xf32, #tpu.memory_space<hbm>> -> memref<32x512xf32, #tpu.memory_space<hbm>>
    %dma_wait3A_120 = arith.constant 448 : i32
    %dma_wait3A_121 = arith.constant 0 : i32
    %dma_wait3A_122 = tpu.memref_slice %arg3[%add3A, %dma_wait3A_120, %dma_wait3A_121] : memref<32x512x512xf32, #tpu.memory_space<hbm>> -> memref<1x32x512xf32, #tpu.memory_space<hbm>>
    %dma_wait3A_123 = tpu.memref_squeeze %dma_wait3A_122 : memref<1x32x512xf32, #tpu.memory_space<hbm>> -> memref<32x512xf32, #tpu.memory_space<hbm>>
    tpu.wait_dma2 semaphore(%arg13 : memref<!tpu.dma_semaphore, #tpu.memory_space<semaphore_mem>>) src(%arg7 : memref<32x512xf32, #tpu.memory_space<vmem>>) dst(%dma_wait3A_123 : memref<32x512xf32, #tpu.memory_space<hbm>>)
    %dma_wait3A_124 = arith.constant 480 : i32
    %dma_wait3A_125 = arith.constant 0 : i32
    %dma_wait3A_126 = tpu.memref_slice %arg3[%add3A, %dma_wait3A_124, %dma_wait3A_125] : memref<32x512x512xf32, #tpu.memory_space<hbm>> -> memref<1x32x512xf32, #tpu.memory_space<hbm>>
    %dma_wait3A_127 = tpu.memref_squeeze %dma_wait3A_126 : memref<1x32x512xf32, #tpu.memory_space<hbm>> -> memref<32x512xf32, #tpu.memory_space<hbm>>
    %dma_wait3A_128 = arith.constant 480 : i32
    %dma_wait3A_129 = arith.constant 0 : i32
    %dma_wait3A_130 = tpu.memref_slice %arg3[%add3A, %dma_wait3A_128, %dma_wait3A_129] : memref<32x512x512xf32, #tpu.memory_space<hbm>> -> memref<1x32x512xf32, #tpu.memory_space<hbm>>
    %dma_wait3A_131 = tpu.memref_squeeze %dma_wait3A_130 : memref<1x32x512xf32, #tpu.memory_space<hbm>> -> memref<32x512xf32, #tpu.memory_space<hbm>>
    tpu.wait_dma2 semaphore(%arg14 : memref<!tpu.dma_semaphore, #tpu.memory_space<semaphore_mem>>) src(%arg8 : memref<32x512xf32, #tpu.memory_space<vmem>>) dst(%dma_wait3A_131 : memref<32x512xf32, #tpu.memory_space<hbm>>)
    %convert_element_type3A = arith.sitofp %scan3A_115#1 : vector<16xi32> to vector<16xf32>
    %swap3A = arith.constant 0 : index
    %swap3A_132 = tpu.vector_load %arg10[%swap3A] {strides = array<i32>} : memref<16xf32, #tpu.memory_space<vmem>>, vector<16xf32>,
    tpu.vector_store %arg10[%swap3A], %convert_element_type3A {strides = array<i32>} : memref<16xf32, #tpu.memory_space<vmem>>, vector<16xf32>,
    "tpu.region"() ({
      %run_scoped3A = tpu.sem_alloc : memref<!tpu.dma_semaphore, #tpu.memory_space<semaphore_mem>>
      %dma_start3A_133 = arith.constant 0 : i32
      %dma_start3A_134 = tpu.memref_slice %arg4[%add3A, %dma_start3A_133] : memref<32x16xf32, #tpu.memory_space<hbm>> -> memref<1x16xf32, #tpu.memory_space<hbm>>
      %dma_start3A_135 = tpu.memref_squeeze %dma_start3A_134 : memref<1x16xf32, #tpu.memory_space<hbm>> -> memref<16xf32, #tpu.memory_space<hbm>>
      %dma_start3A_136 = arith.constant 0 : i32
      %dma_start3A_137 = tpu.memref_slice %arg4[%add3A, %dma_start3A_136] : memref<32x16xf32, #tpu.memory_space<hbm>> -> memref<1x16xf32, #tpu.memory_space<hbm>>
      %dma_start3A_138 = tpu.memref_squeeze %dma_start3A_137 : memref<1x16xf32, #tpu.memory_space<hbm>> -> memref<16xf32, #tpu.memory_space<hbm>>
      tpu.enqueue_dma source(%arg10 : memref<16xf32, #tpu.memory_space<vmem>>) target(%dma_start3A_138 : memref<16xf32, #tpu.memory_space<hbm>>) target_semaphore(%run_scoped3A : memref<!tpu.dma_semaphore, #tpu.memory_space<semaphore_mem>>)
      %dma_wait3A_139 = arith.constant 0 : i32
      %dma_wait3A_140 = tpu.memref_slice %arg4[%add3A, %dma_wait3A_139] : memref<32x16xf32, #tpu.memory_space<hbm>> -> memref<1x16xf32, #tpu.memory_space<hbm>>
      %dma_wait3A_141 = tpu.memref_squeeze %dma_wait3A_140 : memref<1x16xf32, #tpu.memory_space<hbm>> -> memref<16xf32, #tpu.memory_space<hbm>>
      %dma_wait3A_142 = arith.constant 0 : i32
      %dma_wait3A_143 = tpu.memref_slice %arg4[%add3A, %dma_wait3A_142] : memref<32x16xf32, #tpu.memory_space<hbm>> -> memref<1x16xf32, #tpu.memory_space<hbm>>
      %dma_wait3A_144 = tpu.memref_squeeze %dma_wait3A_143 : memref<1x16xf32, #tpu.memory_space<hbm>> -> memref<16xf32, #tpu.memory_space<hbm>>
      tpu.wait_dma2 semaphore(%run_scoped3A : memref<!tpu.dma_semaphore, #tpu.memory_space<semaphore_mem>>) src(%arg10 : memref<16xf32, #tpu.memory_space<vmem>>) dst(%dma_wait3A_144 : memref<16xf32, #tpu.memory_space<hbm>>)
      tpu.yield
    }) : () -> ()
    return
  }
}

</mosaic_0001>

<sc_bundles>
// kernel: kernel.3.cloned.1.call-start
scs
__scs_entry_jumppad:
0x0: {  	(pc) =	sbr.rel $0x88, $3  }
0x1: {  	(tag) =	ssettag $0x0;
	lr =	simm.s32 $0x1  }
0x2: {  	[smem:$0x3FA0] =	sst lr;
	_ =	strace $0xD0000000  }
0x3: {  	_ = 	snop  }
0x4: {  	_ = 	snop  }
0x5: {  	_ = 	snop  }
0x6: {  	_ = 	snop  }
0x7: {  	_ = 	snop  }
__scs_overlays_trampoline_lowered:
0x8: {  	[smem:$0x3FAF] =	sst s0  }
0x9: {  	[smem:$0x3FB0] =	sst s1  }
0xa: {  	[smem:$0x3FB1] =	sst s2  }
0xb: {  	[smem:$0x3FB2] =	sst s3  }
0xc: {  	[smem:$0x3FB3] =	sst s4  }
0xd: {  	[smem:$0x3FB4] =	sst s5  }
0xe: {  	[smem:$0x3FB5] =	sst s6  }
0xf: {  	[smem:$0x3FB6] =	sst s7  }
0x10: {  	[smem:$0x3FB7] =	sst s8  }
0x11: {  	[smem:$0x3FB8] =	sst s9;
	s0 =	simm.s32 @!p0 $0x0  }
0x12: {  	s1 =	sld [smem:$0x3F9E];
	s0 =	simm.s32 @p0 $0x1  }
0x13: {  	[smem:$0x3FB9] =	sst s0;
	s0 =	simm.s32 @!p1 $0x0  }
0x14: {  	s2 =	sld [smem:$0x3F9D];
	s0 =	simm.s32 @p1 $0x1  }
0x15: {  	[smem:$0x3FBA] =	sst s0;
	s0 =	simm.s32 @!p2 $0x0  }
0x16: {  	s3 =	sld [smem:$0x3FDB];
	s0 =	simm.s32 @p2 $0x1  }
0x17: {  	s4 =	simm.s32 $0x1BF5;
	[smem:$0x3FBC] =	sst s0  }
0x18: {  	s0 =	sld [smem:$0x3F9F];
	_ =	swait.ge [sflag:s4], $0x0  }
0x19: {  	s7 =	sld [smem:$0x3FA0]  }
0x1a: {  	s8 =	sadd.s32 $0xFFFFE003, lr  }
0x1b: {  	s9 =	sadd.s32 $0xFFFFFEF7, lr;
	s5 =	simm.s32 $0xFFFFFFFF;
	p2 =	slt.u32 s8, $0xFFFFF086  }
0x1c: {  	p1 =	slt.u32 s9, $0xF7A;
	s5 =	simm.s32 @!p2 $0x0  }
0x1d: {  	s5 =	simm.s32 @p1 $0x1;
	p0 =	seq.s32 s7, s2  }
0x1e: {  	s7 =	smul.u32 @!p0 $0xF7A, s2;
	p2 =	seq.s32 @!p0 s5, $0x0  }
0x1f: {  	s9 =	smul.u32 $0xF7A, s1;
	s8 =	simm.s32 @!p0 $0x1BF5;
	p2 =	por !p2, p0  }
0x20: {  	[sflag:s8] =	ssyncset.s32 @!p0 $0xFFFFF086;
	s6 =	sadd.s32 @!p0 s3, s7;
	s7 =	simm.s32 @!p0 $0x108  }
0x21: {  	s3 =	sadd.s32 s3, s9;
	s6 =	sadd.s32 @!p0 $0x88, s6;
	s7 =	simm.s32 @p2 $0x1082  }
0x22: {  	[simem:s7], [sflag:s8] =	dma.local @!p0 [hbm:s6], $0xF7A  }
0x23: {  	s9 =	sor.u32 $0xD0000000, s2;
	s6 =	simm.s32 $0x108;
	_ =	swait.ge @!p0 [sflag:s8], $0x0  }
0x24: {  	s3 =	sadd.s32 $0x88, s3;
	s6 =	simm.s32 @!p1 $0x1082;
	[sflag:s4] =	ssyncset.s32 $0xFFFFF086  }
0x25: {  	[simem:s6], [sflag:s4] =	dma.local [hbm:s3], $0xF7A  }
0x26: {  	[smem:$0x3FA0] =	sst s1;
	(tag) =	ssettag s2;
	_ =	strace s9  }
0x27: {  	s1 =	sld [smem:$0x3FB0]  }
0x28: {  	s2 =	sld [smem:$0x3FB1]  }
0x29: {  	s4 =	sld [smem:$0x3FB3]  }
0x2a: {  	p0 =	seq.s32 s5, $0x0;
	s5 =	sld [smem:$0x3FB4]  }
0x2b: {  	s6 =	sld [smem:$0x3FB5]  }
0x2c: {  	s7 =	sld [smem:$0x3FB6]  }
0x2d: {  	s3 =	simm.s32 $0x108;
	s8 =	sld [smem:$0x3FB7]  }
0x2e: {  	s3 =	simm.s32 @!p0 $0x1082;
	s9 =	sld [smem:$0x3FB8]  }
0x2f: {  	lr =	sadd.s32 s0, s3;
	s0 =	sld [smem:$0x3FAF]  }
0x30: {  	s3 =	sld [smem:$0x3FB2]  }
0x31: {  	[smem:$0x3FBB] =	sst s10  }
0x32: {  	s10 =	sld [smem:$0x3FB9];
	_ =	sdelay $0x3  }
0x33: {  	p0 =	seq.s32 s10, $0x1;
	s10 =	sld [smem:$0x3FBB];
	_ =	sdelay $0x3  }
0x34: {  	[smem:$0x3FBB] =	sst s10  }
0x35: {  	s10 =	sld [smem:$0x3FBA];
	_ =	sdelay $0x3  }
0x36: {  	p1 =	seq.s32 s10, $0x1;
	s10 =	sld [smem:$0x3FBB];
	_ =	sdelay $0x3  }
0x37: {  	[smem:$0x3FBB] =	sst s10  }
0x38: {  	s10 =	sld [smem:$0x3FBC]  }
0x39: {  	_ = 	snop;
	(pc) =	sbr.ind lr, $3  }
0x3a: {  	_ = 	snop  }
0x3b: {  	_ = 	snop  }
0x3c: {  	p2 =	seq.s32 s10, $0x1;
	s10 =	sld [smem:$0x3FBB]  }
0x3d: {  	_ =	shalt  }
0x3e: {  	_ =	shalt  }
0x3f: {  	_ =	shalt  }
0x40: {  	_ =	shalt  }
0x41: {  	_ =	shalt  }
0x42: {  	_ =	shalt  }
0x43: {  	_ =	shalt  }
0x44: {  	_ =	shalt  }
0x45: {  	_ =	shalt  }
0x46: {  	_ =	shalt  }
0x47: {  	_ =	shalt  }
0x48: {  	_ =	shalt  }
0x49: {  	_ =	shalt  }
0x4a: {  	_ =	shalt  }
0x4b: {  	_ =	shalt  }
0x4c: {  	_ =	shalt  }
0x4d: {  	_ =	shalt  }
0x4e: {  	_ =	shalt  }
0x4f: {  	_ =	shalt  }
0x50: {  	_ =	shalt  }
0x51: {  	_ =	shalt  }
0x52: {  	_ =	shalt  }
0x53: {  	_ =	shalt  }
0x54: {  	_ =	shalt  }
0x55: {  	_ =	shalt  }
0x56: {  	_ =	shalt  }
0x57: {  	_ =	shalt  }
0x58: {  	_ =	shalt  }
0x59: {  	_ =	shalt  }
0x5a: {  	_ =	shalt  }
0x5b: {  	_ =	shalt  }
0x5c: {  	_ =	shalt  }
0x5d: {  	_ =	shalt  }
0x5e: {  	_ =	shalt  }
0x5f: {  	_ =	shalt  }
0x60: {  	_ =	shalt  }
0x61: {  	_ =	shalt  }
0x62: {  	_ =	shalt  }
0x63: {  	_ =	shalt  }
0x64: {  	_ =	shalt  }
0x65: {  	_ =	shalt  }
0x66: {  	_ =	shalt  }
0x67: {  	_ =	shalt  }
0x68: {  	_ =	shalt  }
0x69: {  	_ =	shalt  }
0x6a: {  	_ =	shalt  }
0x6b: {  	_ =	shalt  }
0x6c: {  	_ =	shalt  }
0x6d: {  	_ =	shalt  }
0x6e: {  	_ =	shalt  }
0x6f: {  	_ =	shalt  }
0x70: {  	_ =	shalt  }
0x71: {  	_ =	shalt  }
0x72: {  	_ =	shalt  }
0x73: {  	_ =	shalt  }
0x74: {  	_ =	shalt  }
0x75: {  	_ =	shalt  }
0x76: {  	_ =	shalt  }
0x77: {  	_ =	shalt  }
0x78: {  	_ =	shalt  }
0x79: {  	_ =	shalt  }
0x7a: {  	_ =	shalt  }
0x7b: {  	_ =	shalt  }
0x7c: {  	_ =	shalt  }
0x7d: {  	_ =	shalt  }
0x7e: {  	_ =	shalt  }
0x7f: {  	_ =	shalt  }
0x80: {  	_ =	shalt  }
0x81: {  	_ =	shalt  }
0x82: {  	_ =	shalt  }
0x83: {  	_ =	shalt  }
0x84: {  	_ =	shalt  }
0x85: {  	_ =	shalt  }
0x86: {  	_ =	shalt  }
0x87: {  	_ =	shalt  }
.Lfunc_end0:
.L_simem_size_0:
called_computation_lowered:
.L_overlay_start_0:
0x88: {  	s2 =	sld [smem:$0x3FD9]  }
0x89: {  	s3 =	sld [smem:$0x3FFE];
	_ =	sdelay $0x1  }
0x8a: {  	s1 =	srdreg.scid  }
0x8b: {  	s0 =	sand.u32 $0x1, s1  }
0x8c: {  	s14 =	sshll.u32 s0, $0xA;
	s2 =	sadd.s32 s3, s2  }
0x8d: {  	s2 =	sadd.s32 s2, s14  }
0x8e: {  	[smem:$0x3FC7] =	sst s2  }
0x8f: {  	_ = 	snop  }
0x90: {  	s2 =	sld [smem:$0x3FD0];
	_ =	sdelay $0x2  }
0x91: {  	s4 =	simm.s32 $0xA;
	s5 =	simm.s32 $0x10;
	s15 =	sld [smem:$0x3FC9]  }
0x92: {  	[smem:s5], [sflag:s4] =	dma.local [hbm:s2], $0x1  }
0x93: {  	_ =	swait.eq [sflag:s4], $0x1  }
0x94: {  	[sflag:s4] =	ssyncset.done $0x0  }
0x95: {  	[sflag:s4] =	ssyncadd.s32 $0xFFFFFFFF  }
0x96: {  	s16 =	sld [smem:$0x10];
	(tm) =	ssettm $0x1  }
0x97: {  	s17 =	sld [smem:$0x3FFB];
	_ =	sdelay $0x3  }
0x98: {  	_ =	strace s17  }
0x99: {  	s4 =	sld [smem:$0x3FFC];
	_ =	sdelay $0x3  }
0x9a: {  	_ =	strace s4  }
0x9b: {  	s4 =	sld [smem:$0x3FFD];
	_ =	sdelay $0x3  }
0x9c: {  	_ =	strace s4  }
0x9d: {  	_ =	strace $0x8FFFFFFF  }
0x9e: {  	s18 =	sld [smem:$0x3FDB];
	_ =	sdelay $0x1  }
0x9f: {  	s19 =	simm.s32 $_scs_section_size  }
0xa0: {  	s6 =	simm.s32 $_size__tile_overlayer_lowered;
	s7 =	simm.s32 $_tile_overlayer_lowered  }
0xa1: {  	s22 =	simm.s32 $0x1BFF;
	s21 =	sshll.u32 s7, $0x1;
	s4 =	sadd.s32 s19, s18  }
0xa2: {  	s8 =	simm.s32 $0x0;
	s20 =	sshll.u32 s6, $0x1;
	s6 =	sadd.s32 s21, s4  }
0xa3: {  	[timem:s8], [sflag:s22] =	dma.local [hbm:s6], s20  }
0xa4: {  	_ =	swait.ge [sflag:s22], s20  }
0xa5: {  	s5 =	ssub.s32 $0x0, s20;
	[sflag:s22] =	ssyncset.done $0x0  }
0xa6: {  	[sflag:s22] =	ssyncadd.s32 s5;
	_ =	sdelay $0x1  }
0xa7: {  	s23 =	simm.s32 $0x1B8B  }
0xa8: {  	_ =	swait.ge [sflag:s23], $0x1  }
0xa9: {  	[sflag:s23] =	ssyncset.done $0x0  }
0xaa: {  	s25 =	simm.s32 $0x1B8E;
	s24 =	sld [smem:$0x3FFE];
	[sflag:s23] =	ssyncadd.s32 $0xFFFFFFFF  }
0xab: {  	s26 =	simm.s32 $execute0_lowered;
	[smem:$0x3FD2] =	sst s25  }
0xac: {  	s6 =	sshll.u32 s26, $0x1;
	_ =	strace $0x80000046;
	[dreg:$0x1] =	wrdreg $0xFFFFFFFF  }
0xad: {  	s28 =	simm.s32 $_size_execute0_lowered;
	s4 =	sadd.s32 s4, s6;
	[dreg:$0x0] =	wrdreg $0x0  }
0xae: {  	s6 =	sshll.u32 s28, $0x1;
	[dreg:$0x2] =	wrdreg s4  }
0xaf: {  	[dreg:$0x3] =	wrdreg s6  }
0xb0: {  	[dreg:$0x4] =	wrdreg $0xC0  }
0xb1: {  	_ =	task [dreg:s8], $0x5FFFF  }
0xb2: {  	[dreg:$0x1] =	wrdreg $0xFFFFFFFF  }
0xb3: {  	[dreg:$0x0] =	wrdreg $0x60  }
0xb4: {  	[dreg:$0x2] =	wrdreg s15  }
0xb5: {  	[dreg:$0x3] =	wrdreg s16  }
0xb6: {  	[dreg:$0x4] =	wrdreg s24  }
0xb7: {  	[dreg:$0x5] =	wrdreg $0x9  }
0xb8: {  	_ =	task.clear_ibuf [dreg:s8], $0x6FFFF;
	_ =	strace $0x90000046  }
0xb9: {  	s29 =	simm.s32 $0x9;
	_ =	strace $0x80000048  }
0xba: {  	_ =	swait.ge [sflag:s29], $0x1  }
0xbb: {  	[sflag:s29] =	ssyncadd.s32 $0xFFFFFFFF  }
0xbc: {  	_ =	strace $0x90000048  }
0xbd: {  	_ =	sfence  }
0xbe: {  	s30 =	sld [smem:$0x0];
	_ =	sdelay $0x2  }
0xbf: {  	s31 =	sshll.u32 s1, $0xD;
	s1 =	sshrl.u32 s1, $0x2  }
0xc0: {  	s3 =	sand.u32 $0x4000, s31;
	s1 =	sadd.s32 s1, s30  }
0xc1: {  	s0 =	sor.u32 s3, s0;
	s1 =	sshll.u32 s1, $0x11  }
0xc2: {  	s0 =	sor.u32 s1, s0  }
0xc3: {  	s0 =	sadd.s32 $0x8F2B, s0  }
0xc4: {  	[sflag:s0] =	ssyncadd.remote.s32 $0x1  }
0xc5: {  	_ =	sfence.sel $0xFFFF  }
0xc6: {  	[dreg:$0x0] =	wrdreg $0xFFFFFFFF;
	(pc) =	sbr.abs _section_cstart, $3  }
0xc7: {  	[dreg:$0x1] =	wrdreg $0xFFFFFFFF  }
0xc8: {  	_ =	task.clear_ibuf [dreg:s8], $0x2FFFF;
	_ =	strace $0x9FFFFFFF  }
0xc9: {  	(tm) =	ssettm $0x7FFFFFFF  }
tec
execute0_lowered:
.L_overlay_start_1:
0x0: {  	(tag) =	ssettag $0x1  }
0x1: {  	s1 =	rddreg [dreg:$0x0]  }
0x2: {  	s3 =	rddreg [dreg:$0x1];
	s0 =	srdreg.scid  }
0x3: {  	s4 =	stileid.u32;
	s2 =	rddreg [dreg:$0x2];
	s10 =	simm.s32 $0x4000  }
0x4: {  	s11 =	simm.s32 $0x1;
	s12 =	simm.s32 $0x10000;
	s13 =	simm.s32 $0x2  }
0x5: {  	s14 =	simm.s32 $0x8000;
	s0 =	sand.u32 $0x1, s0;
	s5 =	sshll.u32 s4, $0x1  }
0x6: {  	s15 =	simm.s32 $0x4;
	s4 =	simm.s32 $0x0;
	s6 =	sor.u32 s0, s5  }
0x7: {  	[smem:$0x7FF] =	sst s4;
	s0 =	ssub.s32 $0x2, s0;
	s5 =	sshll.u32 s6, $0x4  }
0x8: {  	_ =	strace $0x80000047;
	s31 =	sshrl.u32 s0, $0x1;
	s2 =	sadd.s32 s5, s2  }
0x9: {  	s0 =	ssub.s32 s0, s31;
	s5 =	sshll.u32 s6, $0x12;
	s2 =	sadd.s32 $0x400, s2  }
0xa: {  	s6 =	sshll.u32 s6, $0xF;
	s0 =	smax.u32 s0, $0x1;
	[dreg:$0x5] =	wrdreg s2  }
0xb: {  	v0 =	vimm.s32 $0x0;
	s16 =	simm.s32 $0xC000;
	s6 =	sadd.s32 s1, s6;
	[dreg:$0x6] =	wrdreg s0  }
0xc: {  	v1 =	vlaneseq.u32;
	v2 =	vimm.s32 $0x1;
	v3 =	vimm.f32 $0.0e+00;
	s8 =	simm.s32 $0x0;
	s7 =	sor.u32 $0x8000, s5;
	[dreg:$0x4] =	wrdreg s6  }
.LBB2_1:
0xd: {  	s0 =	simm.s32 $0x10040  }
0xe: {  	[tilespmem:s0+$0xFFFFFFC0] =	vst v0  }
0xf: {  	[tilespmem:s0+$0x30] =	vst v0  }
0x10: {  	[tilespmem:s0+$0x20] =	vst v0  }
0x11: {  	[tilespmem:s0+$0x10] =	vst v0  }
0x12: {  	[tilespmem:s0+$0x0] =	vst v0  }
0x13: {  	[tilespmem:s0+$0xFFFFFFF0] =	vst v0  }
0x14: {  	s2 =	simm.s32 $0x0;
	[tilespmem:s0+$0xFFFFFFE0] =	vst v0  }
.LBB2_2:
0x15: {  	s2 =	sadd.s32 $0x8, s2;
	[tilespmem:s0+$0xFFFFFFD0] =	vst v0;
	s0 =	sadd.s32 $0x80, s0  }
0x16: {  	[tilespmem:s0+$0xFFFFFFC0] =	vst v0;
	p0 =	slt.u32 s2, $0x7F8  }
0x17: {  	[tilespmem:s0+$0x30] =	vst v0  }
.Ltmp0:
0x18: {  	[tilespmem:s0+$0x20] =	vst v0;
	(pc) =	sbr.rel @p0 .LBB2_2-.Ltmp0, $4  }
0x19: {  	[tilespmem:s0+$0x10] =	vst v0  }
0x1a: {  	[tilespmem:s0+$0x0] =	vst v0  }
0x1b: {  	[tilespmem:s0+$0xFFFFFFF0] =	vst v0  }
0x1c: {  	[tilespmem:s0+$0xFFFFFFE0] =	vst v0  }
0x1d: {  	[dreg:$0x7] =	wrdreg s8;
	[tilespmem:s0+$0xFFFFFFD0] =	vst v0;
	s21 =	simm.s32 $0x0;
	s22 =	simm.s32 $0x0  }
0x1e: {  	[tilespmem:s21], [sflag:$0x1] =	stream.linear.gather [hbm4b:s6+s21], $0x4000, $0x38;
	[tilespmem:$0x18080] =	vst v63  }
.LBB2_5:
0x1f: {  	s23 =	sshll.u32 s22, $0xF  }
0x20: {  	s0 =	sor.u32 s23, s5  }
0x21: {  	s0 =	sshrl.u32 s0, $0x3  }
0x22: {  	s0 =	sadd.s32 s0, s1  }
0x23: {  	s28 =	simm.s32 $0x0;
	s2 =	simm.s32 $0x0;
	s0 =	sadd.s32 $0x800, s0  }
0x24: {  	[tilespmem:s10], [sflag:$0x2] =	stream.linear.gather [hbm4b:s0+s21], $0x4000, $0x38;
	[tilespmem:$0x18080] =	vst v63  }
0x25: {  	s8 =	sand.u32 $0xC00, s21;
	s0 =	sand.u32 $0x3000, s28;
	_ =	swait.ge [sflag:s11], $0x4000  }
0x26: {  	s2 =	sand.u32 $0x380, s2;
	s0 =	sor.u32 s8, s0;
	[sflag:s11] =	ssyncset.done $0x0  }
0x27: {  	s0 =	sor.u32 s2, s0;
	[sflag:s11] =	ssyncadd.s32 $0xFFFFC000  }
0x28: {  	v4 =	vld [tilespmem:s0+$0x0]  }
0x29: {  	v5 =	vld [tilespmem:s0+$0x40]  }
0x2a: {  	v6 =	vld [tilespmem:s0+$0x20]  }
0x2b: {  	v8 =	vld [tilespmem:s0+$0x50]  }
0x2c: {  	v9 =	vld [tilespmem:s0+$0x30];
	_ =	sdelay $0x2  }
0x2d: {  	v12 =	vld [tilespmem:s0+$0x70];
	v7 =	vshra.s32 v4, $0x1F  }
0x2e: {  	v10 =	vshra.s32 v6, $0x1F;
	v11 =	vshra.s32 v5, $0x1F;
	v13 =	vshra.s32 v8, $0x1F  }
0x2f: {  	v14 =	vshra.s32 v9, $0x1F;
	v7 =	vor.u32 $0x80000000, v7;
	v11 =	vor.u32 $0x80000000, v11  }
0x30: {  	v10 =	vor.u32 $0x80000000, v10;
	v13 =	vor.u32 $0x80000000, v13;
	v4 =	vxor.u32 v4, v7;
	v7 =	vld [tilespmem:s0+$0x60]  }
0x31: {  	v5 =	vxor.u32 v5, v11;
	v6 =	vxor.u32 v6, v10;
	v10 =	vor.u32 $0x80000000, v14  }
0x32: {  	s29 =	simm.s32 $0x80;
	s24 =	simm.s32 $0x400;
	v11 =	vshra.s32 v12, $0x1F;
	v8 =	vxor.u32 v8, v13;
	v4 =	vshrl.u32 v4, $0x11  }
0x33: {  	s30 =	simm.s32 $0x20;
	s9 =	sand.u32 $0xC00, s24;
	s2 =	sand.u32 $0x3000, s29;
	v5 =	vshrl.u32 v5, $0x11;
	v9 =	vxor.u32 v9, v10;
	v6 =	vshrl.u32 v6, $0x11  }
0x34: {  	s31 =	sand.u32 $0x380, s30;
	s2 =	sor.u32 s9, s2;
	v14 =	vld [tilespmem:s0+$0x10];
	v8 =	vshrl.u32 v8, $0x11;
	v4 =	vand.u32 $0x7FF0, v4;
	v5 =	vand.u32 $0x7FF0, v5  }
0x35: {  	s25 =	sor.u32 s31, s2;
	v9 =	vshrl.u32 v9, $0x11;
	v18 =	vor.u32 v1, v5;
	v10 =	vshra.s32 v7, $0x1F  }
0x36: {  	v16 =	vld [tilespmem:s25+$0x0];
	v8 =	vand.u32 $0x7FF0, v8;
	v4 =	vor.u32 v1, v4;
	v5 =	vor.u32 $0x80000000, v10  }
0x37: {  	v9 =	vand.u32 $0x7FF0, v9;
	v15 =	vor.u32 v1, v8;
	v10 =	vld [tilespmem:s25+$0x40];
	v5 =	vxor.u32 v7, v5  }
0x38: {  	v19 =	vor.u32 v1, v9;
	v7 =	vand.u32 $0x7FF0, v6;
	v6 =	vld [tilespmem:s25+$0x50];
	v5 =	vshrl.u32 v5, $0x11  }
0x39: {  	v9 =	vshra.s32 v14, $0x1F;
	v17 =	vor.u32 v1, v7;
	v7 =	vld [tilespmem:s25+$0x60];
	v5 =	vand.u32 $0x7FF0, v5  }
0x3a: {  	[tilespmem:v18+s12+$0x0] =	vst.idx.add.s32.msk $0xffff, v2;
	v20 =	vor.u32 v1, v5;
	v5 =	vor.u32 $0x80000000, v9;
	v9 =	vor.u32 $0x80000000, v11  }
0x3b: {  	v11 =	vld [tilespmem:s25+$0x20];
	v13 =	vxor.u32 v14, v5;
	v9 =	vxor.u32 v12, v9;
	v12 =	vshra.s32 v16, $0x1F  }
0x3c: {  	v14 =	vld [tilespmem:s25+$0x30];
	v9 =	vshrl.u32 v9, $0x11;
	v12 =	vor.u32 $0x80000000, v12;
	v13 =	vshrl.u32 v13, $0x11  }
0x3d: {  	[tilespmem:v19+s12+$0x0] =	vst.idx.add.s32.msk $0xffff, v2;
	v8 =	vxor.u32 v16, v12;
	v12 =	vand.u32 $0x7FF0, v13;
	v9 =	vand.u32 $0x7FF0, v9  }
0x3e: {  	[tilespmem:v17+s12+$0x0] =	vst.idx.add.s32.msk $0xffff, v2;
	v17 =	vshra.s32 v10, $0x1F;
	v13 =	vshrl.u32 v8, $0x11;
	v8 =	vor.u32 v1, v12  }
0x3f: {  	v5 =	vld [tilespmem:s25+$0x70];
	v9 =	vor.u32 v1, v9;
	v17 =	vor.u32 $0x80000000, v17;
	v12 =	vand.u32 $0x7FF0, v13  }
0x40: {  	s0 =	simm.s32 $0x8;
	[tilespmem:v20+s12+$0x0] =	vst.idx.add.s32.msk $0xffff, v2;
	v16 =	vshra.s32 v11, $0x1F;
	v13 =	vor.u32 v1, v12;
	v12 =	vshra.s32 v6, $0x1F  }
.LBB2_6:
0x41: {  	s0 =	sadd.s32 $0x8, s0;
	v16 =	vor.u32 $0x80000000, v16;
	v18 =	vshra.s32 v14, $0x1F;
	v10 =	vxor.u32 v10, v17;
	[tilespmem:v15+s12+$0x0] =	vst.idx.add.s32.msk $0xffff, v2  }
0x42: {  	s24 =	sadd.s32 $0x400, s24;
	s2 =	sshll.u32 s0, $0x4;
	s8 =	sshll.u32 s0, $0x2;
	v11 =	vxor.u32 v11, v16;
	v15 =	vor.u32 $0x80000000, v18;
	v10 =	vshrl.u32 v10, $0x11;
	[tilespmem:v4+s12+$0x0] =	vst.idx.add.s32.msk $0xffff, v2;
	v4 =	vmovc v13  }
0x43: {  	s9 =	sand.u32 $0xC00, s24;
	p0 =	slt.u32 s0, $0x3F8;
	s2 =	sand.u32 $0x3000, s2;
	v13 =	vld [tilespmem:s25+$0x10];
	v14 =	vxor.u32 v14, v15;
	v10 =	vand.u32 $0x7FF0, v10;
	v15 =	vshra.s32 v7, $0x1F  }
0x44: {  	s8 =	sand.u32 $0x380, s8;
	s2 =	sor.u32 s9, s2;
	v14 =	vshrl.u32 v14, $0x11;
	v18 =	vor.u32 v1, v10;
	v10 =	vor.u32 $0x80000000, v15;
	[tilespmem:v9+s12+$0x0] =	vst.idx.add.s32.msk $0xffff, v2  }
0x45: {  	v9 =	vshrl.u32 v11, $0x11;
	v11 =	vshra.s32 v5, $0x1F;
	s25 =	sor.u32 s8, s2;
	v7 =	vxor.u32 v7, v10;
	[tilespmem:v8+s12+$0x0] =	vst.idx.add.s32.msk $0xffff, v2  }
0x46: {  	v9 =	vand.u32 $0x7FF0, v9;
	v10 =	vand.u32 $0x7FF0, v14;
	v8 =	vld [tilespmem:s25+$0x0];
	v7 =	vshrl.u32 v7, $0x11  }
0x47: {  	v9 =	vor.u32 v1, v9;
	v17 =	vor.u32 v1, v10;
	v16 =	vld [tilespmem:s25+$0x50];
	v10 =	vand.u32 $0x7FF0, v7  }
0x48: {  	v12 =	vor.u32 $0x80000000, v12;
	v7 =	vld [tilespmem:s25+$0x60];
	v14 =	vshra.s32 v13, $0x1F;
	v19 =	vor.u32 v1, v10  }
0x49: {  	v6 =	vxor.u32 v6, v12;
	v12 =	vor.u32 $0x80000000, v11;
	v10 =	vld [tilespmem:s25+$0x40];
	v14 =	vor.u32 $0x80000000, v14  }
0x4a: {  	v22 =	vshrl.u32 v6, $0x11;
	v12 =	vxor.u32 v5, v12;
	v11 =	vld [tilespmem:s25+$0x20];
	v13 =	vxor.u32 v13, v14  }
0x4b: {  	v21 =	vand.u32 $0x7FF0, v22;
	v12 =	vshrl.u32 v12, $0x11;
	v14 =	vshra.s32 v8, $0x1F;
	v5 =	vld [tilespmem:s25+$0x70]  }
.Ltmp1:
0x4c: {  	v15 =	vor.u32 v1, v21;
	v13 =	vshrl.u32 v13, $0x11;
	v20 =	vor.u32 $0x80000000, v14;
	v14 =	vld [tilespmem:s25+$0x30];
	v6 =	vmovc v16;
	(pc) =	sbr.rel @p0 .LBB2_6-.Ltmp1, $4  }
0x4d: {  	v13 =	vand.u32 $0x7FF0, v13;
	v8 =	vxor.u32 v8, v20;
	[tilespmem:v9+s12+$0x0] =	vst.idx.add.s32.msk $0xffff, v2;
	v9 =	vand.u32 $0x7FF0, v12  }
0x4e: {  	v12 =	vshrl.u32 v8, $0x11;
	v8 =	vor.u32 v1, v13;
	[tilespmem:v19+s12+$0x0] =	vst.idx.add.s32.msk $0xffff, v2;
	v9 =	vor.u32 v1, v9  }
0x4f: {  	v19 =	vshra.s32 v10, $0x1F;
	v12 =	vand.u32 $0x7FF0, v12;
	v16 =	vshra.s32 v11, $0x1F;
	[tilespmem:v17+s12+$0x0] =	vst.idx.add.s32.msk $0xffff, v2  }
0x50: {  	v17 =	vor.u32 $0x80000000, v19;
	v13 =	vor.u32 v1, v12;
	v12 =	vshra.s32 v6, $0x1F;
	[tilespmem:v18+s12+$0x0] =	vst.idx.add.s32.msk $0xffff, v2  }
0x51: {  	v16 =	vor.u32 $0x80000000, v16;
	v18 =	vshra.s32 v14, $0x1F  }
0x52: {  	v10 =	vxor.u32 v10, v17;
	v12 =	vor.u32 $0x80000000, v12;
	v11 =	vxor.u32 v11, v16  }
0x53: {  	v16 =	vor.u32 $0x80000000, v18;
	v10 =	vshrl.u32 v10, $0x11;
	v6 =	vxor.u32 v6, v12  }
0x54: {  	v17 =	vld [tilespmem:s25+$0x10];
	v14 =	vxor.u32 v14, v16;
	v10 =	vand.u32 $0x7FF0, v10;
	v16 =	vshra.s32 v7, $0x1F  }
0x55: {  	v11 =	vshrl.u32 v11, $0x11;
	v6 =	vshrl.u32 v6, $0x11;
	v14 =	vshrl.u32 v14, $0x11  }
0x56: {  	v10 =	vor.u32 v1, v10;
	v16 =	vor.u32 $0x80000000, v16;
	v11 =	vand.u32 $0x7FF0, v11  }
0x57: {  	v6 =	vand.u32 $0x7FF0, v6;
	v7 =	vxor.u32 v7, v16;
	v16 =	vshra.s32 v5, $0x1F  }
0x58: {  	[tilespmem:v15+s12+$0x0] =	vst.idx.add.s32.msk $0xffff, v2;
	v14 =	vand.u32 $0x7FF0, v14;
	v11 =	vor.u32 v1, v11;
	v6 =	vor.u32 v1, v6  }
0x59: {  	[tilespmem:v4+s12+$0x0] =	vst.idx.add.s32.msk $0xffff, v2;
	v7 =	vshrl.u32 v7, $0x11;
	v4 =	vshra.s32 v17, $0x1F;
	v12 =	vor.u32 $0x80000000, v16  }
0x5a: {  	[tilespmem:v9+s12+$0x0] =	vst.idx.add.s32.msk $0xffff, v2;
	v14 =	vor.u32 v1, v14;
	v4 =	vor.u32 $0x80000000, v4;
	v5 =	vxor.u32 v5, v12  }
0x5b: {  	[tilespmem:v8+s12+$0x0] =	vst.idx.add.s32.msk $0xffff, v2;
	v7 =	vand.u32 $0x7FF0, v7;
	v4 =	vxor.u32 v17, v4;
	v5 =	vshrl.u32 v5, $0x11  }
0x5c: {  	[tilespmem:v13+s12+$0x0] =	vst.idx.add.s32.msk $0xffff, v2;
	v7 =	vor.u32 v1, v7;
	v4 =	vshrl.u32 v4, $0x11;
	v5 =	vand.u32 $0x7FF0, v5  }
0x5d: {  	[tilespmem:v10+s12+$0x0] =	vst.idx.add.s32.msk $0xffff, v2;
	v4 =	vand.u32 $0x7FF0, v4;
	v5 =	vor.u32 v1, v5  }
0x5e: {  	[tilespmem:v11+s12+$0x0] =	vst.idx.add.s32.msk $0xffff, v2;
	v4 =	vor.u32 v1, v4  }
0x5f: {  	[tilespmem:v6+s12+$0x0] =	vst.idx.add.s32.msk $0xffff, v2  }
0x60: {  	p0 =	seq.s32 s22, $0x7;
	[tilespmem:v14+s12+$0x0] =	vst.idx.add.s32.msk $0xffff, v2  }
0x61: {  	s0 =	sadd.s32 @!p0 s23, s7;
	[tilespmem:v7+s12+$0x0] =	vst.idx.add.s32.msk $0xffff, v2  }
0x62: {  	s26 =	simm.s32 $0x0;
	s28 =	simm.s32 $0x0;
	s0 =	sshrl.u32 @!p0 s0, $0x3;
	[tilespmem:v5+s12+$0x0] =	vst.idx.add.s32.msk $0xffff, v2  }
0x63: {  	s8 =	simm.s32 $0x0;
	s2 =	simm.s32 @!p0 $0x0;
	s0 =	sadd.s32 @!p0 s1, s0;
	[tilespmem:v4+s12+$0x0] =	vst.idx.add.s32.msk $0xffff, v2  }
0x64: {  	[tilespmem:s2], [sflag:$0x1] =	stream.linear.gather @!p0 [hbm4b:s0+s2], $0x4000, $0x38;
	[tilespmem:$0x18080] =	vst v63  }
0x65: {  	s2 =	sand.u32 $0x3000, s28;
	s0 =	sand.u32 $0xC00, s26;
	_ =	swait.ge [sflag:s13], $0x4000  }
0x66: {  	s8 =	sand.u32 $0x380, s8;
	s0 =	sor.u32 s0, s2;
	[sflag:s13] =	ssyncset.done $0x0  }
0x67: {  	s0 =	sor.u32 s8, s0;
	[sflag:s13] =	ssyncadd.s32 $0xFFFFC000  }
0x68: {  	v4 =	vld [tilespmem:s0+$0x4000]  }
0x69: {  	v5 =	vld [tilespmem:s0+$0x4040]  }
0x6a: {  	v6 =	vld [tilespmem:s0+$0x4020]  }
0x6b: {  	v8 =	vld [tilespmem:s0+$0x4050]  }
0x6c: {  	v9 =	vld [tilespmem:s0+$0x4030];
	_ =	sdelay $0x2  }
0x6d: {  	v12 =	vld [tilespmem:s0+$0x4070];
	v7 =	vshra.s32 v4, $0x1F  }
0x6e: {  	v10 =	vshra.s32 v6, $0x1F;
	v11 =	vshra.s32 v5, $0x1F;
	v13 =	vshra.s32 v8, $0x1F  }
0x6f: {  	v14 =	vshra.s32 v9, $0x1F;
	v7 =	vor.u32 $0x80000000, v7;
	v11 =	vor.u32 $0x80000000, v11  }
0x70: {  	v10 =	vor.u32 $0x80000000, v10;
	v13 =	vor.u32 $0x80000000, v13;
	v4 =	vxor.u32 v4, v7;
	v7 =	vld [tilespmem:s0+$0x4060]  }
0x71: {  	v5 =	vxor.u32 v5, v11;
	v6 =	vxor.u32 v6, v10;
	v10 =	vor.u32 $0x80000000, v14  }
0x72: {  	s29 =	simm.s32 $0x80;
	s23 =	simm.s32 $0x400;
	v11 =	vshra.s32 v12, $0x1F;
	v8 =	vxor.u32 v8, v13;
	v4 =	vshrl.u32 v4, $0x11  }
0x73: {  	s30 =	simm.s32 $0x20;
	s9 =	sand.u32 $0xC00, s23;
	s2 =	sand.u32 $0x3000, s29;
	v5 =	vshrl.u32 v5, $0x11;
	v9 =	vxor.u32 v9, v10;
	v6 =	vshrl.u32 v6, $0x11  }
0x74: {  	s31 =	sand.u32 $0x380, s30;
	s2 =	sor.u32 s9, s2;
	v14 =	vld [tilespmem:s0+$0x4010];
	v8 =	vshrl.u32 v8, $0x11;
	v4 =	vand.u32 $0x7FF0, v4;
	v5 =	vand.u32 $0x7FF0, v5  }
0x75: {  	s24 =	sor.u32 s31, s2;
	v9 =	vshrl.u32 v9, $0x11;
	v8 =	vand.u32 $0x7FF0, v8;
	v10 =	vshra.s32 v7, $0x1F  }
0x76: {  	v16 =	vld [tilespmem:s24+$0x4000];
	v4 =	vor.u32 v1, v4;
	v18 =	vor.u32 v1, v5;
	v5 =	vor.u32 $0x80000000, v10  }
0x77: {  	v13 =	vld [tilespmem:s24+$0x4030];
	v9 =	vand.u32 $0x7FF0, v9;
	v15 =	vor.u32 v1, v8;
	v5 =	vxor.u32 v7, v5  }
0x78: {  	v19 =	vor.u32 v1, v9;
	v10 =	vld [tilespmem:s24+$0x4040];
	v7 =	vand.u32 $0x7FF0, v6;
	v5 =	vshrl.u32 v5, $0x11  }
0x79: {  	v9 =	vshra.s32 v14, $0x1F;
	v6 =	vld [tilespmem:s24+$0x4050];
	v17 =	vor.u32 v1, v7;
	v5 =	vand.u32 $0x7FF0, v5  }
0x7a: {  	v7 =	vld [tilespmem:s24+$0x4060];
	v20 =	vor.u32 v1, v5;
	v5 =	vor.u32 $0x80000000, v9;
	v9 =	vor.u32 $0x80000000, v11  }
0x7b: {  	v11 =	vld [tilespmem:s24+$0x4020];
	v14 =	vxor.u32 v14, v5;
	v9 =	vxor.u32 v12, v9;
	v12 =	vshra.s32 v16, $0x1F  }
0x7c: {  	[tilespmem:v18+s12+$0x0] =	vst.idx.add.s32.msk $0xffff, v2;
	v9 =	vshrl.u32 v9, $0x11;
	v12 =	vor.u32 $0x80000000, v12;
	v14 =	vshrl.u32 v14, $0x11  }
0x7d: {  	[tilespmem:v19+s12+$0x0] =	vst.idx.add.s32.msk $0xffff, v2;
	v8 =	vxor.u32 v16, v12;
	v12 =	vand.u32 $0x7FF0, v14;
	v9 =	vand.u32 $0x7FF0, v9  }
0x7e: {  	[tilespmem:v17+s12+$0x0] =	vst.idx.add.s32.msk $0xffff, v2;
	v17 =	vshra.s32 v10, $0x1F;
	v14 =	vshrl.u32 v8, $0x11;
	v8 =	vor.u32 v1, v12  }
0x7f: {  	v5 =	vld [tilespmem:s24+$0x4070];
	v9 =	vor.u32 v1, v9;
	v17 =	vor.u32 $0x80000000, v17;
	v12 =	vand.u32 $0x7FF0, v14  }
0x80: {  	s22 =	sadd.s32 $0x1, s22;
	s0 =	simm.s32 $0x8;
	[tilespmem:v20+s12+$0x0] =	vst.idx.add.s32.msk $0xffff, v2;
	v16 =	vshra.s32 v11, $0x1F;
	v14 =	vor.u32 v1, v12;
	v12 =	vshra.s32 v6, $0x1F  }
.LBB2_8:
0x81: {  	s0 =	sadd.s32 $0x8, s0;
	v16 =	vor.u32 $0x80000000, v16;
	v18 =	vshra.s32 v13, $0x1F;
	v10 =	vxor.u32 v10, v17;
	[tilespmem:v15+s12+$0x0] =	vst.idx.add.s32.msk $0xffff, v2  }
0x82: {  	s23 =	sadd.s32 $0x400, s23;
	s2 =	sshll.u32 s0, $0x4;
	s8 =	sshll.u32 s0, $0x2;
	v11 =	vxor.u32 v11, v16;
	v15 =	vor.u32 $0x80000000, v18;
	v10 =	vshrl.u32 v10, $0x11;
	[tilespmem:v4+s12+$0x0] =	vst.idx.add.s32.msk $0xffff, v2;
	v4 =	vmovc v14  }
0x83: {  	s9 =	sand.u32 $0xC00, s23;
	p0 =	slt.u32 s0, $0x3F8;
	s2 =	sand.u32 $0x3000, s2;
	v14 =	vld [tilespmem:s24+$0x4010];
	v13 =	vxor.u32 v13, v15;
	v10 =	vand.u32 $0x7FF0, v10;
	v15 =	vshra.s32 v7, $0x1F  }
0x84: {  	s8 =	sand.u32 $0x380, s8;
	s2 =	sor.u32 s9, s2;
	v13 =	vshrl.u32 v13, $0x11;
	v18 =	vor.u32 v1, v10;
	v10 =	vor.u32 $0x80000000, v15;
	[tilespmem:v9+s12+$0x0] =	vst.idx.add.s32.msk $0xffff, v2  }
0x85: {  	v9 =	vshrl.u32 v11, $0x11;
	v11 =	vshra.s32 v5, $0x1F;
	s24 =	sor.u32 s8, s2;
	v7 =	vxor.u32 v7, v10;
	[tilespmem:v8+s12+$0x0] =	vst.idx.add.s32.msk $0xffff, v2  }
0x86: {  	v9 =	vand.u32 $0x7FF0, v9;
	v10 =	vand.u32 $0x7FF0, v13;
	v8 =	vld [tilespmem:s24+$0x4000];
	v7 =	vshrl.u32 v7, $0x11  }
0x87: {  	v9 =	vor.u32 v1, v9;
	v17 =	vor.u32 v1, v10;
	v16 =	vld [tilespmem:s24+$0x4050];
	v10 =	vand.u32 $0x7FF0, v7  }
0x88: {  	v12 =	vor.u32 $0x80000000, v12;
	v7 =	vld [tilespmem:s24+$0x4060];
	v13 =	vshra.s32 v14, $0x1F;
	v19 =	vor.u32 v1, v10  }
0x89: {  	v6 =	vxor.u32 v6, v12;
	v12 =	vor.u32 $0x80000000, v11;
	v10 =	vld [tilespmem:s24+$0x4040];
	v13 =	vor.u32 $0x80000000, v13  }
0x8a: {  	v22 =	vshrl.u32 v6, $0x11;
	v12 =	vxor.u32 v5, v12;
	v11 =	vld [tilespmem:s24+$0x4020];
	v14 =	vxor.u32 v14, v13  }
0x8b: {  	v21 =	vand.u32 $0x7FF0, v22;
	v12 =	vshrl.u32 v12, $0x11;
	v13 =	vshra.s32 v8, $0x1F;
	v5 =	vld [tilespmem:s24+$0x4070]  }
.Ltmp2:
0x8c: {  	v15 =	vor.u32 v1, v21;
	v14 =	vshrl.u32 v14, $0x11;
	v20 =	vor.u32 $0x80000000, v13;
	v13 =	vld [tilespmem:s24+$0x4030];
	v6 =	vmovc v16;
	(pc) =	sbr.rel @p0 .LBB2_8-.Ltmp2, $4  }
0x8d: {  	v14 =	vand.u32 $0x7FF0, v14;
	v8 =	vxor.u32 v8, v20;
	[tilespmem:v9+s12+$0x0] =	vst.idx.add.s32.msk $0xffff, v2;
	v9 =	vand.u32 $0x7FF0, v12  }
0x8e: {  	v12 =	vshrl.u32 v8, $0x11;
	v8 =	vor.u32 v1, v14;
	[tilespmem:v19+s12+$0x0] =	vst.idx.add.s32.msk $0xffff, v2;
	v9 =	vor.u32 v1, v9  }
0x8f: {  	v19 =	vshra.s32 v10, $0x1F;
	v12 =	vand.u32 $0x7FF0, v12;
	v16 =	vshra.s32 v11, $0x1F;
	[tilespmem:v17+s12+$0x0] =	vst.idx.add.s32.msk $0xffff, v2  }
0x90: {  	v17 =	vor.u32 $0x80000000, v19;
	v14 =	vor.u32 v1, v12;
	v12 =	vshra.s32 v6, $0x1F;
	[tilespmem:v18+s12+$0x0] =	vst.idx.add.s32.msk $0xffff, v2  }
0x91: {  	v16 =	vor.u32 $0x80000000, v16;
	v18 =	vshra.s32 v13, $0x1F  }
0x92: {  	v10 =	vxor.u32 v10, v17;
	v59 =	vshra.s32 v7, $0x1F;
	v62 =	vshra.s32 v5, $0x1F  }
0x93: {  	v12 =	vor.u32 $0x80000000, v12;
	v11 =	vxor.u32 v11, v16;
	v57 =	vor.u32 $0x80000000, v18  }
0x94: {  	v60 =	vld [tilespmem:s24+$0x4010];
	v10 =	vshrl.u32 v10, $0x11;
	v16 =	vor.u32 $0x80000000, v59;
	v6 =	vxor.u32 v6, v12  }
0x95: {  	v63 =	vor.u32 $0x80000000, v62;
	v58 =	vxor.u32 v13, v57;
	v10 =	vand.u32 $0x7FF0, v10  }
0x96: {  	v11 =	vshrl.u32 v11, $0x11;
	v61 =	vxor.u32 v7, v16;
	v6 =	vshrl.u32 v6, $0x11  }
0x97: {  	v5 =	vxor.u32 v5, v63;
	v13 =	vshrl.u32 v58, $0x11;
	v10 =	vor.u32 v1, v10  }
0x98: {  	[tilespmem:v15+s12+$0x0] =	vst.idx.add.s32.msk $0xffff, v2;
	v11 =	vand.u32 $0x7FF0, v11;
	v7 =	vshrl.u32 v61, $0x11;
	v6 =	vand.u32 $0x7FF0, v6  }
0x99: {  	[tilespmem:v4+s12+$0x0] =	vst.idx.add.s32.msk $0xffff, v2;
	v5 =	vshrl.u32 v5, $0x11;
	v11 =	vor.u32 v1, v11;
	v4 =	vshra.s32 v60, $0x1F  }
0x9a: {  	[tilespmem:v9+s12+$0x0] =	vst.idx.add.s32.msk $0xffff, v2;
	v7 =	vand.u32 $0x7FF0, v7;
	v6 =	vor.u32 v1, v6;
	v4 =	vor.u32 $0x80000000, v4  }
0x9b: {  	[tilespmem:v8+s12+$0x0] =	vst.idx.add.s32.msk $0xffff, v2;
	v13 =	vand.u32 $0x7FF0, v13;
	v7 =	vor.u32 v1, v7;
	v4 =	vxor.u32 v60, v4  }
0x9c: {  	[tilespmem:v14+s12+$0x0] =	vst.idx.add.s32.msk $0xffff, v2;
	v5 =	vand.u32 $0x7FF0, v5;
	v13 =	vor.u32 v1, v13;
	v4 =	vshrl.u32 v4, $0x11  }
0x9d: {  	v5 =	vor.u32 v1, v5;
	[tilespmem:v10+s12+$0x0] =	vst.idx.add.s32.msk $0xffff, v2;
	v4 =	vand.u32 $0x7FF0, v4  }
0x9e: {  	[tilespmem:v11+s12+$0x0] =	vst.idx.add.s32.msk $0xffff, v2;
	v4 =	vor.u32 v1, v4  }
0x9f: {  	[tilespmem:v6+s12+$0x0] =	vst.idx.add.s32.msk $0xffff, v2  }
0xa0: {  	[tilespmem:v7+s12+$0x0] =	vst.idx.add.s32.msk $0xffff, v2  }
0xa1: {  	[tilespmem:v13+s12+$0x0] =	vst.idx.add.s32.msk $0xffff, v2  }
0xa2: {  	[tilespmem:v5+s12+$0x0] =	vst.idx.add.s32.msk $0xffff, v2  }
0xa3: {  	[tilespmem:v4+s12+$0x0] =	vst.idx.add.s32.msk $0xffff, v2  }
0xa4: {  	p0 =	seq.s32 s22, $0x8  }
.Ltmp3:
0xa5: {  	_ = 	snop;
	(pc) =	sbr.rel @!p0 .LBB2_5-.Ltmp3, $1  }
0xa6: {  	_ =	sdelay $0x3  }
0xa7: {  	s21 =	simm.s32 $0x0;
	s0 =	simm.s32 $0x7FD0  }
0xa8: {  	[tilespmem:s21], [sflag:$0x1] =	stream.linear.gather [hbm4b:s6+s21], $0x4000, $0x38;
	[tilespmem:$0x18080] =	vst v63  }
0xa9: {  	s0 =	sand.u32 $0x7FD0, s0  }
0xaa: {  	s2 =	simm.s32 $0x7FF0;
	v4 =	vld [tilespmem:s0+$0x10000]  }
0xab: {  	s8 =	simm.s32 $0x7FE0;
	s22 =	sand.u32 $0x7FF0, s2  }
0xac: {  	s23 =	sand.u32 $0x7FE0, s8;
	v5 =	vld [tilespmem:s22+$0x10000]  }
0xad: {  	s24 =	simm.s32 $0x7FC0;
	v6 =	vld [tilespmem:s23+$0x10000]  }
0xae: {  	s0 =	sand.u32 $0x7FC0, s24  }
0xaf: {  	(xrf0) =	vadd.scan.msk.s32 $0xffff, v4;
	v4 =	vld [tilespmem:s0+$0x10000];
	_ =	sdelay $0x1  }
0xb0: {  	(xrf0) =	vadd.scan.msk.s32 $0xffff, v5  }
0xb1: {  	(xrf0) =	vadd.scan.msk.s32 $0xffff, v6;
	_ =	sdelay $0x1  }
0xb2: {  	(xrf0) =	vadd.scan.msk.s32 $0xffff, v4;
	_ =	sdelay $0x1  }
0xb3: {  	v4, _, _ =	vpop (xrf0)  }
0xb4: {  	v5, _, _ =	vpop (xrf0);
	(v2sf) =	vpush v4, $0xF  }
0xb5: {  	(v2sf) =	vpush v5, $0xF;
	v4, _, _ =	vpop (xrf0)  }
0xb6: {  	s25 =	simm.s32 $0x7F90;
	(v2sf) =	vpush v4, $0xF  }
0xb7: {  	s26 =	simm.s32 $0x7FB0;
	s0 =	sand.u32 $0x7FD0, s25;
	v4, _, _ =	vpop (xrf0)  }
0xb8: {  	s31 =	simm.s32 $0x7FA0;
	s9 =	sand.u32 $0x7FF0, s26;
	(v2sf) =	vpush v4, $0xF;
	v4 =	vld [tilespmem:s0+$0x10000]  }
0xb9: {  	s8 =	sand.u32 $0x7FE0, s31;
	v5 =	vld [tilespmem:s9+$0x10000]  }
0xba: {  	v6 =	vld [tilespmem:s8+$0x10000]  }
0xbb: {  	s17 =	simm.s32 $0x7F80  }
0xbc: {  	s18 =	sand.u32 $0x7FC0, s17  }
0xbd: {  	v7 =	vld [tilespmem:s18+$0x10000];
	(xrf0) =	vadd.scan.msk.s32 $0xffff, v4  }
0xbe: {  	(xrf0) =	vadd.scan.msk.s32 $0xffff, v5  }
0xbf: {  	(xrf0) =	vadd.scan.msk.s32 $0xffff, v6  }
0xc0: {  	s28 =	simm.s32 $0x8;
	s30 =	simm.s32 $0x7FF  }
0xc1: {  	s29 =	simm.s32 $0x7F40;
	s19 =	simm.s32 $0x7F50;
	p0 =	por $0x1, $0x1  }
0xc2: {  	s26 =	simm.s32 $0x7FE;
	s17 =	sand.u32 $0x7FD0, s19;
	s24 =	simm.s32 $0x7FC;
	(xrf0) =	vadd.scan.msk.s32 $0xffff, v7  }
0xc3: {  	s23 =	simm.s32 $0x7F8;
	s22 =	simm.s32 $0x7F70;
	s2 =	spop (v2sf);
	v4, _, _ =	vpop (xrf0)  }
0xc4: {  	s31 =	sand.u32 $0x7FF0, s22;
	s25 =	simm.s32 $0x7FD;
	s20 =	spop (v2sf);
	v5, _, _ =	vpop (xrf0);
	(v2sf) =	vpush v4, $0xF  }
0xc5: {  	s9 =	simm.s32 $0x7F60;
	v6 =	vld [tilespmem:s17+$0x10000];
	s18 =	spop (v2sf);
	s0 =	sadd.s32 $0x0, s20;
	(v2sf) =	vpush v5, $0xF;
	v4, _, _ =	vpop (xrf0)  }
0xc6: {  	s9 =	sand.u32 $0x7FE0, s9;
	p1 =	sgt.s32 s0, $0x2FFFF;
	s18 =	sadd.s32 s18, s0;
	(v2sf) =	vpush v4, $0xF  }
0xc7: {  	p2 =	slt.s32 s0, $0x30000;
	p0 =	por !p0, !p1;
	s8 =	sadd.s32 s2, s18  }
0xc8: {  	p6 =	slt.s32 s18, $0x30000;
	v7, _, _ =	vpop (xrf0);
	s22 =	spop (v2sf);
	p1 =	por !p0, !p0  }
0xc9: {  	v5 =	vld [tilespmem:s31+$0x10000];
	p3 =	sgt.s32 s8, $0x2FFFF;
	(v2sf) =	vpush v7, $0xF;
	s2 =	sadd.s32 s22, s8;
	s22 =	simm.s32 $0x0  }
0xca: {  	(xrf0) =	vadd.scan.msk.s32 $0xffff, v6;
	v4 =	vld [tilespmem:s9+$0x10000];
	p3 =	por !p6, !p3;
	s22 =	smov.u32 @p1 s22;
	p4 =	sgt.s32 s2, $0x2FFFF  }
.LBB2_11:
0xcb: {  	s17 =	sand.u32 $0x7FC0, s29;
	p0 =	sgt.s32 s18, $0x2FFFF;
	p5 =	slt.s32 s8, $0x30000  }
0xcc: {  	s31 =	smov.u32 s24;
	s24 =	smov.u32 s23;
	s9 =	smov.u32 s2  }
0xcd: {  	s21 =	smov.u32 @p1 s30;
	v6 =	vld [tilespmem:s17+$0x10000];
	p0 =	por !p2, !p0;
	p1 =	por !p5, !p4  }
0xce: {  	s28 =	sadd.s32 $0x4, s28;
	p2 =	por !p3, !p3;
	(xrf0) =	vadd.scan.msk.s32 $0xffff, v5;
	p0 =	por !p0, !p0  }
0xcf: {  	p1 =	por !p1, !p1;
	(xrf0) =	vadd.scan.msk.s32 $0xffff, v4;
	s21 =	smov.u32 @p0 s26;
	s22 =	smov.u32 @p0 s0  }
0xd0: {  	p0 =	slt.u32 s28, $0x7FC;
	s21 =	smov.u32 @p2 s25;
	s22 =	smov.u32 @p2 s18  }
0xd1: {  	s30 =	sadd.s32 $0x3, s23;
	v4, _, _ =	vpop (xrf0);
	s21 =	smov.u32 @p1 s31;
	s22 =	smov.u32 @p1 s8  }
0xd2: {  	s29 =	sadd.s32 $0xFFFFFFC0, s29;
	s26 =	sadd.s32 $0x2, s23;
	(xrf0) =	vadd.scan.msk.s32 $0xffff, v6  }
0xd3: {  	s0 =	sadd.s32 $0x10, s29;
	s25 =	sadd.s32 $0x1, s23;
	s8 =	spop (v2sf)  }
0xd4: {  	s23 =	sadd.s32 $0xFFFFFFFC, s23;
	s18 =	sadd.s32 $0x20, s29;
	v5, _, _ =	vpop (xrf0);
	(v2sf) =	vpush v4, $0xF;
	s17 =	spop (v2sf)  }
0xd5: {  	s0 =	sand.u32 $0x7FD0, s0;
	s18 =	sand.u32 $0x7FE0, s18;
	(v2sf) =	vpush v5, $0xF;
	v4, _, _ =	vpop (xrf0);
	s31 =	spop (v2sf)  }
0xd6: {  	p1 =	slt.s32 s2, $0x30000;
	v6 =	vld [tilespmem:s0+$0x10000];
	(v2sf) =	vpush v4, $0xF;
	s0 =	sadd.s32 s2, s17;
	s2 =	sadd.s32 $0x30, s29  }
.Ltmp4:
0xd7: {  	v4 =	vld [tilespmem:s18+$0x10000];
	p2 =	sgt.s32 s0, $0x2FFFF;
	s18 =	sadd.s32 s31, s0;
	(pc) =	sbr.rel @p0 .LBB2_11-.Ltmp4, $4  }
0xd8: {  	s2 =	sand.u32 $0x7FF0, s2;
	v7, _, _ =	vpop (xrf0);
	p1 =	por !p1, !p2;
	s17 =	spop (v2sf)  }
0xd9: {  	s8 =	sadd.s32 s8, s18;
	p3 =	slt.s32 s18, $0x30000;
	v5 =	vld [tilespmem:s2+$0x10000];
	(v2sf) =	vpush v7, $0xF;
	p1 =	por !p1, !p1  }
0xda: {  	p2 =	slt.s32 s0, $0x30000;
	p4 =	sgt.s32 s8, $0x2FFFF;
	s2 =	sadd.s32 s17, s8  }
0xdb: {  	s22 =	smov.u32 @p1 s9;
	p3 =	por !p3, !p4;
	p4 =	sgt.s32 s2, $0x2FFFF;
	(xrf0) =	vadd.scan.msk.s32 $0xffff, v6  }
0xdc: {  	s9 =	sand.u32 $0x7FC0, s29  }
0xdd: {  	v6 =	vld [tilespmem:s9+$0x10000]  }
0xde: {  	(xrf0) =	vadd.scan.msk.s32 $0xffff, v5  }
0xdf: {  	(xrf0) =	vadd.scan.msk.s32 $0xffff, v4;
	_ =	sdelay $0x2  }
0xe0: {  	p0 =	sgt.s32 s18, $0x2FFFF;
	(xrf0) =	vadd.scan.msk.s32 $0xffff, v6  }
0xe1: {  	p5 =	slt.s32 s8, $0x30000;
	p0 =	por !p2, !p0;
	v4, _, _ =	vpop (xrf0)  }
0xe2: {  	s21 =	smov.u32 @p1 s30;
	p0 =	por !p0, !p0;
	s20 =	spop (v2sf);
	(v2sf) =	vpush v4, $0xF;
	v5, _, _ =	vpop (xrf0)  }
0xe3: {  	p2 =	por !p3, !p3;
	s21 =	smov.u32 @p0 s26;
	s17 =	spop (v2sf);
	(v2sf) =	vpush v5, $0xF;
	v4, _, _ =	vpop (xrf0)  }
0xe4: {  	p6 =	por !p5, !p4;
	s21 =	smov.u32 @p2 s25;
	s25 =	spop (v2sf);
	(v2sf) =	vpush v4, $0xF  }
0xe5: {  	p3 =	slt.s32 s2, $0x30000;
	s22 =	smov.u32 @p0 s0;
	p0 =	por !p6, !p6  }
0xe6: {  	s22 =	smov.u32 @p2 s18;
	s18 =	sadd.s32 $0x3, s23;
	s21 =	smov.u32 @p0 s24;
	v4, _, _ =	vpop (xrf0)  }
0xe7: {  	s22 =	smov.u32 @p0 s8;
	s8 =	sadd.s32 s2, s17;
	s26 =	spop (v2sf);
	(v2sf) =	vpush v4, $0xF  }
0xe8: {  	s24 =	sadd.s32 $0x1, s23;
	s17 =	sadd.s32 $0x2, s23;
	p4 =	sgt.s32 s8, $0x2FFFF  }
0xe9: {  	s0 =	sadd.s32 s25, s8;
	p2 =	slt.s32 s8, $0x30000;
	p0 =	por !p3, !p4  }
0xea: {  	s9 =	sadd.s32 s20, s0;
	p5 =	slt.s32 s0, $0x30000;
	p4 =	sgt.s32 s0, $0x2FFFF  }
0xeb: {  	p0 =	por !p0, !p0;
	p6 =	sgt.s32 s9, $0x2FFFF;
	p2 =	por !p2, !p4  }
0xec: {  	s25 =	sadd.s32 s26, s9;
	s22 =	smov.u32 @p0 s2;
	p1 =	por !p5, !p6  }
0xed: {  	p6 =	slt.s32 s9, $0x30000;
	s21 =	smov.u32 @p0 s18;
	p2 =	por !p2, !p2  }
0xee: {  	s2 =	sadd.s32 $0xFFFFFFFC, s23;
	p5 =	sgt.s32 s25, $0x2FFFF;
	p1 =	por !p1, !p1  }
0xef: {  	s21 =	smov.u32 @p2 s17;
	s22 =	smov.u32 @p2 s8;
	s8 =	sadd.s32 $0x3, s2  }
0xf0: {  	s17 =	sadd.s32 $0x2, s2;
	s18 =	sadd.s32 $0x1, s2;
	p3 =	slt.s32 s25, $0x30000  }
0xf1: {  	p6 =	por !p6, !p5;
	s21 =	smov.u32 @p1 s24;
	s28 =	spop (v2sf)  }
0xf2: {  	s22 =	smov.u32 @p1 s0;
	p0 =	por !p6, !p6;
	s29 =	spop (v2sf)  }
0xf3: {  	s22 =	smov.u32 @p0 s9;
	s9 =	sadd.s32 s25, s29;
	s30 =	spop (v2sf)  }
0xf4: {  	s21 =	smov.u32 @p0 s23;
	p4 =	sgt.s32 s9, $0x2FFFF;
	s23 =	sadd.s32 s30, s9  }
0xf5: {  	p2 =	slt.s32 s9, $0x30000;
	p0 =	por !p3, !p4;
	s26 =	sadd.s32 s28, s23  }
0xf6: {  	p5 =	slt.s32 s23, $0x30000;
	p4 =	sgt.s32 s23, $0x2FFFF;
	s31 =	spop (v2sf)  }
0xf7: {  	p0 =	por !p0, !p0;
	p6 =	sgt.s32 s26, $0x2FFFF;
	p2 =	por !p2, !p4  }
0xf8: {  	s0 =	sadd.s32 s31, s26;
	s22 =	smov.u32 @p0 s25;
	p1 =	por !p5, !p6  }
0xf9: {  	p6 =	slt.s32 s26, $0x30000;
	s21 =	smov.u32 @p0 s8;
	p2 =	por !p2, !p2  }
0xfa: {  	p5 =	sgt.s32 s0, $0x2FFFF;
	p1 =	por !p1, !p1;
	s21 =	smov.u32 @p2 s17  }
0xfb: {  	s22 =	smov.u32 @p2 s9;
	s0 =	simm.s32 $0x10040;
	p6 =	por !p6, !p5  }
0xfc: {  	s21 =	smov.u32 @p1 s18;
	s22 =	smov.u32 @p1 s23;
	[tilespmem:s0+$0xFFFFFFC0] =	vst v0;
	p0 =	por !p6, !p6  }
0xfd: {  	[tilespmem:s0+$0x30] =	vst v0;
	s21 =	smov.u32 @p0 s2;
	s22 =	smov.u32 @p0 s26;
	p0 =	por $0x1, $0x1  }
.Ltmp5:
0xfe: {  	[tilespmem:s0+$0x20] =	vst v0;
	(pc) =	sbr.rel @!p0 .LBB2_14-.Ltmp5, $4  }
0xff: {  	[tilespmem:s0+$0x10] =	vst v0  }
0x100: {  	[tilespmem:s0+$0x0] =	vst v0  }
0x101: {  	[tilespmem:s0+$0xFFFFFFF0] =	vst v0  }
0x102: {  	[tilespmem:s0+$0xFFFFFFE0] =	vst v0;
	s2 =	simm.s32 $0x0  }
.LBB2_13:
0x103: {  	s2 =	sadd.s32 $0x8, s2;
	[tilespmem:s0+$0xFFFFFFD0] =	vst v0;
	s0 =	sadd.s32 $0x80, s0  }
0x104: {  	[tilespmem:s0+$0xFFFFFFC0] =	vst v0;
	p0 =	slt.u32 s2, $0x7F8  }
0x105: {  	[tilespmem:s0+$0x30] =	vst v0  }
.Ltmp6:
0x106: {  	[tilespmem:s0+$0x20] =	vst v0;
	(pc) =	sbr.rel @p0 .LBB2_13-.Ltmp6, $4  }
0x107: {  	[tilespmem:s0+$0x10] =	vst v0  }
0x108: {  	[tilespmem:s0+$0x0] =	vst v0  }
0x109: {  	[tilespmem:s0+$0xFFFFFFF0] =	vst v0  }
0x10a: {  	[tilespmem:s0+$0xFFFFFFE0] =	vst v0  }
.LBB2_14:
0x10b: {  	[tilespmem:s0+$0xFFFFFFD0] =	vst v0;
	v4 =	vmov s21;
	s23 =	simm.s32 $0x0;
	s24 =	simm.s32 $0x0  }
.LBB2_16:
0x10c: {  	s25 =	sshll.u32 s24, $0xF  }
0x10d: {  	s0 =	sor.u32 s25, s5  }
0x10e: {  	s0 =	sshrl.u32 s0, $0x3  }
0x10f: {  	s0 =	sadd.s32 s0, s1  }
0x110: {  	s31 =	simm.s32 $0x0;
	s2 =	sand.u32 $0xC00, s23;
	s0 =	sadd.s32 $0x800, s0  }
0x111: {  	[tilespmem:s10], [sflag:$0x2] =	stream.linear.gather [hbm4b:s0+s23], $0x4000, $0x38;
	[tilespmem:$0x18080] =	vst v63  }
0x112: {  	s8 =	simm.s32 $0x0;
	s0 =	sand.u32 $0x3000, s31;
	_ =	swait.ge [sflag:s11], $0x4000  }
0x113: {  	s8 =	sand.u32 $0x380, s8;
	s0 =	sor.u32 s2, s0;
	[sflag:s11] =	ssyncset.done $0x0  }
0x114: {  	s0 =	sor.u32 s8, s0;
	[sflag:s11] =	ssyncadd.s32 $0xFFFFC000  }
0x115: {  	v5 =	vld [tilespmem:s0+$0x70]  }
0x116: {  	v6 =	vld [tilespmem:s0+$0x0]  }
0x117: {  	v7 =	vld [tilespmem:s0+$0x10]  }
0x118: {  	v12 =	vld [tilespmem:s0+$0x30];
	_ =	sdelay $0x1  }
0x119: {  	v8 =	vld [tilespmem:s0+$0x20]  }
0x11a: {  	v13 =	vld [tilespmem:s0+$0x40];
	v9 =	vshra.s32 v5, $0x1F  }
0x11b: {  	v15 =	vld [tilespmem:s0+$0x50];
	v10 =	vshra.s32 v6, $0x1F;
	v9 =	vor.u32 $0x80000000, v9  }
0x11c: {  	v11 =	vshra.s32 v7, $0x1F;
	v17 =	vshra.s32 v12, $0x1F;
	v5 =	vxor.u32 v5, v9  }
0x11d: {  	v16 =	vld [tilespmem:s0+$0x60];
	v10 =	vor.u32 $0x80000000, v10;
	v14 =	vshrl.u32 v5, $0x6;
	v5 =	vshrl.u32 v5, $0x15  }
0x11e: {  	v17 =	vor.u32 $0x80000000, v17;
	v9 =	vshra.s32 v8, $0x1F;
	vm0 =	veq.s32 v5, v4  }
0x11f: {  	v5 =	vand.u32 $0x7FF0, v14;
	v14 =	vor.u32 $0x80000000, v11;
	v11 =	vshra.s32 v13, $0x1F  }
0x120: {  	v18 =	vor.u32 v1, v5;
	v5 =	vor.u32 $0x80000000, v9;
	v9 =	vshra.s32 v15, $0x1F  }
0x121: {  	v19 =	vor.u32 $0x80000000, v11;
	v11 =	vxor.u32 v6, v10;
	v10 =	vxor.u32 v7, v14  }
0x122: {  	v20 =	vor.u32 $0x80000000, v9;
	v9 =	vshra.s32 v16, $0x1F;
	v7 =	vxor.u32 v13, v19  }
0x123: {  	v14 =	vshrl.u32 v11, $0x6;
	v21 =	vor.u32 $0x80000000, v9;
	v9 =	vxor.u32 v8, v5  }
0x124: {  	v8 =	vxor.u32 v12, v17;
	v6 =	vxor.u32 v15, v20;
	v15 =	vshrl.u32 v10, $0x6  }
0x125: {  	s26 =	simm.s32 $0x0;
	s0 =	simm.s32 $0x0;
	v5 =	vxor.u32 v16, v21;
	v13 =	vshrl.u32 v9, $0x6;
	v12 =	vshrl.u32 v8, $0x6;
	[tilespmem:v18+s12+$0x0] =	vst.idx.add.s32.msk vm0, v2  }
.LBB2_17:
0x126: {  	s26 =	sadd.s32 $0x8, s26;
	v16 =	vshrl.u32 v7, $0x6;
	v17 =	vshrl.u32 v6, $0x6;
	v18 =	vshrl.u32 v5, $0x6  }
0x127: {  	v11 =	vshrl.u32 v11, $0x15;
	v14 =	vand.u32 $0x7FF0, v14;
	v10 =	vshrl.u32 v10, $0x15;
	s0 =	sadd.s32 $0x400, s0;
	s2 =	sshll.u32 s26, $0x4;
	p0 =	slt.u32 s26, $0x3F8  }
0x128: {  	v15 =	vand.u32 $0x7FF0, v15;
	v9 =	vshrl.u32 v9, $0x15;
	v13 =	vand.u32 $0x7FF0, v13;
	s8 =	sand.u32 $0xC00, s0;
	s9 =	sshll.u32 s26, $0x2;
	s2 =	sand.u32 $0x3000, s2  }
0x129: {  	v8 =	vshrl.u32 v8, $0x15;
	v12 =	vand.u32 $0x7FF0, v12;
	v7 =	vshrl.u32 v7, $0x15;
	s9 =	sand.u32 $0x380, s9;
	s2 =	sor.u32 s8, s2  }
0x12a: {  	v6 =	vshrl.u32 v6, $0x15;
	v16 =	vand.u32 $0x7FF0, v16;
	v17 =	vand.u32 $0x7FF0, v17;
	s2 =	sor.u32 s9, s2  }
0x12b: {  	v5 =	vshrl.u32 v5, $0x15;
	vm4 =	veq.s32 v11, v4;
	v11 =	vand.u32 $0x7FF0, v18;
	v19 =	vld [tilespmem:s2+$0x70]  }
0x12c: {  	v14 =	vor.u32 v1, v14;
	vm6 =	veq.s32 v10, v4;
	v10 =	vor.u32 v1, v15;
	v18 =	vld [tilespmem:s2+$0x0]  }
0x12d: {  	vm5 =	veq.s32 v9, v4;
	v9 =	vor.u32 v1, v13;
	vm3 =	veq.s32 v8, v4;
	v15 =	vld [tilespmem:s2+$0x10]  }
0x12e: {  	v12 =	vor.u32 v1, v12;
	vm2 =	veq.s32 v7, v4;
	v7 =	vor.u32 v1, v16;
	v8 =	vld [tilespmem:s2+$0x20]  }
0x12f: {  	vm1 =	veq.s32 v6, v4;
	vm0 =	veq.s32 v5, v4;
	v6 =	vor.u32 v1, v17;
	v13 =	vld [tilespmem:s2+$0x30]  }
0x130: {  	v17 =	vor.u32 v1, v11;
	v5 =	vld [tilespmem:s2+$0x40];
	v16 =	vshra.s32 v19, $0x1F  }
0x131: {  	v11 =	vshra.s32 v18, $0x1F;
	v20 =	vld [tilespmem:s2+$0x50];
	v16 =	vor.u32 $0x80000000, v16  }
0x132: {  	v11 =	vor.u32 $0x80000000, v11;
	v21 =	vshra.s32 v15, $0x1F;
	v22 =	vld [tilespmem:s2+$0x60];
	v16 =	vxor.u32 v19, v16  }
0x133: {  	v19 =	vshra.s32 v8, $0x1F;
	v23 =	vshrl.u32 v16, $0x6;
	v16 =	vshrl.u32 v16, $0x15;
	[tilespmem:v14+s12+$0x0] =	vst.idx.add.s32.msk vm4, v2  }
0x134: {  	v14 =	vshra.s32 v13, $0x1F;
	vm4 =	veq.s32 v16, v4;
	v16 =	vand.u32 $0x7FF0, v23;
	[tilespmem:v10+s12+$0x0] =	vst.idx.add.s32.msk vm6, v2  }
0x135: {  	v10 =	vor.u32 $0x80000000, v21;
	v21 =	vshra.s32 v5, $0x1F;
	v16 =	vor.u32 v1, v16;
	[tilespmem:v9+s12+$0x0] =	vst.idx.add.s32.msk vm5, v2  }
0x136: {  	v9 =	vor.u32 $0x80000000, v19;
	v14 =	vor.u32 $0x80000000, v14;
	v19 =	vshra.s32 v20, $0x1F;
	[tilespmem:v12+s12+$0x0] =	vst.idx.add.s32.msk vm3, v2  }
.Ltmp7:
0x137: {  	v12 =	vor.u32 $0x80000000, v21;
	v19 =	vor.u32 $0x80000000, v19;
	v21 =	vshra.s32 v22, $0x1F;
	[tilespmem:v7+s12+$0x0] =	vst.idx.add.s32.msk vm2, v2;
	(pc) =	sbr.rel @p0 .LBB2_17-.Ltmp7, $4  }
0x138: {  	v11 =	vxor.u32 v18, v11;
	v10 =	vxor.u32 v15, v10;
	v15 =	vor.u32 $0x80000000, v21;
	[tilespmem:v6+s12+$0x0] =	vst.idx.add.s32.msk vm1, v2  }
0x139: {  	v9 =	vxor.u32 v8, v9;
	v8 =	vxor.u32 v13, v14;
	v7 =	vxor.u32 v5, v12  }
0x13a: {  	v14 =	vshrl.u32 v11, $0x6;
	v6 =	vxor.u32 v20, v19;
	v5 =	vxor.u32 v22, v15;
	[tilespmem:v16+s12+$0x0] =	vst.idx.add.s32.msk vm4, v2  }
0x13b: {  	v13 =	vshrl.u32 v9, $0x6;
	v12 =	vshrl.u32 v8, $0x6;
	v15 =	vshrl.u32 v10, $0x6;
	[tilespmem:v17+s12+$0x0] =	vst.idx.add.s32.msk vm0, v2  }
0x13c: {  	v16 =	vshrl.u32 v7, $0x6;
	v17 =	vshrl.u32 v6, $0x6;
	v18 =	vshrl.u32 v5, $0x6  }
0x13d: {  	v11 =	vshrl.u32 v11, $0x15;
	v14 =	vand.u32 $0x7FF0, v14;
	v10 =	vshrl.u32 v10, $0x15  }
0x13e: {  	v15 =	vand.u32 $0x7FF0, v15;
	v9 =	vshrl.u32 v9, $0x15;
	v13 =	vand.u32 $0x7FF0, v13  }
0x13f: {  	v8 =	vshrl.u32 v8, $0x15;
	v12 =	vand.u32 $0x7FF0, v12;
	vm0 =	veq.s32 v11, v4  }
0x140: {  	v7 =	vshrl.u32 v7, $0x15;
	v11 =	vor.u32 v1, v14;
	vm1 =	veq.s32 v10, v4  }
0x141: {  	v6 =	vshrl.u32 v6, $0x15;
	v14 =	vor.u32 v1, v15;
	vm2 =	veq.s32 v9, v4  }
0x142: {  	v5 =	vshrl.u32 v5, $0x15;
	v9 =	vor.u32 v1, v13;
	vm3 =	veq.s32 v8, v4  }
0x143: {  	v10 =	vand.u32 $0x7FF0, v16;
	v12 =	vor.u32 v1, v12;
	vm4 =	veq.s32 v7, v4  }
0x144: {  	v8 =	vand.u32 $0x7FF0, v17;
	vm5 =	veq.s32 v6, v4;
	v7 =	vor.u32 v1, v10  }
0x145: {  	v6 =	vand.u32 $0x7FF0, v18;
	vm6 =	veq.s32 v5, v4;
	v8 =	vor.u32 v1, v8;
	[tilespmem:v11+s12+$0x0] =	vst.idx.add.s32.msk vm0, v2  }
0x146: {  	v5 =	vor.u32 v1, v6;
	[tilespmem:v14+s12+$0x0] =	vst.idx.add.s32.msk vm1, v2  }
0x147: {  	[tilespmem:v9+s12+$0x0] =	vst.idx.add.s32.msk vm2, v2  }
0x148: {  	p0 =	seq.s32 s24, $0x7;
	[tilespmem:v12+s12+$0x0] =	vst.idx.add.s32.msk vm3, v2  }
0x149: {  	s0 =	sadd.s32 @!p0 s25, s7;
	[tilespmem:v7+s12+$0x0] =	vst.idx.add.s32.msk vm4, v2  }
0x14a: {  	s30 =	simm.s32 $0x0;
	s8 =	simm.s32 $0x0;
	s0 =	sshrl.u32 @!p0 s0, $0x3;
	[tilespmem:v8+s12+$0x0] =	vst.idx.add.s32.msk vm5, v2  }
0x14b: {  	s2 =	simm.s32 @!p0 $0x0;
	s25 =	simm.s32 $0x0;
	s0 =	sadd.s32 @!p0 s1, s0;
	[tilespmem:v5+s12+$0x0] =	vst.idx.add.s32.msk vm6, v2  }
0x14c: {  	[tilespmem:s2], [sflag:$0x1] =	stream.linear.gather @!p0 [hbm4b:s0+s2], $0x4000, $0x38;
	[tilespmem:$0x18080] =	vst v63  }
0x14d: {  	s31 =	sand.u32 $0xC00, s25;
	s0 =	sand.u32 $0x3000, s30;
	_ =	swait.ge [sflag:s13], $0x4000  }
0x14e: {  	s8 =	sand.u32 $0x380, s8;
	s0 =	sor.u32 s31, s0;
	[sflag:s13] =	ssyncset.done $0x0  }
0x14f: {  	s0 =	sor.u32 s8, s0;
	[sflag:s13] =	ssyncadd.s32 $0xFFFFC000  }
0x150: {  	v5 =	vld [tilespmem:s0+$0x4070]  }
0x151: {  	v6 =	vld [tilespmem:s0+$0x4000]  }
0x152: {  	v7 =	vld [tilespmem:s0+$0x4010]  }
0x153: {  	v12 =	vld [tilespmem:s0+$0x4030];
	_ =	sdelay $0x1  }
0x154: {  	v8 =	vld [tilespmem:s0+$0x4020]  }
0x155: {  	v13 =	vld [tilespmem:s0+$0x4040];
	v9 =	vshra.s32 v5, $0x1F  }
0x156: {  	v14 =	vld [tilespmem:s0+$0x4050];
	v10 =	vshra.s32 v6, $0x1F;
	v9 =	vor.u32 $0x80000000, v9  }
0x157: {  	v11 =	vshra.s32 v7, $0x1F;
	v17 =	vshra.s32 v12, $0x1F;
	v5 =	vxor.u32 v5, v9  }
0x158: {  	v15 =	vld [tilespmem:s0+$0x4060];
	v10 =	vor.u32 $0x80000000, v10;
	v16 =	vshrl.u32 v5, $0x6;
	v5 =	vshrl.u32 v5, $0x15  }
0x159: {  	v17 =	vor.u32 $0x80000000, v17;
	v9 =	vshra.s32 v8, $0x1F;
	vm15 =	veq.s32 v5, v4  }
0x15a: {  	v5 =	vand.u32 $0x7FF0, v16;
	v16 =	vor.u32 $0x80000000, v11;
	v11 =	vshra.s32 v13, $0x1F  }
0x15b: {  	v63 =	vor.u32 v1, v5;
	v5 =	vor.u32 $0x80000000, v9;
	v9 =	vshra.s32 v14, $0x1F  }
0x15c: {  	v19 =	vor.u32 $0x80000000, v11;
	v11 =	vxor.u32 v6, v10;
	v10 =	vxor.u32 v7, v16  }
0x15d: {  	v20 =	vor.u32 $0x80000000, v9;
	v9 =	vshra.s32 v15, $0x1F;
	v7 =	vxor.u32 v13, v19  }
0x15e: {  	v13 =	vshrl.u32 v11, $0x6;
	v16 =	vor.u32 $0x80000000, v9;
	v9 =	vxor.u32 v8, v5  }
0x15f: {  	v8 =	vxor.u32 v12, v17;
	v6 =	vxor.u32 v14, v20;
	v5 =	vxor.u32 v15, v16  }
0x160: {  	s24 =	sadd.s32 $0x1, s24;
	s2 =	simm.s32 $0x0;
	v15 =	vshrl.u32 v10, $0x6;
	v14 =	vshrl.u32 v9, $0x6;
	v12 =	vshrl.u32 v8, $0x6;
	[tilespmem:v63+s12+$0x0] =	vst.idx.add.s32.msk vm15, v2  }
.LBB2_19:
0x161: {  	s2 =	sadd.s32 $0x8, s2;
	v16 =	vshrl.u32 v7, $0x6;
	v17 =	vshrl.u32 v6, $0x6;
	v18 =	vshrl.u32 v5, $0x6  }
0x162: {  	v11 =	vshrl.u32 v11, $0x15;
	v13 =	vand.u32 $0x7FF0, v13;
	v10 =	vshrl.u32 v10, $0x15;
	s25 =	sadd.s32 $0x400, s25;
	s0 =	sshll.u32 s2, $0x4;
	p0 =	slt.u32 s2, $0x3F8  }
0x163: {  	v15 =	vand.u32 $0x7FF0, v15;
	v9 =	vshrl.u32 v9, $0x15;
	v14 =	vand.u32 $0x7FF0, v14;
	s8 =	sand.u32 $0xC00, s25;
	s9 =	sshll.u32 s2, $0x2;
	s0 =	sand.u32 $0x3000, s0  }
0x164: {  	v8 =	vshrl.u32 v8, $0x15;
	v12 =	vand.u32 $0x7FF0, v12;
	v7 =	vshrl.u32 v7, $0x15;
	s9 =	sand.u32 $0x380, s9;
	s0 =	sor.u32 s8, s0  }
0x165: {  	v6 =	vshrl.u32 v6, $0x15;
	v16 =	vand.u32 $0x7FF0, v16;
	v17 =	vand.u32 $0x7FF0, v17;
	s0 =	sor.u32 s9, s0  }
0x166: {  	v5 =	vshrl.u32 v5, $0x15;
	vm4 =	veq.s32 v11, v4;
	v11 =	vand.u32 $0x7FF0, v18;
	v19 =	vld [tilespmem:s0+$0x4070]  }
0x167: {  	v13 =	vor.u32 v1, v13;
	vm6 =	veq.s32 v10, v4;
	v10 =	vor.u32 v1, v15;
	v18 =	vld [tilespmem:s0+$0x4000]  }
0x168: {  	vm5 =	veq.s32 v9, v4;
	v9 =	vor.u32 v1, v14;
	vm3 =	veq.s32 v8, v4;
	v15 =	vld [tilespmem:s0+$0x4010]  }
0x169: {  	v12 =	vor.u32 v1, v12;
	vm2 =	veq.s32 v7, v4;
	v7 =	vor.u32 v1, v16;
	v8 =	vld [tilespmem:s0+$0x4020]  }
0x16a: {  	vm1 =	veq.s32 v6, v4;
	vm0 =	veq.s32 v5, v4;
	v6 =	vor.u32 v1, v17;
	v14 =	vld [tilespmem:s0+$0x4030]  }
0x16b: {  	v17 =	vor.u32 v1, v11;
	v5 =	vld [tilespmem:s0+$0x4040];
	v16 =	vshra.s32 v19, $0x1F  }
0x16c: {  	v11 =	vshra.s32 v18, $0x1F;
	v20 =	vld [tilespmem:s0+$0x4050];
	v16 =	vor.u32 $0x80000000, v16  }
0x16d: {  	v11 =	vor.u32 $0x80000000, v11;
	v21 =	vshra.s32 v15, $0x1F;
	v22 =	vld [tilespmem:s0+$0x4060];
	v16 =	vxor.u32 v19, v16  }
0x16e: {  	v19 =	vshra.s32 v8, $0x1F;
	v23 =	vshrl.u32 v16, $0x6;
	v16 =	vshrl.u32 v16, $0x15;
	[tilespmem:v13+s12+$0x0] =	vst.idx.add.s32.msk vm4, v2  }
0x16f: {  	v13 =	vshra.s32 v14, $0x1F;
	vm4 =	veq.s32 v16, v4;
	v16 =	vand.u32 $0x7FF0, v23;
	[tilespmem:v10+s12+$0x0] =	vst.idx.add.s32.msk vm6, v2  }
0x170: {  	v10 =	vor.u32 $0x80000000, v21;
	v21 =	vshra.s32 v5, $0x1F;
	v16 =	vor.u32 v1, v16;
	[tilespmem:v9+s12+$0x0] =	vst.idx.add.s32.msk vm5, v2  }
0x171: {  	v9 =	vor.u32 $0x80000000, v19;
	v13 =	vor.u32 $0x80000000, v13;
	v19 =	vshra.s32 v20, $0x1F;
	[tilespmem:v12+s12+$0x0] =	vst.idx.add.s32.msk vm3, v2  }
.Ltmp8:
0x172: {  	v12 =	vor.u32 $0x80000000, v21;
	v19 =	vor.u32 $0x80000000, v19;
	v21 =	vshra.s32 v22, $0x1F;
	[tilespmem:v7+s12+$0x0] =	vst.idx.add.s32.msk vm2, v2;
	(pc) =	sbr.rel @p0 .LBB2_19-.Ltmp8, $4  }
0x173: {  	v11 =	vxor.u32 v18, v11;
	v10 =	vxor.u32 v15, v10;
	v15 =	vor.u32 $0x80000000, v21;
	[tilespmem:v6+s12+$0x0] =	vst.idx.add.s32.msk vm1, v2  }
0x174: {  	v9 =	vxor.u32 v8, v9;
	v8 =	vxor.u32 v14, v13;
	v7 =	vxor.u32 v5, v12  }
0x175: {  	v13 =	vshrl.u32 v11, $0x6;
	v6 =	vxor.u32 v20, v19;
	v5 =	vxor.u32 v22, v15;
	[tilespmem:v16+s12+$0x0] =	vst.idx.add.s32.msk vm4, v2  }
0x176: {  	v14 =	vshrl.u32 v9, $0x6;
	v12 =	vshrl.u32 v8, $0x6;
	v15 =	vshrl.u32 v10, $0x6;
	[tilespmem:v17+s12+$0x0] =	vst.idx.add.s32.msk vm0, v2  }
0x177: {  	v16 =	vshrl.u32 v7, $0x6;
	v17 =	vshrl.u32 v6, $0x6;
	v18 =	vshrl.u32 v5, $0x6  }
0x178: {  	v11 =	vshrl.u32 v11, $0x15;
	v13 =	vand.u32 $0x7FF0, v13;
	v10 =	vshrl.u32 v10, $0x15  }
0x179: {  	v15 =	vand.u32 $0x7FF0, v15;
	v9 =	vshrl.u32 v9, $0x15;
	v14 =	vand.u32 $0x7FF0, v14  }
0x17a: {  	v8 =	vshrl.u32 v8, $0x15;
	v12 =	vand.u32 $0x7FF0, v12;
	vm0 =	veq.s32 v11, v4  }
0x17b: {  	v7 =	vshrl.u32 v7, $0x15;
	v59 =	vor.u32 v1, v13;
	vm1 =	veq.s32 v10, v4  }
0x17c: {  	v6 =	vshrl.u32 v6, $0x15;
	v61 =	vor.u32 v1, v15;
	vm2 =	veq.s32 v9, v4  }
0x17d: {  	v5 =	vshrl.u32 v5, $0x15;
	v62 =	vor.u32 v1, v14;
	vm3 =	veq.s32 v8, v4  }
0x17e: {  	v60 =	vand.u32 $0x7FF0, v16;
	v12 =	vor.u32 v1, v12;
	vm4 =	veq.s32 v7, v4  }
0x17f: {  	v63 =	vand.u32 $0x7FF0, v17;
	vm5 =	veq.s32 v6, v4;
	v7 =	vor.u32 v1, v60  }
0x180: {  	v6 =	vand.u32 $0x7FF0, v18;
	vm6 =	veq.s32 v5, v4;
	v8 =	vor.u32 v1, v63;
	[tilespmem:v59+s12+$0x0] =	vst.idx.add.s32.msk vm0, v2  }
0x181: {  	v5 =	vor.u32 v1, v6;
	[tilespmem:v61+s12+$0x0] =	vst.idx.add.s32.msk vm1, v2  }
0x182: {  	[tilespmem:v62+s12+$0x0] =	vst.idx.add.s32.msk vm2, v2  }
0x183: {  	[tilespmem:v12+s12+$0x0] =	vst.idx.add.s32.msk vm3, v2  }
0x184: {  	[tilespmem:v7+s12+$0x0] =	vst.idx.add.s32.msk vm4, v2  }
0x185: {  	[tilespmem:v8+s12+$0x0] =	vst.idx.add.s32.msk vm5, v2  }
0x186: {  	[tilespmem:v5+s12+$0x0] =	vst.idx.add.s32.msk vm6, v2  }
0x187: {  	p0 =	seq.s32 s24, $0x8  }
.Ltmp9:
0x188: {  	_ = 	snop;
	(pc) =	sbr.rel @!p0 .LBB2_16-.Ltmp9, $1  }
0x189: {  	_ =	sdelay $0x3  }
0x18a: {  	s24 =	simm.s32 $0x0;
	s0 =	simm.s32 $0x7FD0  }
0x18b: {  	[tilespmem:s24], [sflag:$0x1] =	stream.linear.gather [hbm4b:s6+s24], $0x4000, $0x38;
	[tilespmem:$0x18080] =	vst v63  }
0x18c: {  	s0 =	sand.u32 $0x7FD0, s0  }
0x18d: {  	s2 =	simm.s32 $0x7FF0;
	v4 =	vld [tilespmem:s0+$0x10000]  }
0x18e: {  	s8 =	simm.s32 $0x7FE0;
	s9 =	sand.u32 $0x7FF0, s2  }
0x18f: {  	s17 =	sand.u32 $0x7FE0, s8;
	v5 =	vld [tilespmem:s9+$0x10000]  }
0x190: {  	s18 =	simm.s32 $0x7FC0;
	v6 =	vld [tilespmem:s17+$0x10000]  }
0x191: {  	s0 =	sand.u32 $0x7FC0, s18  }
0x192: {  	(xrf0) =	vadd.scan.msk.s32 $0xffff, v4;
	v4 =	vld [tilespmem:s0+$0x10000];
	_ =	sdelay $0x1  }
0x193: {  	(xrf0) =	vadd.scan.msk.s32 $0xffff, v5  }
0x194: {  	(xrf0) =	vadd.scan.msk.s32 $0xffff, v6;
	_ =	sdelay $0x1  }
0x195: {  	(xrf0) =	vadd.scan.msk.s32 $0xffff, v4;
	_ =	sdelay $0x1  }
0x196: {  	v4, _, _ =	vpop (xrf0)  }
0x197: {  	v5, _, _ =	vpop (xrf0);
	(v2sf) =	vpush v4, $0xF  }
0x198: {  	(v2sf) =	vpush v5, $0xF;
	v4, _, _ =	vpop (xrf0)  }
0x199: {  	s19 =	simm.s32 $0x7F90;
	(v2sf) =	vpush v4, $0xF  }
0x19a: {  	s20 =	simm.s32 $0x7FB0;
	s0 =	sand.u32 $0x7FD0, s19;
	v4, _, _ =	vpop (xrf0)  }
0x19b: {  	s23 =	simm.s32 $0x7FA0;
	s25 =	sand.u32 $0x7FF0, s20;
	(v2sf) =	vpush v4, $0xF;
	v4 =	vld [tilespmem:s0+$0x10000]  }
0x19c: {  	s8 =	sand.u32 $0x7FE0, s23;
	v5 =	vld [tilespmem:s25+$0x10000]  }
0x19d: {  	v6 =	vld [tilespmem:s8+$0x10000]  }
0x19e: {  	s26 =	simm.s32 $0x7F80  }
0x19f: {  	s2 =	sand.u32 $0x7FC0, s26  }
0x1a0: {  	v7 =	vld [tilespmem:s2+$0x10000];
	(xrf0) =	vadd.scan.msk.s32 $0xffff, v4  }
0x1a1: {  	(xrf0) =	vadd.scan.msk.s32 $0xffff, v5  }
0x1a2: {  	(xrf0) =	vadd.scan.msk.s32 $0xffff, v6  }
0x1a3: {  	s22 =	ssub.s32 $0x30000, s22;
	s30 =	simm.s32 $0x8;
	s29 =	simm.s32 $0x7FE  }
0x1a4: {  	s31 =	simm.s32 $0x7F40;
	s28 =	simm.s32 $0x7FD;
	s26 =	simm.s32 $0x7FC  }
0x1a5: {  	p0 =	sgt.s32 s22, $0x0;
	s18 =	simm.s32 $0x7F50;
	s17 =	simm.s32 $0x7F60;
	(xrf0) =	vadd.scan.msk.s32 $0xffff, v7  }
0x1a6: {  	s17 =	sand.u32 $0x7FE0, s17;
	s19 =	simm.s32 $0x7F70;
	s6 =	spop (v2sf);
	v4, _, _ =	vpop (xrf0)  }
0x1a7: {  	s19 =	sand.u32 $0x7FF0, s19;
	s8 =	sand.u32 $0x7FD0, s18;
	s9 =	spop (v2sf);
	v5, _, _ =	vpop (xrf0);
	(v2sf) =	vpush v4, $0xF  }
0x1a8: {  	s25 =	simm.s32 $0x7F8;
	v6 =	vld [tilespmem:s8+$0x10000];
	s23 =	spop (v2sf);
	s18 =	sadd.s32 $0x0, s9;
	(v2sf) =	vpush v5, $0xF;
	v4, _, _ =	vpop (xrf0)  }
0x1a9: {  	s0 =	simm.s32 $0x7FF;
	p1 =	sge.s32 s18, s22;
	s8 =	sadd.s32 s23, s18;
	(v2sf) =	vpush v4, $0xF  }
0x1aa: {  	p2 =	slt.s32 s18, s22;
	s23 =	simm.s32 $0x0;
	p0 =	por !p0, !p1  }
0x1ab: {  	s9 =	sadd.s32 s6, s8;
	p6 =	slt.s32 s8, s22;
	v7, _, _ =	vpop (xrf0);
	s20 =	spop (v2sf)  }
0x1ac: {  	v5 =	vld [tilespmem:s19+$0x10000];
	p1 =	por !p0, !p0;
	p3 =	sge.s32 s9, s22;
	(v2sf) =	vpush v7, $0xF;
	s2 =	sadd.s32 s20, s9  }
0x1ad: {  	(xrf0) =	vadd.scan.msk.s32 $0xffff, v6;
	v4 =	vld [tilespmem:s17+$0x10000];
	s23 =	smov.u32 @p1 s23;
	p3 =	por !p6, !p3;
	p4 =	sge.s32 s2, s22  }
.LBB2_22:
0x1ae: {  	s19 =	sand.u32 $0x7FC0, s31;
	p0 =	sge.s32 s8, s22;
	p5 =	slt.s32 s9, s22  }
0x1af: {  	s6 =	smov.u32 s26;
	s26 =	smov.u32 s25;
	s17 =	smov.u32 s2  }
0x1b0: {  	s24 =	smov.u32 @p1 s0;
	v6 =	vld [tilespmem:s19+$0x10000];
	p0 =	por !p2, !p0;
	p1 =	por !p5, !p4  }
0x1b1: {  	s30 =	sadd.s32 $0x4, s30;
	p2 =	por !p3, !p3;
	(xrf0) =	vadd.scan.msk.s32 $0xffff, v5;
	p0 =	por !p0, !p0  }
0x1b2: {  	p1 =	por !p1, !p1;
	(xrf0) =	vadd.scan.msk.s32 $0xffff, v4;
	s24 =	smov.u32 @p0 s29;
	s23 =	smov.u32 @p0 s18  }
0x1b3: {  	p0 =	slt.u32 s30, $0x7FC;
	s24 =	smov.u32 @p2 s28;
	s23 =	smov.u32 @p2 s8  }
0x1b4: {  	s0 =	sadd.s32 $0x3, s25;
	v4, _, _ =	vpop (xrf0);
	s24 =	smov.u32 @p1 s6;
	s23 =	smov.u32 @p1 s9  }
0x1b5: {  	s31 =	sadd.s32 $0xFFFFFFC0, s31;
	s29 =	sadd.s32 $0x2, s25;
	(xrf0) =	vadd.scan.msk.s32 $0xffff, v6  }
0x1b6: {  	s18 =	sadd.s32 $0x20, s31;
	s28 =	sadd.s32 $0x1, s25;
	s6 =	spop (v2sf)  }
0x1b7: {  	s8 =	sadd.s32 $0x10, s31;
	s25 =	sadd.s32 $0xFFFFFFFC, s25;
	v5, _, _ =	vpop (xrf0);
	(v2sf) =	vpush v4, $0xF;
	s9 =	spop (v2sf)  }
0x1b8: {  	s20 =	sand.u32 $0x7FE0, s18;
	s8 =	sand.u32 $0x7FD0, s8;
	(v2sf) =	vpush v5, $0xF;
	v4, _, _ =	vpop (xrf0);
	s19 =	spop (v2sf)  }
0x1b9: {  	p1 =	slt.s32 s2, s22;
	s18 =	sadd.s32 s2, s9;
	s2 =	sadd.s32 $0x30, s31;
	v6 =	vld [tilespmem:s8+$0x10000];
	(v2sf) =	vpush v4, $0xF  }
.Ltmp10:
0x1ba: {  	p2 =	sge.s32 s18, s22;
	s8 =	sadd.s32 s19, s18;
	v4 =	vld [tilespmem:s20+$0x10000];
	(pc) =	sbr.rel @p0 .LBB2_22-.Ltmp10, $4  }
0x1bb: {  	s2 =	sand.u32 $0x7FF0, s2;
	p1 =	por !p1, !p2;
	v7, _, _ =	vpop (xrf0);
	s19 =	spop (v2sf)  }
0x1bc: {  	s9 =	sadd.s32 s6, s8;
	p3 =	slt.s32 s8, s22;
	p1 =	por !p1, !p1;
	v5 =	vld [tilespmem:s2+$0x10000];
	(v2sf) =	vpush v7, $0xF  }
0x1bd: {  	p2 =	slt.s32 s18, s22;
	p4 =	sge.s32 s9, s22;
	s2 =	sadd.s32 s19, s9  }
0x1be: {  	s23 =	smov.u32 @p1 s17;
	p3 =	por !p3, !p4;
	p4 =	sge.s32 s2, s22;
	(xrf0) =	vadd.scan.msk.s32 $0xffff, v6  }
0x1bf: {  	s6 =	sand.u32 $0x7FC0, s31  }
0x1c0: {  	v6 =	vld [tilespmem:s6+$0x10000]  }
0x1c1: {  	(xrf0) =	vadd.scan.msk.s32 $0xffff, v5  }
0x1c2: {  	(xrf0) =	vadd.scan.msk.s32 $0xffff, v4;
	_ =	sdelay $0x2  }
0x1c3: {  	(xrf0) =	vadd.scan.msk.s32 $0xffff, v6  }
0x1c4: {  	p0 =	sge.s32 s8, s22;
	p5 =	slt.s32 s9, s22;
	s24 =	smov.u32 @p1 s0;
	v4, _, _ =	vpop (xrf0)  }
0x1c5: {  	s19 =	sadd.s32 $0x1, s25;
	p0 =	por !p2, !p0;
	s31 =	spop (v2sf);
	(v2sf) =	vpush v4, $0xF;
	v5, _, _ =	vpop (xrf0)  }
0x1c6: {  	p6 =	por !p5, !p4;
	p2 =	por !p3, !p3;
	s20 =	spop (v2sf);
	(v2sf) =	vpush v5, $0xF;
	v4, _, _ =	vpop (xrf0)  }
0x1c7: {  	p3 =	slt.s32 s2, s22;
	p0 =	por !p0, !p0;
	s17 =	spop (v2sf);
	(v2sf) =	vpush v4, $0xF  }
0x1c8: {  	s24 =	smov.u32 @p0 s29;
	s23 =	smov.u32 @p0 s18;
	p0 =	por !p6, !p6  }
0x1c9: {  	s24 =	smov.u32 @p2 s28;
	s23 =	smov.u32 @p2 s8;
	s8 =	sadd.s32 $0x3, s25;
	v4, _, _ =	vpop (xrf0)  }
0x1ca: {  	s24 =	smov.u32 @p0 s26;
	s6 =	sadd.s32 s2, s20;
	s28 =	spop (v2sf);
	(v2sf) =	vpush v4, $0xF  }
0x1cb: {  	s23 =	smov.u32 @p0 s9;
	s9 =	sadd.s32 $0x2, s25;
	p4 =	sge.s32 s6, s22  }
0x1cc: {  	s17 =	sadd.s32 s17, s6;
	p2 =	slt.s32 s6, s22;
	p0 =	por !p3, !p4  }
0x1cd: {  	s0 =	sadd.s32 s31, s17;
	p5 =	slt.s32 s17, s22;
	p4 =	sge.s32 s17, s22  }
0x1ce: {  	p0 =	por !p0, !p0;
	p6 =	sge.s32 s0, s22;
	p2 =	por !p2, !p4  }
0x1cf: {  	s18 =	sadd.s32 s28, s0;
	s23 =	smov.u32 @p0 s2;
	p1 =	por !p5, !p6  }
0x1d0: {  	p6 =	slt.s32 s0, s22;
	s24 =	smov.u32 @p0 s8;
	p2 =	por !p2, !p2  }
0x1d1: {  	s2 =	sadd.s32 $0xFFFFFFFC, s25;
	p5 =	sge.s32 s18, s22;
	p1 =	por !p1, !p1  }
0x1d2: {  	s24 =	smov.u32 @p2 s9;
	s23 =	smov.u32 @p2 s6;
	s8 =	sadd.s32 $0x3, s2  }
0x1d3: {  	s9 =	sadd.s32 $0x2, s2;
	p3 =	slt.s32 s18, s22;
	p6 =	por !p6, !p5  }
0x1d4: {  	s24 =	smov.u32 @p1 s19;
	s23 =	smov.u32 @p1 s17;
	s29 =	spop (v2sf)  }
0x1d5: {  	s17 =	sadd.s32 $0x1, s2;
	p0 =	por !p6, !p6;
	s30 =	spop (v2sf)  }
0x1d6: {  	s23 =	smov.u32 @p0 s0;
	s0 =	sadd.s32 s18, s30;
	s31 =	spop (v2sf)  }
0x1d7: {  	s24 =	smov.u32 @p0 s25;
	p4 =	sge.s32 s0, s22;
	s19 =	sadd.s32 s31, s0  }
0x1d8: {  	p2 =	slt.s32 s0, s22;
	p0 =	por !p3, !p4;
	s6 =	sadd.s32 s29, s19  }
0x1d9: {  	p5 =	slt.s32 s19, s22;
	p4 =	sge.s32 s19, s22;
	s20 =	spop (v2sf)  }
0x1da: {  	p0 =	por !p0, !p0;
	p6 =	sge.s32 s6, s22;
	p2 =	por !p2, !p4  }
0x1db: {  	s20 =	sadd.s32 s20, s6;
	s23 =	smov.u32 @p0 s18;
	p1 =	por !p5, !p6  }
0x1dc: {  	p6 =	slt.s32 s6, s22;
	s24 =	smov.u32 @p0 s8;
	p2 =	por !p2, !p2  }
0x1dd: {  	p5 =	sge.s32 s20, s22;
	p1 =	por !p1, !p1;
	s24 =	smov.u32 @p2 s9  }
0x1de: {  	s23 =	smov.u32 @p2 s0;
	s0 =	simm.s32 $0x10040;
	p6 =	por !p6, !p5  }
0x1df: {  	s24 =	smov.u32 @p1 s17;
	s23 =	smov.u32 @p1 s19;
	[tilespmem:s0+$0xFFFFFFC0] =	vst v0;
	p0 =	por !p6, !p6  }
0x1e0: {  	[tilespmem:s0+$0x30] =	vst v0;
	s24 =	smov.u32 @p0 s2;
	s23 =	smov.u32 @p0 s6;
	p0 =	por $0x1, $0x1  }
.Ltmp11:
0x1e1: {  	[tilespmem:s0+$0x20] =	vst v0;
	(pc) =	sbr.rel @!p0 .LBB2_25-.Ltmp11, $4  }
0x1e2: {  	[tilespmem:s0+$0x10] =	vst v0  }
0x1e3: {  	[tilespmem:s0+$0x0] =	vst v0  }
0x1e4: {  	[tilespmem:s0+$0xFFFFFFF0] =	vst v0  }
0x1e5: {  	[tilespmem:s0+$0xFFFFFFE0] =	vst v0;
	s2 =	simm.s32 $0x0  }
.LBB2_24:
0x1e6: {  	s2 =	sadd.s32 $0x8, s2;
	[tilespmem:s0+$0xFFFFFFD0] =	vst v0;
	s0 =	sadd.s32 $0x80, s0  }
0x1e7: {  	[tilespmem:s0+$0xFFFFFFC0] =	vst v0;
	p0 =	slt.u32 s2, $0x3F8  }
0x1e8: {  	[tilespmem:s0+$0x30] =	vst v0  }
.Ltmp12:
0x1e9: {  	[tilespmem:s0+$0x20] =	vst v0;
	(pc) =	sbr.rel @p0 .LBB2_24-.Ltmp12, $4  }
0x1ea: {  	[tilespmem:s0+$0x10] =	vst v0  }
0x1eb: {  	[tilespmem:s0+$0x0] =	vst v0  }
0x1ec: {  	[tilespmem:s0+$0xFFFFFFF0] =	vst v0  }
0x1ed: {  	[tilespmem:s0+$0xFFFFFFE0] =	vst v0  }
.LBB2_25:
0x1ee: {  	s31 =	sshll.u32 s21, $0xB  }
0x1ef: {  	s21 =	sor.u32 s31, s24  }
0x1f0: {  	[tilespmem:s0+$0xFFFFFFD0] =	vst v0;
	s25 =	simm.s32 $0x0;
	s24 =	simm.s32 $0x0;
	v4 =	vmov s21  }
.LBB2_27:
0x1f1: {  	s26 =	sshll.u32 s25, $0xF  }
0x1f2: {  	s0 =	sor.u32 s26, s5  }
0x1f3: {  	s0 =	sshrl.u32 s0, $0x3  }
0x1f4: {  	s0 =	sadd.s32 s0, s1  }
0x1f5: {  	s31 =	simm.s32 $0x0;
	s2 =	sand.u32 $0xC00, s24;
	s0 =	sadd.s32 $0x800, s0  }
0x1f6: {  	[tilespmem:s10], [sflag:$0x2] =	stream.linear.gather [hbm4b:s0+s24], $0x4000, $0x38;
	[tilespmem:$0x18080] =	vst v63  }
0x1f7: {  	s6 =	simm.s32 $0x0;
	s0 =	sand.u32 $0x3000, s31;
	_ =	swait.ge [sflag:s11], $0x4000  }
0x1f8: {  	s6 =	sand.u32 $0x380, s6;
	s0 =	sor.u32 s2, s0;
	[sflag:s11] =	ssyncset.done $0x0  }
0x1f9: {  	s0 =	sor.u32 s6, s0;
	[sflag:s11] =	ssyncadd.s32 $0xFFFFC000  }
0x1fa: {  	v5 =	vld [tilespmem:s0+$0x70]  }
0x1fb: {  	v6 =	vld [tilespmem:s0+$0x0]  }
0x1fc: {  	v7 =	vld [tilespmem:s0+$0x10]  }
0x1fd: {  	v12 =	vld [tilespmem:s0+$0x30];
	_ =	sdelay $0x1  }
0x1fe: {  	v8 =	vld [tilespmem:s0+$0x20]  }
0x1ff: {  	v13 =	vld [tilespmem:s0+$0x40];
	v9 =	vshra.s32 v5, $0x1F  }
0x200: {  	v15 =	vld [tilespmem:s0+$0x50];
	v10 =	vshra.s32 v6, $0x1F;
	v9 =	vor.u32 $0x80000000, v9  }
0x201: {  	v11 =	vshra.s32 v7, $0x1F;
	v17 =	vshra.s32 v12, $0x1F;
	v5 =	vxor.u32 v5, v9  }
0x202: {  	v16 =	vld [tilespmem:s0+$0x60];
	v10 =	vor.u32 $0x80000000, v10;
	v14 =	vshll.u32 v5, $0x4;
	v5 =	vshrl.u32 v5, $0xA  }
0x203: {  	v17 =	vor.u32 $0x80000000, v17;
	v9 =	vshra.s32 v8, $0x1F;
	vm0 =	veq.s32 v5, v4  }
0x204: {  	v5 =	vand.u32 $0x3FF0, v14;
	v14 =	vor.u32 $0x80000000, v11;
	v11 =	vshra.s32 v13, $0x1F  }
0x205: {  	v18 =	vor.u32 v1, v5;
	v5 =	vor.u32 $0x80000000, v9;
	v9 =	vshra.s32 v15, $0x1F  }
0x206: {  	v19 =	vor.u32 $0x80000000, v11;
	v11 =	vxor.u32 v6, v10;
	v10 =	vxor.u32 v7, v14  }
0x207: {  	v20 =	vor.u32 $0x80000000, v9;
	v9 =	vshra.s32 v16, $0x1F;
	v7 =	vxor.u32 v13, v19  }
0x208: {  	v14 =	vshll.u32 v11, $0x4;
	v21 =	vor.u32 $0x80000000, v9;
	v9 =	vxor.u32 v8, v5  }
0x209: {  	v8 =	vxor.u32 v12, v17;
	v6 =	vxor.u32 v15, v20;
	v15 =	vshll.u32 v10, $0x4  }
0x20a: {  	s28 =	simm.s32 $0x0;
	s0 =	simm.s32 $0x0;
	v5 =	vxor.u32 v16, v21;
	v13 =	vshll.u32 v9, $0x4;
	v12 =	vshll.u32 v8, $0x4;
	[tilespmem:v18+s12+$0x0] =	vst.idx.add.s32.msk vm0, v2  }
.LBB2_28:
0x20b: {  	s28 =	sadd.s32 $0x8, s28;
	v16 =	vshll.u32 v7, $0x4;
	v17 =	vshll.u32 v6, $0x4;
	v18 =	vshll.u32 v5, $0x4  }
0x20c: {  	v11 =	vshrl.u32 v11, $0xA;
	v14 =	vand.u32 $0x3FF0, v14;
	v10 =	vshrl.u32 v10, $0xA;
	s0 =	sadd.s32 $0x400, s0;
	s2 =	sshll.u32 s28, $0x4;
	p0 =	slt.u32 s28, $0x3F8  }
0x20d: {  	v15 =	vand.u32 $0x3FF0, v15;
	v9 =	vshrl.u32 v9, $0xA;
	v13 =	vand.u32 $0x3FF0, v13;
	s6 =	sand.u32 $0xC00, s0;
	s8 =	sshll.u32 s28, $0x2;
	s2 =	sand.u32 $0x3000, s2  }
0x20e: {  	v8 =	vshrl.u32 v8, $0xA;
	v12 =	vand.u32 $0x3FF0, v12;
	v7 =	vshrl.u32 v7, $0xA;
	s8 =	sand.u32 $0x380, s8;
	s2 =	sor.u32 s6, s2  }
0x20f: {  	v6 =	vshrl.u32 v6, $0xA;
	v16 =	vand.u32 $0x3FF0, v16;
	v17 =	vand.u32 $0x3FF0, v17;
	s2 =	sor.u32 s8, s2  }
0x210: {  	v5 =	vshrl.u32 v5, $0xA;
	vm4 =	veq.s32 v11, v4;
	v11 =	vand.u32 $0x3FF0, v18;
	v19 =	vld [tilespmem:s2+$0x70]  }
0x211: {  	v14 =	vor.u32 v1, v14;
	vm6 =	veq.s32 v10, v4;
	v10 =	vor.u32 v1, v15;
	v18 =	vld [tilespmem:s2+$0x0]  }
0x212: {  	vm5 =	veq.s32 v9, v4;
	v9 =	vor.u32 v1, v13;
	vm3 =	veq.s32 v8, v4;
	v15 =	vld [tilespmem:s2+$0x10]  }
0x213: {  	v12 =	vor.u32 v1, v12;
	vm2 =	veq.s32 v7, v4;
	v7 =	vor.u32 v1, v16;
	v8 =	vld [tilespmem:s2+$0x20]  }
0x214: {  	vm1 =	veq.s32 v6, v4;
	vm0 =	veq.s32 v5, v4;
	v6 =	vor.u32 v1, v17;
	v13 =	vld [tilespmem:s2+$0x30]  }
0x215: {  	v17 =	vor.u32 v1, v11;
	v5 =	vld [tilespmem:s2+$0x40];
	v16 =	vshra.s32 v19, $0x1F  }
0x216: {  	v11 =	vshra.s32 v18, $0x1F;
	v20 =	vld [tilespmem:s2+$0x50];
	v16 =	vor.u32 $0x80000000, v16  }
0x217: {  	v11 =	vor.u32 $0x80000000, v11;
	v21 =	vshra.s32 v15, $0x1F;
	v22 =	vld [tilespmem:s2+$0x60];
	v16 =	vxor.u32 v19, v16  }
0x218: {  	v19 =	vshra.s32 v8, $0x1F;
	v23 =	vshll.u32 v16, $0x4;
	v16 =	vshrl.u32 v16, $0xA;
	[tilespmem:v14+s12+$0x0] =	vst.idx.add.s32.msk vm4, v2  }
0x219: {  	v14 =	vshra.s32 v13, $0x1F;
	vm4 =	veq.s32 v16, v4;
	v16 =	vand.u32 $0x3FF0, v23;
	[tilespmem:v10+s12+$0x0] =	vst.idx.add.s32.msk vm6, v2  }
0x21a: {  	v10 =	vor.u32 $0x80000000, v21;
	v21 =	vshra.s32 v5, $0x1F;
	v16 =	vor.u32 v1, v16;
	[tilespmem:v9+s12+$0x0] =	vst.idx.add.s32.msk vm5, v2  }
0x21b: {  	v9 =	vor.u32 $0x80000000, v19;
	v14 =	vor.u32 $0x80000000, v14;
	v19 =	vshra.s32 v20, $0x1F;
	[tilespmem:v12+s12+$0x0] =	vst.idx.add.s32.msk vm3, v2  }
.Ltmp13:
0x21c: {  	v12 =	vor.u32 $0x80000000, v21;
	v19 =	vor.u32 $0x80000000, v19;
	v21 =	vshra.s32 v22, $0x1F;
	[tilespmem:v7+s12+$0x0] =	vst.idx.add.s32.msk vm2, v2;
	(pc) =	sbr.rel @p0 .LBB2_28-.Ltmp13, $4  }
0x21d: {  	v11 =	vxor.u32 v18, v11;
	v10 =	vxor.u32 v15, v10;
	v15 =	vor.u32 $0x80000000, v21;
	[tilespmem:v6+s12+$0x0] =	vst.idx.add.s32.msk vm1, v2  }
0x21e: {  	v9 =	vxor.u32 v8, v9;
	v8 =	vxor.u32 v13, v14;
	v7 =	vxor.u32 v5, v12  }
0x21f: {  	v14 =	vshll.u32 v11, $0x4;
	v6 =	vxor.u32 v20, v19;
	v5 =	vxor.u32 v22, v15;
	[tilespmem:v16+s12+$0x0] =	vst.idx.add.s32.msk vm4, v2  }
0x220: {  	v13 =	vshll.u32 v9, $0x4;
	v12 =	vshll.u32 v8, $0x4;
	v15 =	vshll.u32 v10, $0x4;
	[tilespmem:v17+s12+$0x0] =	vst.idx.add.s32.msk vm0, v2  }
0x221: {  	v16 =	vshll.u32 v7, $0x4;
	v17 =	vshll.u32 v6, $0x4;
	v18 =	vshll.u32 v5, $0x4  }
0x222: {  	v11 =	vshrl.u32 v11, $0xA;
	v14 =	vand.u32 $0x3FF0, v14;
	v10 =	vshrl.u32 v10, $0xA  }
0x223: {  	v15 =	vand.u32 $0x3FF0, v15;
	v9 =	vshrl.u32 v9, $0xA;
	v13 =	vand.u32 $0x3FF0, v13  }
0x224: {  	v8 =	vshrl.u32 v8, $0xA;
	v12 =	vand.u32 $0x3FF0, v12;
	vm0 =	veq.s32 v11, v4  }
0x225: {  	v7 =	vshrl.u32 v7, $0xA;
	v11 =	vor.u32 v1, v14;
	vm1 =	veq.s32 v10, v4  }
0x226: {  	v6 =	vshrl.u32 v6, $0xA;
	v14 =	vor.u32 v1, v15;
	vm2 =	veq.s32 v9, v4  }
0x227: {  	v5 =	vshrl.u32 v5, $0xA;
	v9 =	vor.u32 v1, v13;
	vm3 =	veq.s32 v8, v4  }
0x228: {  	v10 =	vand.u32 $0x3FF0, v16;
	v12 =	vor.u32 v1, v12;
	vm4 =	veq.s32 v7, v4  }
0x229: {  	v8 =	vand.u32 $0x3FF0, v17;
	vm5 =	veq.s32 v6, v4;
	v7 =	vor.u32 v1, v10  }
0x22a: {  	v6 =	vand.u32 $0x3FF0, v18;
	vm6 =	veq.s32 v5, v4;
	v8 =	vor.u32 v1, v8;
	[tilespmem:v11+s12+$0x0] =	vst.idx.add.s32.msk vm0, v2  }
0x22b: {  	v5 =	vor.u32 v1, v6;
	[tilespmem:v14+s12+$0x0] =	vst.idx.add.s32.msk vm1, v2  }
0x22c: {  	[tilespmem:v9+s12+$0x0] =	vst.idx.add.s32.msk vm2, v2  }
0x22d: {  	p0 =	seq.s32 s25, $0x7;
	[tilespmem:v12+s12+$0x0] =	vst.idx.add.s32.msk vm3, v2  }
0x22e: {  	s0 =	sadd.s32 @!p0 s26, s7;
	[tilespmem:v7+s12+$0x0] =	vst.idx.add.s32.msk vm4, v2  }
0x22f: {  	s30 =	simm.s32 $0x0;
	s6 =	simm.s32 $0x0;
	s0 =	sshrl.u32 @!p0 s0, $0x3;
	[tilespmem:v8+s12+$0x0] =	vst.idx.add.s32.msk vm5, v2  }
0x230: {  	s2 =	simm.s32 @!p0 $0x0;
	s26 =	simm.s32 $0x0;
	s0 =	sadd.s32 @!p0 s1, s0;
	[tilespmem:v5+s12+$0x0] =	vst.idx.add.s32.msk vm6, v2  }
0x231: {  	[tilespmem:s2], [sflag:$0x1] =	stream.linear.gather @!p0 [hbm4b:s0+s2], $0x4000, $0x38;
	[tilespmem:$0x18080] =	vst v63  }
0x232: {  	s31 =	sand.u32 $0xC00, s26;
	s0 =	sand.u32 $0x3000, s30;
	_ =	swait.ge [sflag:s13], $0x4000  }
0x233: {  	s6 =	sand.u32 $0x380, s6;
	s0 =	sor.u32 s31, s0;
	[sflag:s13] =	ssyncset.done $0x0  }
0x234: {  	s0 =	sor.u32 s6, s0;
	[sflag:s13] =	ssyncadd.s32 $0xFFFFC000  }
0x235: {  	v5 =	vld [tilespmem:s0+$0x4070]  }
0x236: {  	v6 =	vld [tilespmem:s0+$0x4000]  }
0x237: {  	v7 =	vld [tilespmem:s0+$0x4010]  }
0x238: {  	v12 =	vld [tilespmem:s0+$0x4030];
	_ =	sdelay $0x1  }
0x239: {  	v8 =	vld [tilespmem:s0+$0x4020]  }
0x23a: {  	v13 =	vld [tilespmem:s0+$0x4040];
	v9 =	vshra.s32 v5, $0x1F  }
0x23b: {  	v14 =	vld [tilespmem:s0+$0x4050];
	v10 =	vshra.s32 v6, $0x1F;
	v9 =	vor.u32 $0x80000000, v9  }
0x23c: {  	v11 =	vshra.s32 v7, $0x1F;
	v17 =	vshra.s32 v12, $0x1F;
	v5 =	vxor.u32 v5, v9  }
0x23d: {  	v15 =	vld [tilespmem:s0+$0x4060];
	v10 =	vor.u32 $0x80000000, v10;
	v16 =	vshll.u32 v5, $0x4;
	v5 =	vshrl.u32 v5, $0xA  }
0x23e: {  	v17 =	vor.u32 $0x80000000, v17;
	v9 =	vshra.s32 v8, $0x1F;
	vm15 =	veq.s32 v5, v4  }
0x23f: {  	v5 =	vand.u32 $0x3FF0, v16;
	v16 =	vor.u32 $0x80000000, v11;
	v11 =	vshra.s32 v13, $0x1F  }
0x240: {  	v63 =	vor.u32 v1, v5;
	v5 =	vor.u32 $0x80000000, v9;
	v9 =	vshra.s32 v14, $0x1F  }
0x241: {  	v19 =	vor.u32 $0x80000000, v11;
	v11 =	vxor.u32 v6, v10;
	v10 =	vxor.u32 v7, v16  }
0x242: {  	v20 =	vor.u32 $0x80000000, v9;
	v9 =	vshra.s32 v15, $0x1F;
	v7 =	vxor.u32 v13, v19  }
0x243: {  	v13 =	vshll.u32 v11, $0x4;
	v16 =	vor.u32 $0x80000000, v9;
	v9 =	vxor.u32 v8, v5  }
0x244: {  	v8 =	vxor.u32 v12, v17;
	v6 =	vxor.u32 v14, v20;
	v5 =	vxor.u32 v15, v16  }
0x245: {  	s25 =	sadd.s32 $0x1, s25;
	s2 =	simm.s32 $0x0;
	v15 =	vshll.u32 v10, $0x4;
	v14 =	vshll.u32 v9, $0x4;
	v12 =	vshll.u32 v8, $0x4;
	[tilespmem:v63+s12+$0x0] =	vst.idx.add.s32.msk vm15, v2  }
.LBB2_30:
0x246: {  	s2 =	sadd.s32 $0x8, s2;
	v16 =	vshll.u32 v7, $0x4;
	v17 =	vshll.u32 v6, $0x4;
	v18 =	vshll.u32 v5, $0x4  }
0x247: {  	v11 =	vshrl.u32 v11, $0xA;
	v13 =	vand.u32 $0x3FF0, v13;
	v10 =	vshrl.u32 v10, $0xA;
	s26 =	sadd.s32 $0x400, s26;
	s0 =	sshll.u32 s2, $0x4;
	p0 =	slt.u32 s2, $0x3F8  }
0x248: {  	v15 =	vand.u32 $0x3FF0, v15;
	v9 =	vshrl.u32 v9, $0xA;
	v14 =	vand.u32 $0x3FF0, v14;
	s6 =	sand.u32 $0xC00, s26;
	s8 =	sshll.u32 s2, $0x2;
	s0 =	sand.u32 $0x3000, s0  }
0x249: {  	v8 =	vshrl.u32 v8, $0xA;
	v12 =	vand.u32 $0x3FF0, v12;
	v7 =	vshrl.u32 v7, $0xA;
	s8 =	sand.u32 $0x380, s8;
	s0 =	sor.u32 s6, s0  }
0x24a: {  	v6 =	vshrl.u32 v6, $0xA;
	v16 =	vand.u32 $0x3FF0, v16;
	v17 =	vand.u32 $0x3FF0, v17;
	s0 =	sor.u32 s8, s0  }
0x24b: {  	v5 =	vshrl.u32 v5, $0xA;
	vm4 =	veq.s32 v11, v4;
	v11 =	vand.u32 $0x3FF0, v18;
	v19 =	vld [tilespmem:s0+$0x4070]  }
0x24c: {  	v13 =	vor.u32 v1, v13;
	vm6 =	veq.s32 v10, v4;
	v10 =	vor.u32 v1, v15;
	v18 =	vld [tilespmem:s0+$0x4000]  }
0x24d: {  	vm5 =	veq.s32 v9, v4;
	v9 =	vor.u32 v1, v14;
	vm3 =	veq.s32 v8, v4;
	v15 =	vld [tilespmem:s0+$0x4010]  }
0x24e: {  	v12 =	vor.u32 v1, v12;
	vm2 =	veq.s32 v7, v4;
	v7 =	vor.u32 v1, v16;
	v8 =	vld [tilespmem:s0+$0x4020]  }
0x24f: {  	vm1 =	veq.s32 v6, v4;
	vm0 =	veq.s32 v5, v4;
	v6 =	vor.u32 v1, v17;
	v14 =	vld [tilespmem:s0+$0x4030]  }
0x250: {  	v17 =	vor.u32 v1, v11;
	v5 =	vld [tilespmem:s0+$0x4040];
	v16 =	vshra.s32 v19, $0x1F  }
0x251: {  	v11 =	vshra.s32 v18, $0x1F;
	v20 =	vld [tilespmem:s0+$0x4050];
	v16 =	vor.u32 $0x80000000, v16  }
0x252: {  	v11 =	vor.u32 $0x80000000, v11;
	v21 =	vshra.s32 v15, $0x1F;
	v22 =	vld [tilespmem:s0+$0x4060];
	v16 =	vxor.u32 v19, v16  }
0x253: {  	v19 =	vshra.s32 v8, $0x1F;
	v23 =	vshll.u32 v16, $0x4;
	v16 =	vshrl.u32 v16, $0xA;
	[tilespmem:v13+s12+$0x0] =	vst.idx.add.s32.msk vm4, v2  }
0x254: {  	v13 =	vshra.s32 v14, $0x1F;
	vm4 =	veq.s32 v16, v4;
	v16 =	vand.u32 $0x3FF0, v23;
	[tilespmem:v10+s12+$0x0] =	vst.idx.add.s32.msk vm6, v2  }
0x255: {  	v10 =	vor.u32 $0x80000000, v21;
	v21 =	vshra.s32 v5, $0x1F;
	v16 =	vor.u32 v1, v16;
	[tilespmem:v9+s12+$0x0] =	vst.idx.add.s32.msk vm5, v2  }
0x256: {  	v9 =	vor.u32 $0x80000000, v19;
	v13 =	vor.u32 $0x80000000, v13;
	v19 =	vshra.s32 v20, $0x1F;
	[tilespmem:v12+s12+$0x0] =	vst.idx.add.s32.msk vm3, v2  }
.Ltmp14:
0x257: {  	v12 =	vor.u32 $0x80000000, v21;
	v19 =	vor.u32 $0x80000000, v19;
	v21 =	vshra.s32 v22, $0x1F;
	[tilespmem:v7+s12+$0x0] =	vst.idx.add.s32.msk vm2, v2;
	(pc) =	sbr.rel @p0 .LBB2_30-.Ltmp14, $4  }
0x258: {  	v11 =	vxor.u32 v18, v11;
	v10 =	vxor.u32 v15, v10;
	v15 =	vor.u32 $0x80000000, v21;
	[tilespmem:v6+s12+$0x0] =	vst.idx.add.s32.msk vm1, v2  }
0x259: {  	v9 =	vxor.u32 v8, v9;
	v8 =	vxor.u32 v14, v13;
	v7 =	vxor.u32 v5, v12  }
0x25a: {  	v13 =	vshll.u32 v11, $0x4;
	v6 =	vxor.u32 v20, v19;
	v5 =	vxor.u32 v22, v15;
	[tilespmem:v16+s12+$0x0] =	vst.idx.add.s32.msk vm4, v2  }
0x25b: {  	v14 =	vshll.u32 v9, $0x4;
	v12 =	vshll.u32 v8, $0x4;
	v15 =	vshll.u32 v10, $0x4;
	[tilespmem:v17+s12+$0x0] =	vst.idx.add.s32.msk vm0, v2  }
0x25c: {  	v16 =	vshll.u32 v7, $0x4;
	v17 =	vshll.u32 v6, $0x4;
	v18 =	vshll.u32 v5, $0x4  }
0x25d: {  	v11 =	vshrl.u32 v11, $0xA;
	v13 =	vand.u32 $0x3FF0, v13;
	v10 =	vshrl.u32 v10, $0xA  }
0x25e: {  	v15 =	vand.u32 $0x3FF0, v15;
	v9 =	vshrl.u32 v9, $0xA;
	v14 =	vand.u32 $0x3FF0, v14  }
0x25f: {  	v8 =	vshrl.u32 v8, $0xA;
	v12 =	vand.u32 $0x3FF0, v12;
	vm0 =	veq.s32 v11, v4  }
0x260: {  	v7 =	vshrl.u32 v7, $0xA;
	v59 =	vor.u32 v1, v13;
	vm1 =	veq.s32 v10, v4  }
0x261: {  	v6 =	vshrl.u32 v6, $0xA;
	v61 =	vor.u32 v1, v15;
	vm2 =	veq.s32 v9, v4  }
0x262: {  	v5 =	vshrl.u32 v5, $0xA;
	v62 =	vor.u32 v1, v14;
	vm3 =	veq.s32 v8, v4  }
0x263: {  	v60 =	vand.u32 $0x3FF0, v16;
	v12 =	vor.u32 v1, v12;
	vm4 =	veq.s32 v7, v4  }
0x264: {  	v63 =	vand.u32 $0x3FF0, v17;
	vm5 =	veq.s32 v6, v4;
	v7 =	vor.u32 v1, v60  }
0x265: {  	v6 =	vand.u32 $0x3FF0, v18;
	vm6 =	veq.s32 v5, v4;
	v8 =	vor.u32 v1, v63;
	[tilespmem:v59+s12+$0x0] =	vst.idx.add.s32.msk vm0, v2  }
0x266: {  	v5 =	vor.u32 v1, v6;
	[tilespmem:v61+s12+$0x0] =	vst.idx.add.s32.msk vm1, v2  }
0x267: {  	[tilespmem:v62+s12+$0x0] =	vst.idx.add.s32.msk vm2, v2  }
0x268: {  	[tilespmem:v12+s12+$0x0] =	vst.idx.add.s32.msk vm3, v2  }
0x269: {  	[tilespmem:v7+s12+$0x0] =	vst.idx.add.s32.msk vm4, v2  }
0x26a: {  	[tilespmem:v8+s12+$0x0] =	vst.idx.add.s32.msk vm5, v2  }
0x26b: {  	[tilespmem:v5+s12+$0x0] =	vst.idx.add.s32.msk vm6, v2  }
0x26c: {  	p0 =	seq.s32 s25, $0x8  }
.Ltmp15:
0x26d: {  	_ = 	snop;
	(pc) =	sbr.rel @!p0 .LBB2_27-.Ltmp15, $1  }
0x26e: {  	_ =	sdelay $0x3  }
0x26f: {  	s24 =	simm.s32 $0x0;
	s0 =	rddreg [dreg:$0x4];
	s19 =	simm.s32 $0x3FD0  }
0x270: {  	[tilespmem:s24], [sflag:$0x1] =	stream.linear.gather [hbm4b:s0+s24], $0x4000, $0x38;
	[tilespmem:$0x18080] =	vst v63  }
0x271: {  	s0 =	sand.u32 $0x3FD0, s19  }
0x272: {  	s2 =	simm.s32 $0x3FF0;
	v4 =	vld [tilespmem:s0+$0x10000]  }
0x273: {  	s6 =	simm.s32 $0x3FE0;
	s20 =	sand.u32 $0x3FF0, s2  }
0x274: {  	s25 =	sand.u32 $0x3FE0, s6;
	v5 =	vld [tilespmem:s20+$0x10000]  }
0x275: {  	s26 =	simm.s32 $0x3FC0;
	v6 =	vld [tilespmem:s25+$0x10000]  }
0x276: {  	s0 =	sand.u32 $0x3FC0, s26  }
0x277: {  	(xrf0) =	vadd.scan.msk.s32 $0xffff, v4;
	v4 =	vld [tilespmem:s0+$0x10000];
	_ =	sdelay $0x1  }
0x278: {  	(xrf0) =	vadd.scan.msk.s32 $0xffff, v5  }
0x279: {  	(xrf0) =	vadd.scan.msk.s32 $0xffff, v6;
	_ =	sdelay $0x1  }
0x27a: {  	(xrf0) =	vadd.scan.msk.s32 $0xffff, v4;
	_ =	sdelay $0x1  }
0x27b: {  	v4, _, _ =	vpop (xrf0)  }
0x27c: {  	v5, _, _ =	vpop (xrf0);
	(v2sf) =	vpush v4, $0xF  }
0x27d: {  	(v2sf) =	vpush v5, $0xF;
	v4, _, _ =	vpop (xrf0)  }
0x27e: {  	s2 =	simm.s32 $0x3F90;
	(v2sf) =	vpush v4, $0xF  }
0x27f: {  	s6 =	simm.s32 $0x3FB0;
	s0 =	sand.u32 $0x3FD0, s2;
	v4, _, _ =	vpop (xrf0)  }
0x280: {  	s8 =	simm.s32 $0x3FA0;
	s9 =	sand.u32 $0x3FF0, s6;
	(v2sf) =	vpush v4, $0xF;
	v4 =	vld [tilespmem:s0+$0x10000]  }
0x281: {  	s6 =	sand.u32 $0x3FE0, s8;
	v5 =	vld [tilespmem:s9+$0x10000]  }
0x282: {  	v6 =	vld [tilespmem:s6+$0x10000]  }
0x283: {  	s17 =	simm.s32 $0x3F80  }
0x284: {  	s18 =	sand.u32 $0x3FC0, s17  }
0x285: {  	v7 =	vld [tilespmem:s18+$0x10000];
	(xrf0) =	vadd.scan.msk.s32 $0xffff, v4  }
0x286: {  	(xrf0) =	vadd.scan.msk.s32 $0xffff, v5  }
0x287: {  	(xrf0) =	vadd.scan.msk.s32 $0xffff, v6  }
0x288: {  	s22 =	ssub.s32 s22, s23;
	s29 =	simm.s32 $0x8;
	s28 =	simm.s32 $0x3FD  }
0x289: {  	s30 =	simm.s32 $0x3F40;
	s31 =	simm.s32 $0x3FE;
	s19 =	simm.s32 $0x3F50  }
0x28a: {  	p0 =	sgt.s32 s22, $0x0;
	s26 =	simm.s32 $0x3FC;
	s25 =	simm.s32 $0x3F8;
	(xrf0) =	vadd.scan.msk.s32 $0xffff, v7  }
0x28b: {  	s20 =	simm.s32 $0x3F70;
	s2 =	simm.s32 $0x3FF;
	s0 =	spop (v2sf);
	v4, _, _ =	vpop (xrf0)  }
0x28c: {  	s6 =	sand.u32 $0x3FD0, s19;
	s9 =	simm.s32 $0x3F60;
	s8 =	spop (v2sf);
	v5, _, _ =	vpop (xrf0);
	(v2sf) =	vpush v4, $0xF  }
0x28d: {  	s19 =	sand.u32 $0x3FE0, s9;
	v6 =	vld [tilespmem:s6+$0x10000];
	s17 =	spop (v2sf);
	s8 =	sadd.s32 $0x0, s8;
	(v2sf) =	vpush v5, $0xF;
	v4, _, _ =	vpop (xrf0)  }
0x28e: {  	s6 =	sand.u32 $0x3FF0, s20;
	p1 =	sge.s32 s8, s22;
	s18 =	sadd.s32 s17, s8;
	(v2sf) =	vpush v4, $0xF  }
0x28f: {  	p2 =	slt.s32 s8, s22;
	p0 =	por !p0, !p1;
	s9 =	sadd.s32 s0, s18  }
0x290: {  	p6 =	slt.s32 s18, s22;
	v7, _, _ =	vpop (xrf0);
	s23 =	spop (v2sf);
	p1 =	por !p0, !p0  }
0x291: {  	v5 =	vld [tilespmem:s6+$0x10000];
	p3 =	sge.s32 s9, s22;
	(v2sf) =	vpush v7, $0xF;
	s0 =	sadd.s32 s23, s9;
	s23 =	simm.s32 $0x0  }
0x292: {  	(xrf0) =	vadd.scan.msk.s32 $0xffff, v6;
	v4 =	vld [tilespmem:s19+$0x10000];
	p3 =	por !p6, !p3;
	s23 =	smov.u32 @p1 s23;
	p4 =	sge.s32 s0, s22  }
.LBB2_33:
0x293: {  	s6 =	sand.u32 $0x3FC0, s30  }
0x294: {  	p0 =	sge.s32 s18, s22;
	p5 =	slt.s32 s9, s22;
	s24 =	smov.u32 @p1 s2  }
0x295: {  	s29 =	sadd.s32 $0x4, s29;
	v6 =	vld [tilespmem:s6+$0x10000];
	p0 =	por !p2, !p0;
	p1 =	por !p5, !p4  }
0x296: {  	s2 =	sadd.s32 $0x3, s25;
	p2 =	por !p3, !p3;
	(xrf0) =	vadd.scan.msk.s32 $0xffff, v5;
	p0 =	por !p0, !p0  }
0x297: {  	p1 =	por !p1, !p1;
	(xrf0) =	vadd.scan.msk.s32 $0xffff, v4;
	s24 =	smov.u32 @p0 s31;
	s23 =	smov.u32 @p0 s8  }
0x298: {  	p0 =	slt.u32 s29, $0x3FC;
	s24 =	smov.u32 @p2 s28;
	s23 =	smov.u32 @p2 s18  }
0x299: {  	s30 =	sadd.s32 $0xFFFFFFC0, s30;
	v4, _, _ =	vpop (xrf0);
	s24 =	smov.u32 @p1 s26;
	s23 =	smov.u32 @p1 s9  }
0x29a: {  	s6 =	smov.u32 s0;
	s28 =	sadd.s32 $0x1, s25;
	s26 =	smov.u32 s25;
	(xrf0) =	vadd.scan.msk.s32 $0xffff, v6  }
0x29b: {  	s31 =	sadd.s32 $0x2, s25;
	s8 =	sadd.s32 $0x10, s30;
	s9 =	spop (v2sf)  }
0x29c: {  	s18 =	sadd.s32 $0x20, s30;
	s25 =	sadd.s32 $0xFFFFFFFC, s25;
	v5, _, _ =	vpop (xrf0);
	(v2sf) =	vpush v4, $0xF;
	s17 =	spop (v2sf)  }
0x29d: {  	s8 =	sand.u32 $0x3FD0, s8;
	s18 =	sand.u32 $0x3FE0, s18;
	(v2sf) =	vpush v5, $0xF;
	v4, _, _ =	vpop (xrf0);
	s19 =	spop (v2sf)  }
0x29e: {  	p1 =	slt.s32 s0, s22;
	v6 =	vld [tilespmem:s8+$0x10000];
	(v2sf) =	vpush v4, $0xF;
	s8 =	sadd.s32 s0, s17;
	s0 =	sadd.s32 $0x30, s30  }
.Ltmp16:
0x29f: {  	v4 =	vld [tilespmem:s18+$0x10000];
	p2 =	sge.s32 s8, s22;
	s18 =	sadd.s32 s19, s8;
	(pc) =	sbr.rel @p0 .LBB2_33-.Ltmp16, $4  }
0x2a0: {  	s0 =	sand.u32 $0x3FF0, s0;
	v7, _, _ =	vpop (xrf0);
	p1 =	por !p1, !p2;
	s17 =	spop (v2sf)  }
0x2a1: {  	s9 =	sadd.s32 s9, s18;
	p3 =	slt.s32 s18, s22;
	v5 =	vld [tilespmem:s0+$0x10000];
	(v2sf) =	vpush v7, $0xF;
	p1 =	por !p1, !p1  }
0x2a2: {  	p2 =	slt.s32 s8, s22;
	p4 =	sge.s32 s9, s22;
	s0 =	sadd.s32 s17, s9  }
0x2a3: {  	s23 =	smov.u32 @p1 s6;
	p3 =	por !p3, !p4;
	p4 =	sge.s32 s0, s22;
	(xrf0) =	vadd.scan.msk.s32 $0xffff, v6  }
0x2a4: {  	s6 =	sand.u32 $0x3FC0, s30  }
0x2a5: {  	v6 =	vld [tilespmem:s6+$0x10000]  }
0x2a6: {  	(xrf0) =	vadd.scan.msk.s32 $0xffff, v5  }
0x2a7: {  	(xrf0) =	vadd.scan.msk.s32 $0xffff, v4;
	_ =	sdelay $0x2  }
0x2a8: {  	p0 =	sge.s32 s18, s22;
	(xrf0) =	vadd.scan.msk.s32 $0xffff, v6  }
0x2a9: {  	s24 =	smov.u32 @p1 s2;
	p6 =	slt.s32 s9, s22;
	s17 =	sadd.s32 $0x3, s25;
	v4, _, _ =	vpop (xrf0)  }
0x2aa: {  	s19 =	sadd.s32 $0x2, s25;
	p0 =	por !p2, !p0;
	s6 =	spop (v2sf);
	(v2sf) =	vpush v4, $0xF;
	v5, _, _ =	vpop (xrf0)  }
0x2ab: {  	p2 =	por !p3, !p3;
	p0 =	por !p0, !p0;
	s20 =	spop (v2sf);
	(v2sf) =	vpush v5, $0xF;
	v4, _, _ =	vpop (xrf0)  }
0x2ac: {  	p1 =	por !p6, !p4;
	s24 =	smov.u32 @p0 s31;
	s29 =	spop (v2sf);
	(v2sf) =	vpush v4, $0xF  }
0x2ad: {  	s23 =	smov.u32 @p0 s8;
	p0 =	por !p1, !p1;
	s24 =	smov.u32 @p2 s28  }
0x2ae: {  	p3 =	slt.s32 s0, s22;
	s23 =	smov.u32 @p2 s18;
	s24 =	smov.u32 @p0 s26;
	v4, _, _ =	vpop (xrf0)  }
0x2af: {  	s23 =	smov.u32 @p0 s9;
	s2 =	sadd.s32 s0, s20;
	s30 =	spop (v2sf);
	(v2sf) =	vpush v4, $0xF  }
0x2b0: {  	s9 =	sadd.s32 $0x1, s25;
	s20 =	sadd.s32 $0xFFFFFFFC, s25;
	p4 =	sge.s32 s2, s22  }
0x2b1: {  	s8 =	sadd.s32 s29, s2;
	p2 =	slt.s32 s2, s22;
	p0 =	por !p3, !p4  }
0x2b2: {  	s6 =	sadd.s32 s6, s8;
	p5 =	slt.s32 s8, s22;
	p4 =	sge.s32 s8, s22  }
0x2b3: {  	p0 =	por !p0, !p0;
	p6 =	sge.s32 s6, s22;
	p2 =	por !p2, !p4  }
0x2b4: {  	s18 =	sadd.s32 s30, s6;
	s23 =	smov.u32 @p0 s0;
	p1 =	por !p5, !p6  }
0x2b5: {  	p5 =	slt.s32 s6, s22;
	s24 =	smov.u32 @p0 s17;
	p2 =	por !p2, !p2  }
0x2b6: {  	p6 =	sge.s32 s18, s22;
	p1 =	por !p1, !p1;
	s24 =	smov.u32 @p2 s19  }
0x2b7: {  	s23 =	smov.u32 @p2 s2;
	s2 =	sadd.s32 $0x3, s20;
	p6 =	por !p5, !p6  }
0x2b8: {  	s24 =	smov.u32 @p1 s9;
	s23 =	smov.u32 @p1 s8;
	s8 =	sadd.s32 $0x1, s20  }
0x2b9: {  	p1 =	slt.s32 s18, s22;
	p0 =	por !p6, !p6;
	s31 =	spop (v2sf)  }
0x2ba: {  	s9 =	sadd.s32 $0x2, s20;
	s24 =	smov.u32 @p0 s25;
	s19 =	spop (v2sf)  }
0x2bb: {  	s23 =	smov.u32 @p0 s6;
	s6 =	sadd.s32 s18, s19;
	s26 =	spop (v2sf)  }
0x2bc: {  	p2 =	sge.s32 s6, s22;
	s17 =	sadd.s32 s26, s6;
	p4 =	slt.s32 s6, s22  }
0x2bd: {  	p0 =	por !p1, !p2;
	s0 =	sadd.s32 s31, s17;
	p3 =	slt.s32 s17, s22  }
0x2be: {  	p6 =	sge.s32 s17, s22;
	s28 =	spop (v2sf);
	p0 =	por !p0, !p0  }
0x2bf: {  	p5 =	sge.s32 s0, s22;
	p2 =	por !p4, !p6;
	p6 =	slt.s32 s0, s22  }
0x2c0: {  	s19 =	sadd.s32 s28, s0;
	p1 =	por !p3, !p5;
	s24 =	smov.u32 @p0 s2  }
0x2c1: {  	p2 =	por !p2, !p2;
	s23 =	smov.u32 @p0 s18;
	p5 =	sge.s32 s19, s22  }
0x2c2: {  	p1 =	por !p1, !p1;
	s24 =	smov.u32 @p2 s9;
	p3 =	por !p6, !p5  }
0x2c3: {  	s23 =	smov.u32 @p2 s6;
	s24 =	smov.u32 @p1 s8;
	p0 =	por !p3, !p3  }
0x2c4: {  	s29 =	sshll.u32 s21, $0xA;
	s23 =	smov.u32 @p1 s17;
	s24 =	smov.u32 @p0 s20  }
0x2c5: {  	s23 =	smov.u32 @p0 s0;
	s2 =	sor.u32 s29, s24  }
0x2c6: {  	v11 =	vimm.s32 $0x0;
	s31 =	ssub.s32 s22, s23;
	s30 =	sxor.u32 $0x80000000, s2  }
0x2c7: {  	v12 =	vimm.s32 $0x0;
	s21 =	simm.s32 $0x0;
	s22 =	simm.s32 $0x0;
	v5 =	vmov s31;
	v4 =	vmov s30  }
.LBB2_35:
0x2c8: {  	s24 =	sshll.u32 s22, $0xF  }
0x2c9: {  	s0 =	sor.u32 s24, s5  }
0x2ca: {  	s25 =	sshrl.u32 s0, $0x3  }
0x2cb: {  	s23 =	sor.u32 $0x800, s25  }
0x2cc: {  	s31 =	sadd.s32 s1, s23  }
0x2cd: {  	[tilespmem:s10], [sflag:$0x2] =	stream.linear.gather [hbm4b:s31+s4], $0x4000, $0x38;
	[tilespmem:$0x18080] =	vst v63  }
0x2ce: {  	_ =	swait.ge [sflag:s11], $0x4000  }
0x2cf: {  	p0 =	seq.s32 s22, $0x0;
	s2 =	simm.s32 $0x0;
	[sflag:s11] =	ssyncset.done $0x0  }
0x2d0: {  	s6 =	simm.s32 $0x0;
	s0 =	simm.s32 @!p0 $0x3;
	[sflag:s11] =	ssyncadd.s32 $0xFFFFC000  }
0x2d1: {  	s8 =	sand.u32 $0xC00, s21;
	s2 =	sand.u32 $0x3000, s2;
	_ =	swait.ge @!p0 [sflag:s0], $0x4000  }
0x2d2: {  	s6 =	sand.u32 $0x380, s6;
	s2 =	sor.u32 s8, s2;
	[sflag:s0] =	ssyncset.done @!p0 $0x0  }
0x2d3: {  	s26 =	sor.u32 s6, s2;
	[sflag:s0] =	ssyncadd.s32 @!p0 $0xFFFFC000  }
0x2d4: {  	v6 =	vld [tilespmem:s26+$0x60]  }
0x2d5: {  	v7 =	vld [tilespmem:s26+$0x40]  }
0x2d6: {  	v8 =	vld [tilespmem:s26+$0x50]  }
0x2d7: {  	v9 =	vld [tilespmem:s26+$0x30]  }
0x2d8: {  	v13 =	vld [tilespmem:s26+$0x10];
	_ =	sdelay $0x2  }
0x2d9: {  	v16 =	vld [tilespmem:s26+$0x0]  }
0x2da: {  	v14 =	vshra.s32 v7, $0x1F;
	v15 =	vshra.s32 v6, $0x1F;
	v17 =	vshra.s32 v9, $0x1F  }
0x2db: {  	v18 =	vshra.s32 v8, $0x1F;
	v20 =	vshra.s32 v13, $0x1F;
	v15 =	vand.u32 $0x7FFFFFFF, v15  }
0x2dc: {  	v10 =	vld [tilespmem:s26+$0x20];
	v14 =	vand.u32 $0x7FFFFFFF, v14;
	v18 =	vand.u32 $0x7FFFFFFF, v18;
	v15 =	vxor.u32 v6, v15  }
0x2dd: {  	v6 =	vxor.u32 v7, v14;
	v7 =	vxor.u32 v8, v18;
	v8 =	vand.u32 $0x7FFFFFFF, v20  }
0x2de: {  	v14 =	vand.u32 $0x7FFFFFFF, v17;
	v17 =	vshra.s32 v16, $0x1F;
	v13 =	vxor.u32 v13, v8  }
0x2df: {  	v17 =	vand.u32 $0x7FFFFFFF, v17;
	vm4 =	veq.s32 v13, v4  }
0x2e0: {  	v8 =	vxor.u32 v9, v14;
	v16 =	vxor.u32 v16, v17;
	v9 =	vsel vm4, $0x1, v0  }
0x2e1: {  	v19 =	vshra.s32 v10, $0x1F;
	vm7 =	veq.s32 v16, v4;
	(xrf0) =	vadd.scan.msk.s32 $0xffff, v9  }
0x2e2: {  	v52 =	vand.u32 $0x7FFFFFFF, v19;
	vm0 =	vgt.s32 v15, v4;
	v14 =	vld [tilespmem:s26+$0x70];
	v9 =	vsel vm7, $0x1, v0  }
0x2e3: {  	vm1 =	veq.s32 v7, v4;
	vm3 =	veq.s32 v15, v4;
	vm5 =	veq.s32 v6, v4;
	(xrf0) =	vadd.scan.msk.s32 $0xffff, v9  }
0x2e4: {  	vm2 =	veq.s32 v8, v4;
	v17 =	vxor.u32 v10, v52;
	v53 =	vsel vm1, $0x1, v0  }
0x2e5: {  	vm6 =	veq.s32 v17, v4;
	v21 =	vsel vm2, $0x1, v0;
	v10 =	vmpcnt.ones.xlane vm7  }
0x2e6: {  	vm8 =	vgt.s32 v13, v4;
	v13 =	vmpcnt.ones.xlane vm4;
	v54 =	vsel vm6, $0x1, v0;
	(xrf0) =	vadd.scan.msk.s32 $0xffff, v21  }
0x2e7: {  	v22 =	vmpcnt.ones.xlane vm1;
	v9 =	vshra.s32 v14, $0x1F;
	v10 =	vadd.s32 v12, v10;
	(xrf0) =	vadd.scan.msk.s32 $0xffff, v54;
	v23, _, _ =	vpop (xrf0)  }
0x2e8: {  	v15 =	vand.u32 $0x7FFFFFFF, v9;
	v13 =	vadd.s32 v10, v13;
	v10 =	vadd.s32 v10, v23  }
0x2e9: {  	v56 =	vsel vm3, $0x1, v0;
	vm10 =	vle.s32 v10, v5;
	v10 =	vxor.u32 v14, v15;
	v14, _, _ =	vpop (xrf0)  }
0x2ea: {  	v58 =	vmpcnt.ones.xlane vm5;
	v57 =	vmpcnt.ones.xlane vm2;
	v14 =	vadd.s32 v12, v14  }
0x2eb: {  	vm9 =	vgt.s32 v16, v4;
	v16 =	vsel vm5, $0x1, v0;
	vm14 =	vgt.s32 v17, v4  }
0x2ec: {  	v55 =	vmpcnt.ones.xlane vm6;
	v9 =	vmpcnt.ones.xlane vm3;
	(xrf0) =	vadd.scan.msk.s32 $0xffff, v16;
	vm10 =	vmand vm4, vm10;
	v12, _, _ =	vpop (xrf0)  }
0x2ed: {  	(xrf0) =	vadd.scan.msk.s32 $0xffff, v56;
	vm4 =	veq.s32 v10, v4;
	vm11 =	vle.s32 v14, v5;
	vm8 =	vmor vm8, vm10;
	v14, _, _ =	vpop (xrf0)  }
0x2ee: {  	(xrf0) =	vadd.scan.msk.s32 $0xffff, v53;
	v16 =	vsel vm4, $0x1, v0;
	vm7 =	vmand vm7, vm11;
	v14 =	vadd.s32 v13, v14  }
0x2ef: {  	v17 =	vmpcnt.ones.xlane vm8;
	vm7 =	vmor vm9, vm7;
	vm15 =	vle.s32 v14, v5  }
0x2f0: {  	v63 =	vsel vm8, $0x3F800000, v3;
	v15 =	vmpcnt.ones.xlane vm7;
	vm6 =	vmand vm6, vm15  }
0x2f1: {  	v13 =	vadd.s32 v13, v55;
	v14 =	vsel vm7, $0x3F800000, v3;
	vm6 =	vmor vm14, vm6  }
0x2f2: {  	v60, _, _ =	vpop (xrf0);
	v59 =	vadd.s32 v13, v57;
	v11 =	vadd.s32 v11, v15;
	v15 =	vmpcnt.ones.xlane vm6  }
0x2f3: {  	v61, _, _ =	vpop (xrf0);
	v19 =	vadd.s32 v59, v60;
	v11 =	vadd.s32 v17, v11;
	v17 =	vadd.s32 v59, v58  }
0x2f4: {  	(xrf0) =	vadd.scan.msk.s32 $0xffff, v16;
	v62, _, _ =	vpop (xrf0);
	vm7 =	vle.s32 v19, v5;
	v11 =	vadd.s32 v15, v11;
	v15 =	vadd.s32 v17, v22  }
0x2f5: {  	[tilespmem:s26+$0x8000] =	vst v14;
	v14 =	vsel vm6, $0x3F800000, v3;
	v17 =	vadd.s32 v17, v62;
	v18 =	vadd.s32 v15, v61  }
0x2f6: {  	s28 =	simm.s32 $0x0;
	s29 =	simm.s32 $0x0;
	[tilespmem:s26+$0x8010] =	vst v63;
	vm7 =	vmand vm5, vm7;
	vm6 =	vle.s32 v17, v5;
	vm5 =	vle.s32 v18, v5  }
.LBB2_36:
0x2f7: {  	s28 =	sadd.s32 $0x8, s28;
	[tilespmem:s26+$0x8020] =	vst v14;
	v12 =	vadd.s32 v13, v12;
	vm9 =	vgt.s32 v7, v4;
	v7 =	vadd.s32 v15, v9;
	s29 =	sadd.s32 $0x400, s29  }
0x2f8: {  	vm10 =	vgt.s32 v8, v4;
	vm11 =	vgt.s32 v6, v4;
	s0 =	sshll.u32 s28, $0x4;
	s2 =	sshll.u32 s28, $0x2;
	p1 =	slt.u32 s28, $0x3F8;
	vm8 =	vle.s32 v12, v5  }
0x2f9: {  	v6 =	vmpcnt.ones.xlane vm4;
	s6 =	sand.u32 $0xC00, s29;
	s0 =	sand.u32 $0x3000, s0;
	s2 =	sand.u32 $0x380, s2;
	vm2 =	vmand vm2, vm8;
	vm8 =	vgt.s32 v10, v4  }
0x2fa: {  	vm1 =	vmand vm1, vm6;
	s0 =	sor.u32 s6, s0;
	vm10 =	vmor vm10, vm2;
	vm2 =	vmor vm11, vm7  }
0x2fb: {  	s0 =	sor.u32 s2, s0;
	v8 =	vsel vm10, $0x3F800000, v3;
	v9 =	vmpcnt.ones.xlane vm10;
	v10 =	vmpcnt.ones.xlane vm2;
	v12, _, _ =	vpop (xrf0)  }
0x2fc: {  	vm3 =	vmand vm3, vm5;
	vm1 =	vmor vm9, vm1;
	v13 =	vld [tilespmem:s0+$0x60];
	[tilespmem:s26+$0x8030] =	vst v8;
	v8 =	vadd.s32 v7, v12  }
0x2fd: {  	v12 =	vld [tilespmem:s0+$0x40];
	v9 =	vadd.s32 v9, v11;
	v11 =	vmpcnt.ones.xlane vm1;
	vm5 =	vle.s32 v8, v5  }
0x2fe: {  	vm0 =	vmor vm0, vm3;
	v8 =	vld [tilespmem:s0+$0x50];
	v9 =	vadd.s32 v10, v9;
	vm3 =	vmand vm4, vm5  }
0x2ff: {  	v10 =	vld [tilespmem:s0+$0x30];
	v9 =	vadd.s32 v11, v9;
	v11 =	vmpcnt.ones.xlane vm0;
	vm3 =	vmor vm8, vm3  }
0x300: {  	v15 =	vsel vm0, $0x3F800000, v3;
	v14 =	vld [tilespmem:s0+$0x20];
	v16 =	vsel vm3, $0x3F800000, v3;
	v17 =	vmpcnt.ones.xlane vm3  }
0x301: {  	v20 =	vsel vm1, $0x3F800000, v3;
	v19 =	vsel vm2, $0x3F800000, v3;
	v18 =	vld [tilespmem:s0+$0x10];
	v9 =	vadd.s32 v11, v9;
	[tilespmem:s26+$0x8070] =	vst v16  }
0x302: {  	v16 =	vshra.s32 v13, $0x1F;
	v11 =	vshra.s32 v12, $0x1F;
	[tilespmem:s26+$0x8060] =	vst v15;
	v15 =	vadd.s32 v17, v9  }
0x303: {  	v16 =	vand.u32 $0x7FFFFFFF, v16;
	v17 =	vadd.s32 v7, v6;
	v9 =	vld [tilespmem:s0+$0x0];
	v11 =	vand.u32 $0x7FFFFFFF, v11;
	[tilespmem:s26+$0x8040] =	vst v19  }
0x304: {  	v6 =	vshra.s32 v8, $0x1F;
	v13 =	vxor.u32 v13, v16;
	v19 =	vshra.s32 v10, $0x1F;
	[tilespmem:s26+$0x8050] =	vst v20;
	s26 =	smov.u32 s0  }
0x305: {  	v7 =	vand.u32 $0x7FFFFFFF, v6;
	vm0 =	vgt.s32 v13, v4;
	v16 =	vshra.s32 v14, $0x1F  }
0x306: {  	v6 =	vxor.u32 v12, v11;
	v7 =	vxor.u32 v8, v7;
	v20 =	vshra.s32 v18, $0x1F  }
0x307: {  	v11 =	vand.u32 $0x7FFFFFFF, v19;
	vm1 =	veq.s32 v7, v4;
	v8 =	vand.u32 $0x7FFFFFFF, v20  }
0x308: {  	v16 =	vand.u32 $0x7FFFFFFF, v16;
	v12 =	vshra.s32 v9, $0x1F;
	v18 =	vxor.u32 v18, v8  }
0x309: {  	v8 =	vxor.u32 v10, v11;
	v12 =	vand.u32 $0x7FFFFFFF, v12;
	vm4 =	veq.s32 v18, v4;
	v10 =	vld [tilespmem:s26+$0x70]  }
0x30a: {  	vm2 =	veq.s32 v8, v4;
	v11 =	vxor.u32 v9, v12;
	v9 =	vsel vm4, $0x1, v0  }
0x30b: {  	v14 =	vxor.u32 v14, v16;
	v16 =	vsel vm1, $0x1, v0;
	vm7 =	veq.s32 v11, v4;
	(xrf0) =	vadd.scan.msk.s32 $0xffff, v9  }
0x30c: {  	vm6 =	veq.s32 v14, v4;
	v9 =	vsel vm7, $0x1, v0;
	v12 =	vmpcnt.ones.xlane vm7  }
0x30d: {  	v19 =	vsel vm6, $0x1, v0;
	v20 =	vmpcnt.ones.xlane vm6;
	v21 =	vsel vm2, $0x1, v0;
	(xrf0) =	vadd.scan.msk.s32 $0xffff, v9  }
0x30e: {  	vm8 =	vgt.s32 v18, v4;
	v18 =	vmpcnt.ones.xlane vm1;
	v9 =	vshra.s32 v10, $0x1F;
	(xrf0) =	vadd.scan.msk.s32 $0xffff, v21  }
0x30f: {  	vm3 =	veq.s32 v13, v4;
	v21 =	vmpcnt.ones.xlane vm4;
	v13 =	vand.u32 $0x7FFFFFFF, v9;
	(xrf0) =	vadd.scan.msk.s32 $0xffff, v19  }
0x310: {  	v12 =	vadd.s32 v17, v12;
	v19 =	vsel vm3, $0x1, v0;
	v9 =	vmpcnt.ones.xlane vm3  }
0x311: {  	vm5 =	veq.s32 v6, v4;
	v22 =	vmpcnt.ones.xlane vm2;
	v21 =	vadd.s32 v12, v21;
	v23, _, _ =	vpop (xrf0)  }
0x312: {  	vm9 =	vgt.s32 v11, v4;
	v11 =	vadd.s32 v12, v23;
	v23 =	vsel vm5, $0x1, v0  }
0x313: {  	v10 =	vxor.u32 v10, v13;
	vm10 =	vle.s32 v11, v5;
	v11 =	vmpcnt.ones.xlane vm5;
	v13, _, _ =	vpop (xrf0);
	(xrf0) =	vadd.scan.msk.s32 $0xffff, v23  }
0x314: {  	v23 =	vadd.s32 v17, v13;
	vm10 =	vmand vm4, vm10;
	vm4 =	veq.s32 v10, v4;
	v12, _, _ =	vpop (xrf0)  }
0x315: {  	vm11 =	vle.s32 v23, v5;
	vm8 =	vmor vm8, vm10;
	v17 =	vsel vm4, $0x1, v0;
	v13, _, _ =	vpop (xrf0);
	(xrf0) =	vadd.scan.msk.s32 $0xffff, v19  }
0x316: {  	vm10 =	vgt.s32 v14, v4;
	vm7 =	vmand vm7, vm11;
	v13 =	vadd.s32 v21, v13;
	(xrf0) =	vadd.scan.msk.s32 $0xffff, v16  }
0x317: {  	vm7 =	vmor vm9, vm7;
	vm9 =	vle.s32 v13, v5;
	v13 =	vadd.s32 v21, v20  }
0x318: {  	v14 =	vsel vm7, $0x3F800000, v3;
	v16 =	vmpcnt.ones.xlane vm7;
	vm6 =	vmand vm6, vm9  }
0x319: {  	v19 =	vadd.s32 v13, v22;
	[tilespmem:s26+$0x8000] =	vst v14;
	v14 =	vmpcnt.ones.xlane vm8;
	vm6 =	vmor vm10, vm6;
	v20, _, _ =	vpop (xrf0)  }
.Ltmp17:
0x31a: {  	v15 =	vadd.s32 v15, v16;
	v22 =	vmpcnt.ones.xlane vm6;
	v21 =	vadd.s32 v19, v20;
	(pc) =	sbr.rel @p1 .LBB2_36-.Ltmp17, $4  }
0x31b: {  	v19 =	vadd.s32 v19, v11;
	v15 =	vadd.s32 v14, v15;
	vm7 =	vle.s32 v21, v5;
	v20, _, _ =	vpop (xrf0)  }
0x31c: {  	v14 =	vsel vm6, $0x3F800000, v3;
	v11 =	vadd.s32 v22, v15;
	v15 =	vadd.s32 v19, v18;
	v16, _, _ =	vpop (xrf0)  }
0x31d: {  	v18 =	vsel vm8, $0x3F800000, v3;
	v16 =	vadd.s32 v19, v16;
	v19 =	vadd.s32 v15, v20;
	(xrf0) =	vadd.scan.msk.s32 $0xffff, v17  }
0x31e: {  	vm7 =	vmand vm5, vm7;
	[tilespmem:s26+$0x8010] =	vst v18;
	vm6 =	vle.s32 v16, v5;
	vm5 =	vle.s32 v19, v5  }
0x31f: {  	_ =	sdelay $0x2  }
0x320: {  	v12 =	vadd.s32 v13, v12;
	vm8 =	vgt.s32 v7, v4  }
0x321: {  	v7 =	vadd.s32 v15, v9;
	vm9 =	vgt.s32 v8, v4;
	vm11 =	vgt.s32 v6, v4;
	v9, _, _ =	vpop (xrf0)  }
0x322: {  	vm14 =	vgt.s32 v10, v4;
	vm10 =	vle.s32 v12, v5;
	v8 =	vadd.s32 v7, v9  }
0x323: {  	vm3 =	vmand vm3, vm5;
	vm2 =	vmand vm2, vm10;
	vm13 =	vle.s32 v8, v5  }
0x324: {  	vm1 =	vmand vm1, vm6;
	vm2 =	vmor vm9, vm2;
	vm10 =	vmand vm4, vm13  }
0x325: {  	vm7 =	vmor vm11, vm7;
	v6 =	vsel vm2, $0x3F800000, v3;
	vm15 =	vmor vm14, vm10  }
0x326: {  	vm0 =	vmor vm0, vm3;
	[tilespmem:s26+$0x8030] =	vst v6;
	v8 =	vmpcnt.ones.xlane vm2;
	v6 =	vsel vm15, $0x3F800000, v3  }
0x327: {  	p1 =	sne.s32 s22, $0x7;
	vm1 =	vmor vm8, vm1;
	v9 =	vsel vm0, $0x3F800000, v3;
	[tilespmem:s26+$0x8070] =	vst v6;
	v6 =	vmpcnt.ones.xlane vm7  }
.Ltmp18:
0x328: {  	v10 =	vsel vm7, $0x3F800000, v3;
	[tilespmem:s26+$0x8060] =	vst v9;
	v9 =	vmpcnt.ones.xlane vm1;
	v8 =	vadd.s32 v8, v11;
	(pc) =	sbr.rel @p1 .LBB2_39-.Ltmp18, $4  }
0x329: {  	[tilespmem:s26+$0x8040] =	vst v10;
	v10 =	vmpcnt.ones.xlane vm4;
	v6 =	vadd.s32 v6, v8;
	v8 =	vmpcnt.ones.xlane vm0  }
0x32a: {  	[tilespmem:s26+$0x8020] =	vst v14;
	v11 =	vsel vm1, $0x3F800000, v3;
	v6 =	vadd.s32 v9, v6;
	v9 =	vmpcnt.ones.xlane vm15  }
0x32b: {  	s0 =	sadd.s32 s3, s25;
	[tilespmem:s26+$0x8050] =	vst v11;
	v6 =	vadd.s32 v8, v6  }
0x32c: {  	v12 =	vadd.s32 v7, v10;
	[hbm4b:s0+s4] =	stream.linear.scatter [tilespmem:s14], [sflag:$0x3], $0x4000, $0x38;
	v11 =	vadd.s32 v9, v6;
	[tilespmem:$0x18080] =	vst v63  }
.Ltmp19:
0x32d: {  	(pc) =	sbr.rel .LBB2_40-.Ltmp19, $4  }
0x32e: {  	_ = 	snop  }
0x32f: {  	_ =	swait.ge [sflag:s13], $0x4000  }
0x330: {  	[sflag:s13] =	ssyncset.done $0x0  }
0x331: {  	[sflag:s13] =	ssyncadd.s32 $0xFFFFC000  }
.LBB2_39:
0x332: {  	s0 =	sadd.s32 s24, s7  }
0x333: {  	s0 =	sshrl.u32 s0, $0x3  }
.Ltmp20:
0x334: {  	s0 =	sadd.s32 s1, s0;
	(pc) =	sbr.rel @p0 .LBB2_41-.Ltmp20, $4  }
0x335: {  	[tilespmem:s4], [sflag:$0x1] =	stream.linear.gather [hbm4b:s0+s4], $0x4000, $0x38;
	[tilespmem:$0x18080] =	vst v63  }
0x336: {  	_ =	swait.ge [sflag:s13], $0x4000  }
0x337: {  	[sflag:s13] =	ssyncset.done $0x0  }
0x338: {  	[sflag:s13] =	ssyncadd.s32 $0xFFFFC000  }
.LBB2_40:
0x339: {  	_ =	swait.ge [sflag:s15], $0x4000  }
0x33a: {  	[sflag:s15] =	ssyncset.done $0x0  }
0x33b: {  	[sflag:s15] =	ssyncadd.s32 $0xFFFFC000  }
.LBB2_41:
0x33c: {  	s25 =	simm.s32 $0x0;
	s0 =	simm.s32 $0x0  }
0x33d: {  	s2 =	simm.s32 $0x0;
	s0 =	sand.u32 $0x3000, s0;
	s6 =	sand.u32 $0xC00, s25  }
0x33e: {  	s2 =	sand.u32 $0x380, s2;
	s0 =	sor.u32 s6, s0  }
0x33f: {  	s24 =	sor.u32 s2, s0  }
0x340: {  	v6 =	vld [tilespmem:s24+$0x4060]  }
0x341: {  	v7 =	vld [tilespmem:s24+$0x4040]  }
0x342: {  	v8 =	vld [tilespmem:s24+$0x4050]  }
0x343: {  	v9 =	vld [tilespmem:s24+$0x4030]  }
0x344: {  	v13 =	vld [tilespmem:s24+$0x4010];
	_ =	sdelay $0x2  }
0x345: {  	v16 =	vld [tilespmem:s24+$0x4000]  }
0x346: {  	v14 =	vshra.s32 v7, $0x1F;
	v15 =	vshra.s32 v6, $0x1F;
	v17 =	vshra.s32 v9, $0x1F  }
0x347: {  	v18 =	vshra.s32 v8, $0x1F;
	v20 =	vshra.s32 v13, $0x1F;
	v15 =	vand.u32 $0x7FFFFFFF, v15  }
0x348: {  	v10 =	vld [tilespmem:s24+$0x4020];
	v14 =	vand.u32 $0x7FFFFFFF, v14;
	v18 =	vand.u32 $0x7FFFFFFF, v18;
	v15 =	vxor.u32 v6, v15  }
0x349: {  	v6 =	vxor.u32 v7, v14;
	v7 =	vxor.u32 v8, v18;
	v8 =	vand.u32 $0x7FFFFFFF, v20  }
0x34a: {  	v14 =	vand.u32 $0x7FFFFFFF, v17;
	v17 =	vshra.s32 v16, $0x1F;
	v13 =	vxor.u32 v13, v8  }
0x34b: {  	v17 =	vand.u32 $0x7FFFFFFF, v17;
	vm4 =	veq.s32 v13, v4  }
0x34c: {  	v8 =	vxor.u32 v9, v14;
	v16 =	vxor.u32 v16, v17;
	v9 =	vsel vm4, $0x1, v0  }
0x34d: {  	v19 =	vshra.s32 v10, $0x1F;
	vm7 =	veq.s32 v16, v4;
	(xrf0) =	vadd.scan.msk.s32 $0xffff, v9  }
0x34e: {  	v52 =	vand.u32 $0x7FFFFFFF, v19;
	vm0 =	vgt.s32 v15, v4;
	v14 =	vld [tilespmem:s24+$0x4070];
	v9 =	vsel vm7, $0x1, v0  }
0x34f: {  	vm1 =	veq.s32 v7, v4;
	vm3 =	veq.s32 v15, v4;
	vm5 =	veq.s32 v6, v4;
	(xrf0) =	vadd.scan.msk.s32 $0xffff, v9  }
0x350: {  	vm2 =	veq.s32 v8, v4;
	v17 =	vxor.u32 v10, v52;
	v53 =	vsel vm1, $0x1, v0  }
0x351: {  	vm6 =	veq.s32 v17, v4;
	v21 =	vsel vm2, $0x1, v0;
	v10 =	vmpcnt.ones.xlane vm7  }
0x352: {  	vm8 =	vgt.s32 v13, v4;
	v13 =	vmpcnt.ones.xlane vm4;
	v54 =	vsel vm6, $0x1, v0;
	(xrf0) =	vadd.scan.msk.s32 $0xffff, v21  }
0x353: {  	v22 =	vmpcnt.ones.xlane vm1;
	v9 =	vshra.s32 v14, $0x1F;
	v10 =	vadd.s32 v12, v10;
	(xrf0) =	vadd.scan.msk.s32 $0xffff, v54;
	v23, _, _ =	vpop (xrf0)  }
0x354: {  	v15 =	vand.u32 $0x7FFFFFFF, v9;
	v13 =	vadd.s32 v10, v13;
	v10 =	vadd.s32 v10, v23  }
0x355: {  	v56 =	vsel vm3, $0x1, v0;
	vm10 =	vle.s32 v10, v5;
	v10 =	vxor.u32 v14, v15;
	v14, _, _ =	vpop (xrf0)  }
0x356: {  	v58 =	vmpcnt.ones.xlane vm5;
	v57 =	vmpcnt.ones.xlane vm2;
	v14 =	vadd.s32 v12, v14  }
0x357: {  	vm9 =	vgt.s32 v16, v4;
	v16 =	vsel vm5, $0x1, v0;
	vm14 =	vgt.s32 v17, v4  }
0x358: {  	v55 =	vmpcnt.ones.xlane vm6;
	v9 =	vmpcnt.ones.xlane vm3;
	(xrf0) =	vadd.scan.msk.s32 $0xffff, v16;
	vm10 =	vmand vm4, vm10;
	v12, _, _ =	vpop (xrf0)  }
0x359: {  	(xrf0) =	vadd.scan.msk.s32 $0xffff, v56;
	vm4 =	veq.s32 v10, v4;
	vm11 =	vle.s32 v14, v5;
	vm8 =	vmor vm8, vm10;
	v14, _, _ =	vpop (xrf0)  }
0x35a: {  	(xrf0) =	vadd.scan.msk.s32 $0xffff, v53;
	v16 =	vsel vm4, $0x1, v0;
	vm7 =	vmand vm7, vm11;
	v14 =	vadd.s32 v13, v14  }
0x35b: {  	v17 =	vmpcnt.ones.xlane vm8;
	vm7 =	vmor vm9, vm7;
	vm15 =	vle.s32 v14, v5  }
0x35c: {  	v63 =	vsel vm8, $0x3F800000, v3;
	v15 =	vmpcnt.ones.xlane vm7;
	vm6 =	vmand vm6, vm15  }
0x35d: {  	v13 =	vadd.s32 v13, v55;
	v14 =	vsel vm7, $0x3F800000, v3;
	vm6 =	vmor vm14, vm6  }
0x35e: {  	v60, _, _ =	vpop (xrf0);
	v59 =	vadd.s32 v13, v57;
	v11 =	vadd.s32 v11, v15;
	v15 =	vmpcnt.ones.xlane vm6  }
0x35f: {  	v61, _, _ =	vpop (xrf0);
	v19 =	vadd.s32 v59, v60;
	v11 =	vadd.s32 v17, v11;
	v17 =	vadd.s32 v59, v58  }
0x360: {  	(xrf0) =	vadd.scan.msk.s32 $0xffff, v16;
	v62, _, _ =	vpop (xrf0);
	vm7 =	vle.s32 v19, v5;
	v11 =	vadd.s32 v15, v11;
	v15 =	vadd.s32 v17, v22  }
0x361: {  	[tilespmem:s24+$0xC000] =	vst v14;
	v14 =	vsel vm6, $0x3F800000, v3;
	v17 =	vadd.s32 v17, v62;
	v18 =	vadd.s32 v15, v61  }
0x362: {  	s22 =	sadd.s32 $0x1, s22;
	s26 =	simm.s32 $0x0;
	[tilespmem:s24+$0xC010] =	vst v63;
	vm7 =	vmand vm5, vm7;
	vm6 =	vle.s32 v17, v5;
	vm5 =	vle.s32 v18, v5  }
.LBB2_42:
0x363: {  	s26 =	sadd.s32 $0x8, s26;
	[tilespmem:s24+$0xC020] =	vst v14;
	v12 =	vadd.s32 v13, v12;
	vm9 =	vgt.s32 v7, v4;
	v7 =	vadd.s32 v15, v9;
	s25 =	sadd.s32 $0x400, s25  }
0x364: {  	vm10 =	vgt.s32 v8, v4;
	vm11 =	vgt.s32 v6, v4;
	s0 =	sshll.u32 s26, $0x4;
	s2 =	sshll.u32 s26, $0x2;
	p0 =	slt.u32 s26, $0x3F8;
	vm8 =	vle.s32 v12, v5  }
0x365: {  	v6 =	vmpcnt.ones.xlane vm4;
	s6 =	sand.u32 $0xC00, s25;
	s0 =	sand.u32 $0x3000, s0;
	s2 =	sand.u32 $0x380, s2;
	vm2 =	vmand vm2, vm8;
	vm8 =	vgt.s32 v10, v4  }
0x366: {  	vm1 =	vmand vm1, vm6;
	s0 =	sor.u32 s6, s0;
	vm10 =	vmor vm10, vm2;
	vm2 =	vmor vm11, vm7  }
0x367: {  	s0 =	sor.u32 s2, s0;
	v8 =	vsel vm10, $0x3F800000, v3;
	v9 =	vmpcnt.ones.xlane vm10;
	v10 =	vmpcnt.ones.xlane vm2;
	v12, _, _ =	vpop (xrf0)  }
0x368: {  	vm3 =	vmand vm3, vm5;
	vm1 =	vmor vm9, vm1;
	v13 =	vld [tilespmem:s0+$0x4060];
	[tilespmem:s24+$0xC030] =	vst v8;
	v8 =	vadd.s32 v7, v12  }
0x369: {  	v12 =	vld [tilespmem:s0+$0x4040];
	v9 =	vadd.s32 v9, v11;
	v11 =	vmpcnt.ones.xlane vm1;
	vm5 =	vle.s32 v8, v5  }
0x36a: {  	vm0 =	vmor vm0, vm3;
	v8 =	vld [tilespmem:s0+$0x4050];
	v9 =	vadd.s32 v10, v9;
	vm3 =	vmand vm4, vm5  }
0x36b: {  	v10 =	vld [tilespmem:s0+$0x4030];
	v9 =	vadd.s32 v11, v9;
	v11 =	vmpcnt.ones.xlane vm0;
	vm3 =	vmor vm8, vm3  }
0x36c: {  	v15 =	vsel vm0, $0x3F800000, v3;
	v14 =	vld [tilespmem:s0+$0x4020];
	v16 =	vsel vm3, $0x3F800000, v3;
	v17 =	vmpcnt.ones.xlane vm3  }
0x36d: {  	v20 =	vsel vm1, $0x3F800000, v3;
	v19 =	vsel vm2, $0x3F800000, v3;
	v18 =	vld [tilespmem:s0+$0x4010];
	v9 =	vadd.s32 v11, v9;
	[tilespmem:s24+$0xC070] =	vst v16  }
0x36e: {  	v16 =	vshra.s32 v13, $0x1F;
	v11 =	vshra.s32 v12, $0x1F;
	[tilespmem:s24+$0xC060] =	vst v15;
	v15 =	vadd.s32 v17, v9  }
0x36f: {  	v16 =	vand.u32 $0x7FFFFFFF, v16;
	v17 =	vadd.s32 v7, v6;
	v9 =	vld [tilespmem:s0+$0x4000];
	v11 =	vand.u32 $0x7FFFFFFF, v11;
	[tilespmem:s24+$0xC040] =	vst v19  }
0x370: {  	v6 =	vshra.s32 v8, $0x1F;
	v13 =	vxor.u32 v13, v16;
	v19 =	vshra.s32 v10, $0x1F;
	[tilespmem:s24+$0xC050] =	vst v20;
	s24 =	smov.u32 s0  }
0x371: {  	v7 =	vand.u32 $0x7FFFFFFF, v6;
	vm0 =	vgt.s32 v13, v4;
	v16 =	vshra.s32 v14, $0x1F  }
0x372: {  	v6 =	vxor.u32 v12, v11;
	v7 =	vxor.u32 v8, v7;
	v20 =	vshra.s32 v18, $0x1F  }
0x373: {  	v11 =	vand.u32 $0x7FFFFFFF, v19;
	vm1 =	veq.s32 v7, v4;
	v8 =	vand.u32 $0x7FFFFFFF, v20  }
0x374: {  	v16 =	vand.u32 $0x7FFFFFFF, v16;
	v12 =	vshra.s32 v9, $0x1F;
	v18 =	vxor.u32 v18, v8  }
0x375: {  	v8 =	vxor.u32 v10, v11;
	v12 =	vand.u32 $0x7FFFFFFF, v12;
	vm4 =	veq.s32 v18, v4;
	v10 =	vld [tilespmem:s24+$0x4070]  }
0x376: {  	vm2 =	veq.s32 v8, v4;
	v11 =	vxor.u32 v9, v12;
	v9 =	vsel vm4, $0x1, v0  }
0x377: {  	v14 =	vxor.u32 v14, v16;
	v16 =	vsel vm1, $0x1, v0;
	vm7 =	veq.s32 v11, v4;
	(xrf0) =	vadd.scan.msk.s32 $0xffff, v9  }
0x378: {  	vm6 =	veq.s32 v14, v4;
	v9 =	vsel vm7, $0x1, v0;
	v12 =	vmpcnt.ones.xlane vm7  }
0x379: {  	v19 =	vsel vm6, $0x1, v0;
	v20 =	vmpcnt.ones.xlane vm6;
	v21 =	vsel vm2, $0x1, v0;
	(xrf0) =	vadd.scan.msk.s32 $0xffff, v9  }
0x37a: {  	vm8 =	vgt.s32 v18, v4;
	v18 =	vmpcnt.ones.xlane vm1;
	v9 =	vshra.s32 v10, $0x1F;
	(xrf0) =	vadd.scan.msk.s32 $0xffff, v21  }
0x37b: {  	vm3 =	veq.s32 v13, v4;
	v21 =	vmpcnt.ones.xlane vm4;
	v13 =	vand.u32 $0x7FFFFFFF, v9;
	(xrf0) =	vadd.scan.msk.s32 $0xffff, v19  }
0x37c: {  	v12 =	vadd.s32 v17, v12;
	v19 =	vsel vm3, $0x1, v0;
	v9 =	vmpcnt.ones.xlane vm3  }
0x37d: {  	vm5 =	veq.s32 v6, v4;
	v22 =	vmpcnt.ones.xlane vm2;
	v21 =	vadd.s32 v12, v21;
	v23, _, _ =	vpop (xrf0)  }
0x37e: {  	vm9 =	vgt.s32 v11, v4;
	v11 =	vadd.s32 v12, v23;
	v23 =	vsel vm5, $0x1, v0  }
0x37f: {  	v10 =	vxor.u32 v10, v13;
	vm10 =	vle.s32 v11, v5;
	v11 =	vmpcnt.ones.xlane vm5;
	v13, _, _ =	vpop (xrf0);
	(xrf0) =	vadd.scan.msk.s32 $0xffff, v23  }
0x380: {  	v23 =	vadd.s32 v17, v13;
	vm10 =	vmand vm4, vm10;
	vm4 =	veq.s32 v10, v4;
	v12, _, _ =	vpop (xrf0)  }
0x381: {  	vm11 =	vle.s32 v23, v5;
	vm8 =	vmor vm8, vm10;
	v17 =	vsel vm4, $0x1, v0;
	v13, _, _ =	vpop (xrf0);
	(xrf0) =	vadd.scan.msk.s32 $0xffff, v19  }
0x382: {  	vm10 =	vgt.s32 v14, v4;
	vm7 =	vmand vm7, vm11;
	v13 =	vadd.s32 v21, v13;
	(xrf0) =	vadd.scan.msk.s32 $0xffff, v16  }
0x383: {  	vm7 =	vmor vm9, vm7;
	vm9 =	vle.s32 v13, v5;
	v13 =	vadd.s32 v21, v20  }
0x384: {  	v14 =	vsel vm7, $0x3F800000, v3;
	v16 =	vmpcnt.ones.xlane vm7;
	vm6 =	vmand vm6, vm9  }
0x385: {  	v19 =	vadd.s32 v13, v22;
	[tilespmem:s24+$0xC000] =	vst v14;
	v14 =	vmpcnt.ones.xlane vm8;
	vm6 =	vmor vm10, vm6;
	v20, _, _ =	vpop (xrf0)  }
.Ltmp21:
0x386: {  	v15 =	vadd.s32 v15, v16;
	v22 =	vmpcnt.ones.xlane vm6;
	v21 =	vadd.s32 v19, v20;
	(pc) =	sbr.rel @p0 .LBB2_42-.Ltmp21, $4  }
0x387: {  	v19 =	vadd.s32 v19, v11;
	v15 =	vadd.s32 v14, v15;
	vm7 =	vle.s32 v21, v5;
	v20, _, _ =	vpop (xrf0)  }
0x388: {  	v14 =	vsel vm6, $0x3F800000, v3;
	v11 =	vadd.s32 v22, v15;
	v15 =	vadd.s32 v19, v18;
	v16, _, _ =	vpop (xrf0)  }
0x389: {  	v18 =	vsel vm8, $0x3F800000, v3;
	v16 =	vadd.s32 v19, v16;
	v19 =	vadd.s32 v15, v20;
	(xrf0) =	vadd.scan.msk.s32 $0xffff, v17  }
0x38a: {  	vm7 =	vmand vm5, vm7;
	[tilespmem:s24+$0xC010] =	vst v18;
	vm6 =	vle.s32 v16, v5;
	vm5 =	vle.s32 v19, v5  }
0x38b: {  	_ =	sdelay $0x2  }
0x38c: {  	v12 =	vadd.s32 v13, v12;
	vm8 =	vgt.s32 v7, v4  }
0x38d: {  	v7 =	vadd.s32 v15, v9;
	vm9 =	vgt.s32 v8, v4;
	vm11 =	vgt.s32 v6, v4;
	v9, _, _ =	vpop (xrf0)  }
0x38e: {  	vm14 =	vgt.s32 v10, v4;
	vm10 =	vle.s32 v12, v5;
	v8 =	vadd.s32 v7, v9  }
0x38f: {  	vm3 =	vmand vm3, vm5;
	vm2 =	vmand vm2, vm10;
	vm13 =	vle.s32 v8, v5  }
0x390: {  	vm1 =	vmand vm1, vm6;
	vm2 =	vmor vm9, vm2;
	vm10 =	vmand vm4, vm13  }
0x391: {  	vm7 =	vmor vm11, vm7;
	v6 =	vsel vm2, $0x3F800000, v3;
	vm15 =	vmor vm14, vm10  }
0x392: {  	vm0 =	vmor vm0, vm3;
	[tilespmem:s24+$0xC030] =	vst v6;
	v8 =	vmpcnt.ones.xlane vm2;
	v6 =	vsel vm15, $0x3F800000, v3  }
0x393: {  	p0 =	sne.s32 s22, $0x8;
	vm1 =	vmor vm8, vm1;
	v9 =	vsel vm0, $0x3F800000, v3;
	[tilespmem:s24+$0xC070] =	vst v6;
	v6 =	vmpcnt.ones.xlane vm7  }
.Ltmp22:
0x394: {  	v10 =	vsel vm7, $0x3F800000, v3;
	[tilespmem:s24+$0xC060] =	vst v9;
	v9 =	vmpcnt.ones.xlane vm1;
	v8 =	vadd.s32 v8, v11;
	(pc) =	sbr.rel @p0 .LBB2_35-.Ltmp22, $4  }
0x395: {  	[tilespmem:s24+$0xC040] =	vst v10;
	v10 =	vmpcnt.ones.xlane vm4;
	v6 =	vadd.s32 v6, v8;
	v8 =	vmpcnt.ones.xlane vm0  }
0x396: {  	[tilespmem:s24+$0xC020] =	vst v14;
	v11 =	vsel vm1, $0x3F800000, v3;
	v6 =	vadd.s32 v9, v6;
	v9 =	vmpcnt.ones.xlane vm15  }
0x397: {  	s0 =	sadd.s32 s3, s23;
	[tilespmem:s24+$0xC050] =	vst v11;
	v6 =	vadd.s32 v8, v6  }
0x398: {  	v12 =	vadd.s32 v7, v10;
	[hbm4b:s0+s4] =	stream.linear.scatter [tilespmem:s16], [sflag:$0x4], $0x4000, $0x38;
	v11 =	vadd.s32 v9, v6;
	[tilespmem:$0x18080] =	vst v63  }
0x399: {  	s0 =	simm.s32 $0x3  }
0x39a: {  	_ =	swait.ge [sflag:s0], $0x4000  }
0x39b: {  	[sflag:s0] =	ssyncset.done $0x0  }
0x39c: {  	[sflag:s0] =	ssyncadd.s32 $0xFFFFC000  }
0x39d: {  	_ =	swait.ge [sflag:s15], $0x4000  }
0x39e: {  	v4 =	vcvt.s32.f32 v11;
	[sflag:s15] =	ssyncset.done $0x0  }
0x39f: {  	[sflag:s15] =	ssyncadd.s32 $0xFFFFC000  }
0x3a0: {  	s2 =	simm.s32 $0x18000;
	s30 =	simm.s32 $0x5;
	s29 =	rddreg [dreg:$0x5];
	[tilespmem:$0x18000] =	vst v4  }
0x3a1: {  	[hbm4b:s29+s4] =	stream.linear.scatter [tilespmem:s2], [sflag:$0x5], $0x80, $0x38;
	[tilespmem:$0x18080] =	vst v63  }
0x3a2: {  	_ =	swait.ge [sflag:s30], $0x80  }
0x3a3: {  	s8 =	rddreg [dreg:$0x7]  }
0x3a4: {  	s31 =	rddreg [dreg:$0x6];
	s8 =	sadd.s32 $0x1, s8  }
0x3a5: {  	p0 =	sne.s32 s8, s31  }
.Ltmp23:
0x3a6: {  	_ = 	snop;
	(pc) =	sbr.rel @p0 .LBB2_1-.Ltmp23, $3  }
0x3a7: {  	_ =	sdelay $0x1  }
0x3a8: {  	[sflag:s30] =	ssyncset.done $0x0  }
0x3a9: {  	s6 =	rddreg [dreg:$0x4];
	[sflag:s30] =	ssyncadd.s32 $0xFFFFFF80  }
0x3aa: {  	_ =	sfence.sel $0x180000  }
0x3ab: {  	[bflag:$0x0] =	sbarrier.arrive $0xFFFF  }
0x3ac: {  	_ =	strace $0x90000047  }
0x3ad: {  	s0 =	stileid.u32;
	[bflag:$0x2] =	sbarrier.arrive $0xFFFF  }
0x3ae: {  	p0 =	sne.s32 s0, $0x0;
	s0 =	rddreg [dreg:$0x3]  }
0x3af: {  	s0 =	sadd.s32 @!p0 $0x100000, s0  }
0x3b0: {  	[sflag:s0] =	ssyncadd.tile.s32 @!p0 $0x1;
	_ =	shalt  }
.Lfunc_end2:
_tile_overlayer_lowered:
.L_overlay_start_2:
0x3b1: {  	(tag) =	ssettag $0x2  }
0x3b2: {  	s0 =	rddreg [dreg:$0x0];
	s2 =	stileid.u32  }
0x3b3: {  	s1 =	rddreg [dreg:$0x1];
	p0 =	sne.s32 s2, $0x0  }
0x3b4: {  	s3 =	rddreg [dreg:$0x2];
	[bflag:$0x3] =	sbarrier.arrive $0xFFFF;
	s2 =	simm.s32 @!p0 $0x1C05  }
0x3b5: {  	[timem:s3], [sflag:s2] =	dma.local @!p0 [hbm:s0], s1  }
0x3b6: {  	s0 =	simm.s32 @!p0 $0x5  }
0x3b7: {  	_ =	swait.ge @!p0 [sflag:s0], s1  }
0x3b8: {  	s1 =	ssub.s32 @!p0 $0x0, s1;
	[sflag:s0] =	ssyncset.done @!p0 $0x0  }
0x3b9: {  	[sflag:s0] =	ssyncadd.s32 @!p0 s1  }
0x3ba: {  	[bflag:$0x3] =	sbarrier.arrive $0xFFFF  }
0x3bb: {  	_ =	shalt  }

</sc_bundles>
